<compile_context>
chip_gen: v7x
topology: tpu7x:2x2x1
jax: 0.10.2.dev20260603
libtpu: 0.0.44.dev20260713+nightly
codegen_flags: <defaults>
</compile_context>

<pallas_src>
import functools

import jax
import jax.numpy as jnp
from jax import lax
from jax.experimental import pallas as pl
from jax.experimental.pallas import tpu as pltpu
from jax.experimental.pallas import tpu_sc as plsc

_N = 10000
_E = 320000
_D = 128
_NC = 2
_NT = 16
_NW = _NC * _NT
_C = 128
_H = _C // 2
_IG = 16
_NGR = 5
_NCH = _IG * _NGR
_EPT = _NCH * _C
_EPAD = _NW * _EPT
_TR = 10016
_AR = 10240
_ZR = 16
_APT = _AR // _NT
_HR = 10224
_SP = 224


def _sc_aggregate(tbl, src4, dst4):
    mesh = plsc.VectorSubcoreMesh(core_axis_name="c", subcore_axis_name="s",
                                  num_cores=_NC, num_subcores=_NT)

    @functools.partial(
        pl.kernel,
        out_type=(
            jax.ShapeDtypeStruct((_NC, _AR, _D), jnp.float32),
            jax.ShapeDtypeStruct((_NW, _HR), jnp.float32),
        ),
        mesh=mesh,
        compiler_params=pltpu.CompilerParams(needs_layout_passes=False),
        scratch_types=(
            pltpu.VMEM_SHARED((_AR, _D), jnp.float32),
            pltpu.VMEM((_IG, _C), jnp.int32),
            pltpu.VMEM((_IG, _C), jnp.int32),
            pltpu.VMEM((_C, _D), jnp.float32),
            pltpu.VMEM((_C, _D), jnp.float32),
            pltpu.VMEM((_ZR, _D), jnp.float32),
            pltpu.VMEM((_HR,), jnp.float32),
            pltpu.SemaphoreType.DMA,
            pltpu.SemaphoreType.DMA,
            pltpu.SemaphoreType.DMA,
            pltpu.SemaphoreType.DMA,
        ),
    )
    def agg(tbl_h, src_h, dst_h, s_out, deg_out,
            s_acc, src_v, dst_v, gbuf0, gbuf1, zrows, hist,
            sg0, sg1, ss0, ss1):
        cid = lax.axis_index("c")
        sid = lax.axis_index("s")
        wid = cid * _NT + sid

        zv = jnp.zeros((16,), jnp.float32)

        def _zrow128(i, carry):
            for j in range(_D // 16):
                zrows[i, pl.ds(j * 16, 16)] = zv
            return carry

        lax.fori_loop(0, _ZR, _zrow128, 0)

        def _zhist(i, carry):
            hist[pl.ds(i * 16, 16)] = zv
            return carry

        lax.fori_loop(0, _HR // 16, _zhist, 0)

        abase = sid * _APT
        sems4 = (sg0, sg1, ss0, ss1)

        zd = [None, None, None, None]
        for k in range(_APT // _ZR):
            b = k & 3
            if k >= 4:
                zd[b].wait()
            zd[b] = pltpu.async_copy(
                zrows, s_acc.at[pl.ds(abase + k * _ZR, _ZR)], sems4[b])
        for b in range(4):
            zd[b].wait()
        plsc.subcore_barrier()

        ones16 = jnp.ones((16,), jnp.float32)
        bufs = (gbuf0, gbuf1)
        gsems = (sg0, sg1)
        ssems = (ss0, ss1)

        def _hist_count(j):
            def _deg(i, carry3):
                idx = dst_v[j, pl.ds(i * 16, 16)]
                plsc.addupdate_scatter(hist, [idx], ones16)
                return carry3

            lax.fori_loop(0, _C // 16, _deg, 0)

        def _group(g, carry):
            pltpu.sync_copy(src_h.at[cid, sid, pl.ds(g * _IG, _IG)], src_v)
            pltpu.sync_copy(dst_h.at[cid, sid, pl.ds(g * _IG, _IG)], dst_v)

            gd = [None, None]
            ge = [None, None]
            sd = [None, None]
            for step in range(_IG + 1):
                b = step & 1
                if step >= 2:
                    sd[b].wait()
                if step < _IG:
                    gd[b] = pltpu.async_copy(
                        tbl_h.at[src_v.at[step, pl.ds(0, _H)]],
                        bufs[b].at[pl.ds(0, _H)], gsems[b])
                    ge[b] = pltpu.async_copy(
                        tbl_h.at[src_v.at[step, pl.ds(_H, _H)]],
                        bufs[b].at[pl.ds(_H, _H)], gsems[b])
                if step >= 1:
                    j = step - 1
                    o = b ^ 1
                    gd[o].wait()
                    ge[o].wait()
                    sd[o] = pltpu.async_copy(
                        bufs[o], s_acc.at[dst_v.at[j]], ssems[o], add=True)
                    _hist_count(j)
            sd[(_IG - 1) & 1].wait()
            return carry

        lax.fori_loop(0, _NGR, _group, 0)
        plsc.subcore_barrier()

        pltpu.sync_copy(s_acc.at[pl.ds(abase, _APT)],
                        s_out.at[cid, pl.ds(abase, _APT)])
        pltpu.sync_copy(hist, deg_out.at[wid])

    return agg(tbl, src4, dst4)


def _tc_combine(feat, s, deg2, w_self, w_neigh, bias):
    bn = 2000
    grid = (_N // bn,)

    def body(feat_ref, s_ref, d_ref, ws_ref, wn_ref, b_ref, o_ref):
        deg = jnp.sum(d_ref[...], axis=1, keepdims=True)
        r = 1.0 / jnp.maximum(deg, 1.0)
        h = (s_ref[0] + s_ref[1]) * r
        acc = jnp.dot(feat_ref[...], ws_ref[...],
                      preferred_element_type=jnp.float32)
        acc += jnp.dot(h, wn_ref[...], preferred_element_type=jnp.float32)
        o_ref[...] = acc + b_ref[...]

    return pl.pallas_call(
        body,
        grid=grid,
        in_specs=[
            pl.BlockSpec((bn, _D), lambda i: (i, 0)),
            pl.BlockSpec((_NC, bn, _D), lambda i: (0, i, 0)),
            pl.BlockSpec((bn, _NW), lambda i: (i, 0)),
            pl.BlockSpec((_D, _D), lambda i: (0, 0)),
            pl.BlockSpec((_D, _D), lambda i: (0, 0)),
            pl.BlockSpec((1, _D), lambda i: (0, 0)),
        ],
        out_specs=pl.BlockSpec((bn, _D), lambda i: (i, 0)),
        out_shape=jax.ShapeDtypeStruct((_N, _D), jnp.float32),
    )(feat, s, deg2, w_self, w_neigh, bias)


def kernel(feat, edge_index, W_self, b_self, W_neigh, b_neigh):
    src = edge_index[0].astype(jnp.int32)
    dst = edge_index[1].astype(jnp.int32)

    tbl = jnp.zeros((_TR, _D), jnp.float32).at[:_N, :].set(feat)

    pad = _EPAD - _E
    spill = _N + jnp.arange(pad, dtype=jnp.int32) % _SP
    srcp = jnp.concatenate([src, jnp.full((pad,), _N, jnp.int32)])
    dstp = jnp.concatenate([dst, spill])
    src4 = srcp.reshape(_NC, _NT, _NCH, _C)
    dst4 = dstp.reshape(_NC, _NT, _NCH, _C)

    s, deg2 = _sc_aggregate(tbl, src4, dst4)
    bias = (b_self + b_neigh).reshape(1, _D)
    return _tc_combine(feat, s, deg2.T, W_self, W_neigh, bias)

# --- scband reference (transcript-rebuilt; emitter-appended) ---
"""Pipeline reference for scband-sageconv-26216480375294 (READ-ONLY COPY).

The authoritative reference and input builder live on the scoring server;
editing this copy changes nothing except your own understanding.
"""

import jax, jax.numpy as jnp
import numpy as np

N = 10000
E = 320000
D_IN = 128
D_OUT = 128

def setup_inputs(seed: int = 0) -> dict:
    key = jax.random.key(seed)
    k_feat, k_ei, k_ws, k_bs, k_wn, k_bn = jax.random.split(key, 6)
    feat = jax.random.normal(k_feat, (N, D_IN), dtype=jnp.float32)
    edge_index = jax.random.randint(k_ei, (2, E), 0, N, dtype=jnp.int64)
    gain = np.sqrt(2.0)  # relu gain used by xavier init in the module
    bound = gain * np.sqrt(6.0 / (D_IN + D_OUT))
    W_self = jax.random.uniform(k_ws, (D_IN, D_OUT), dtype=jnp.float32, minval=-bound, maxval=bound)
    W_neigh = jax.random.uniform(k_wn, (D_IN, D_OUT), dtype=jnp.float32, minval=-bound, maxval=bound)
    lin_bound = 1.0 / np.sqrt(D_IN)
    b_self = jax.random.uniform(k_bs, (D_OUT,), dtype=jnp.float32, minval=-lin_bound, maxval=lin_bound)
    b_neigh = jax.random.uniform(k_bn, (D_OUT,), dtype=jnp.float32, minval=-lin_bound, maxval=lin_bound)
    return {"feat": feat, "edge_index": edge_index, "W_self": W_self, "b_self": b_self, "W_neigh": W_neigh, "b_neigh": b_neigh}

def reference(feat, edge_index, W_self, b_self, W_neigh, b_neigh):
    # SAGEConv with aggregator_type='mean', feat_drop=0.0 (identity), no norm/activation.
    src = edge_index[0]
    dst = edge_index[1]
    h_self = feat
    # mean aggregation: gather source features along edges, segment-mean at destination
    msg = jnp.take(feat, src, axis=0)                      # gather [E, D_IN]
    summed = jax.ops.segment_sum(msg, dst, num_segments=N)  # scatter-add [N, D_IN]
    deg = jax.ops.segment_sum(jnp.ones((E,), dtype=feat.dtype), dst, num_segments=N)
    h_neigh = summed / jnp.maximum(deg, 1.0)[:, None]       # DGL mean yields 0 for isolated nodes
    rst = h_self @ W_self + b_self + h_neigh @ W_neigh + b_neigh
    return rst

if __name__ == "__main__":
    import jax
    _d = setup_inputs()
    print(jax.jit(kernel)(*tuple(_d.values())))

</pallas_src>

<mosaic_0001>
#map = affine_map<(d0, d1) -> (0, 0)>
#map1 = affine_map<(d0, d1) -> (0, 0, 0, 0)>
#map2 = affine_map<(d0, d1) -> (0, 0, 0)>
module attributes {stable_mosaic.version = 14 : i64} {
  func.func @agg(%arg0: i32, %arg1: i32, %arg2: memref<10016x128xf32, #tpu.memory_space<hbm>>, %arg3: memref<2x16x80x128xi32, #tpu.memory_space<hbm>>, %arg4: memref<2x16x80x128xi32, #tpu.memory_space<hbm>>, %arg5: memref<2x10240x128xf32, #tpu.memory_space<hbm>>, %arg6: memref<32x10224xf32, #tpu.memory_space<hbm>>, %arg7: memref<10240x128xf32, #tpu.memory_space<vmem_shared>>, %arg8: memref<16x128xi32, #tpu.memory_space<vmem>>, %arg9: memref<16x128xi32, #tpu.memory_space<vmem>>, %arg10: memref<128x128xf32, #tpu.memory_space<vmem>>, %arg11: memref<128x128xf32, #tpu.memory_space<vmem>>, %arg12: memref<16x128xf32, #tpu.memory_space<vmem>>, %arg13: memref<10224xf32, #tpu.memory_space<vmem>>, %arg14: memref<!tpu.dma_semaphore, #tpu.memory_space<semaphore_mem>>, %arg15: memref<!tpu.dma_semaphore, #tpu.memory_space<semaphore_mem>>, %arg16: memref<!tpu.dma_semaphore, #tpu.memory_space<semaphore_mem>>, %arg17: memref<!tpu.dma_semaphore, #tpu.memory_space<semaphore_mem>>) attributes {dimension_semantics = [#tpu.dimension_semantics<core_parallel>, #tpu.dimension_semantics<subcore_parallel>], iteration_bounds = array<i64: 2, 16>, scalar_prefetch = 0 : i64, scratch_operands = 11 : i64, tpu.core_type = #tpu.core_type<sc_vector_subcore>, window_params = [{transform_indices = #map}, {transform_indices = #map1}, {transform_indices = #map1}, {transform_indices = #map2}, {transform_indices = #map}]} {
    %mul3A = arith.constant 16 : i32
    %mul3A_0 = arith.muli %arg0, %mul3A : i32
    %add3A = arith.addi %mul3A_0, %arg1 : i32
    %broadcast_in_dim3A = arith.constant 0.000000e+00 : f32
    %broadcast_in_dim3A_1 = vector.broadcast %broadcast_in_dim3A : f32 to vector<16xf32>
    %scan3A = arith.constant 0 : i32
    %scan3A_2 = arith.constant 0 : i32
    %scan3A_3 = arith.constant 16 : i32
    %scan3A_4 = arith.addi %scan3A_2, %scan3A_3 : i32
    %scan3A_5 = arith.constant 1 : i32
    scf.for %scan3A_422 = %scan3A_2 to %scan3A_4 step %scan3A_5  : i32 {
      %swap3A = arith.index_cast %scan3A_422 : i32 to index
      %swap3A_423 = arith.constant 0 : index
      %swap3A_424 = tpu.vector_load %arg12[%swap3A, %swap3A_423] {strides = array<i32>} : memref<16x128xf32, #tpu.memory_space<vmem>>, vector<16xf32>,
      tpu.vector_store %arg12[%swap3A, %swap3A_423], %broadcast_in_dim3A_1 {strides = array<i32>} : memref<16x128xf32, #tpu.memory_space<vmem>>, vector<16xf32>,
      %swap3A_425 = arith.index_cast %scan3A_422 : i32 to index
      %swap3A_426 = arith.constant 16 : index
      %swap3A_427 = tpu.vector_load %arg12[%swap3A_425, %swap3A_426] {strides = array<i32>} : memref<16x128xf32, #tpu.memory_space<vmem>>, vector<16xf32>,
      tpu.vector_store %arg12[%swap3A_425, %swap3A_426], %broadcast_in_dim3A_1 {strides = array<i32>} : memref<16x128xf32, #tpu.memory_space<vmem>>, vector<16xf32>,
      %swap3A_428 = arith.index_cast %scan3A_422 : i32 to index
      %swap3A_429 = arith.constant 32 : index
      %swap3A_430 = tpu.vector_load %arg12[%swap3A_428, %swap3A_429] {strides = array<i32>} : memref<16x128xf32, #tpu.memory_space<vmem>>, vector<16xf32>,
      tpu.vector_store %arg12[%swap3A_428, %swap3A_429], %broadcast_in_dim3A_1 {strides = array<i32>} : memref<16x128xf32, #tpu.memory_space<vmem>>, vector<16xf32>,
      %swap3A_431 = arith.index_cast %scan3A_422 : i32 to index
      %swap3A_432 = arith.constant 48 : index
      %swap3A_433 = tpu.vector_load %arg12[%swap3A_431, %swap3A_432] {strides = array<i32>} : memref<16x128xf32, #tpu.memory_space<vmem>>, vector<16xf32>,
      tpu.vector_store %arg12[%swap3A_431, %swap3A_432], %broadcast_in_dim3A_1 {strides = array<i32>} : memref<16x128xf32, #tpu.memory_space<vmem>>, vector<16xf32>,
      %swap3A_434 = arith.index_cast %scan3A_422 : i32 to index
      %swap3A_435 = arith.constant 64 : index
      %swap3A_436 = tpu.vector_load %arg12[%swap3A_434, %swap3A_435] {strides = array<i32>} : memref<16x128xf32, #tpu.memory_space<vmem>>, vector<16xf32>,
      tpu.vector_store %arg12[%swap3A_434, %swap3A_435], %broadcast_in_dim3A_1 {strides = array<i32>} : memref<16x128xf32, #tpu.memory_space<vmem>>, vector<16xf32>,
      %swap3A_437 = arith.index_cast %scan3A_422 : i32 to index
      %swap3A_438 = arith.constant 80 : index
      %swap3A_439 = tpu.vector_load %arg12[%swap3A_437, %swap3A_438] {strides = array<i32>} : memref<16x128xf32, #tpu.memory_space<vmem>>, vector<16xf32>,
      tpu.vector_store %arg12[%swap3A_437, %swap3A_438], %broadcast_in_dim3A_1 {strides = array<i32>} : memref<16x128xf32, #tpu.memory_space<vmem>>, vector<16xf32>,
      %swap3A_440 = arith.index_cast %scan3A_422 : i32 to index
      %swap3A_441 = arith.constant 96 : index
      %swap3A_442 = tpu.vector_load %arg12[%swap3A_440, %swap3A_441] {strides = array<i32>} : memref<16x128xf32, #tpu.memory_space<vmem>>, vector<16xf32>,
      tpu.vector_store %arg12[%swap3A_440, %swap3A_441], %broadcast_in_dim3A_1 {strides = array<i32>} : memref<16x128xf32, #tpu.memory_space<vmem>>, vector<16xf32>,
      %swap3A_443 = arith.index_cast %scan3A_422 : i32 to index
      %swap3A_444 = arith.constant 112 : index
      %swap3A_445 = tpu.vector_load %arg12[%swap3A_443, %swap3A_444] {strides = array<i32>} : memref<16x128xf32, #tpu.memory_space<vmem>>, vector<16xf32>,
      tpu.vector_store %arg12[%swap3A_443, %swap3A_444], %broadcast_in_dim3A_1 {strides = array<i32>} : memref<16x128xf32, #tpu.memory_space<vmem>>, vector<16xf32>,
    }
    %scan3A_6 = arith.constant 16 : i32
    %scan3A_7 = arith.constant 0 : i32
    %scan3A_8 = arith.constant 0 : i32
    %scan3A_9 = arith.constant 639 : i32
    %scan3A_10 = arith.addi %scan3A_8, %scan3A_9 : i32
    %scan3A_11 = arith.constant 1 : i32
    scf.for %scan3A_422 = %scan3A_8 to %scan3A_10 step %scan3A_11  : i32 {
      %mul3A_423 = arith.constant 16 : i32
      %mul3A_424 = arith.muli %scan3A_422, %mul3A_423 : i32
      %swap3A = arith.index_cast %mul3A_424 : i32 to index
      %swap3A_425 = tpu.vector_load %arg13[%swap3A] {strides = array<i32>} : memref<10224xf32, #tpu.memory_space<vmem>>, vector<16xf32>,
      tpu.vector_store %arg13[%swap3A], %broadcast_in_dim3A_1 {strides = array<i32>} : memref<10224xf32, #tpu.memory_space<vmem>>, vector<16xf32>,
    }
    %scan3A_12 = arith.constant 639 : i32
    %mul3A_13 = arith.constant 640 : i32
    %mul3A_14 = arith.muli %arg1, %mul3A_13 : i32
    %add3A_15 = arith.constant 0 : i32
    %add3A_16 = arith.addi %mul3A_14, %add3A_15 : i32
    %dma_start3A = arith.constant 0 : i32
    %dma_start3A_17 = tpu.memref_slice %arg7[%add3A_16, %dma_start3A] : memref<10240x128xf32, #tpu.memory_space<vmem_shared>> -> memref<16x128xf32, #tpu.memory_space<vmem_shared>>
    %dma_start3A_18 = arith.constant 0 : i32
    %dma_start3A_19 = tpu.memref_slice %arg7[%add3A_16, %dma_start3A_18] : memref<10240x128xf32, #tpu.memory_space<vmem_shared>> -> memref<16x128xf32, #tpu.memory_space<vmem_shared>>
    tpu.enqueue_dma source(%arg12 : memref<16x128xf32, #tpu.memory_space<vmem>>) target(%dma_start3A_19 : memref<16x128xf32, #tpu.memory_space<vmem_shared>>) target_semaphore(%arg14 : memref<!tpu.dma_semaphore, #tpu.memory_space<semaphore_mem>>)
    %add3A_20 = arith.constant 16 : i32
    %add3A_21 = arith.addi %mul3A_14, %add3A_20 : i32
    %dma_start3A_22 = arith.constant 0 : i32
    %dma_start3A_23 = tpu.memref_slice %arg7[%add3A_21, %dma_start3A_22] : memref<10240x128xf32, #tpu.memory_space<vmem_shared>> -> memref<16x128xf32, #tpu.memory_space<vmem_shared>>
    %dma_start3A_24 = arith.constant 0 : i32
    %dma_start3A_25 = tpu.memref_slice %arg7[%add3A_21, %dma_start3A_24] : memref<10240x128xf32, #tpu.memory_space<vmem_shared>> -> memref<16x128xf32, #tpu.memory_space<vmem_shared>>
    tpu.enqueue_dma source(%arg12 : memref<16x128xf32, #tpu.memory_space<vmem>>) target(%dma_start3A_25 : memref<16x128xf32, #tpu.memory_space<vmem_shared>>) target_semaphore(%arg15 : memref<!tpu.dma_semaphore, #tpu.memory_space<semaphore_mem>>)
    %add3A_26 = arith.constant 32 : i32
    %add3A_27 = arith.addi %mul3A_14, %add3A_26 : i32
    %dma_start3A_28 = arith.constant 0 : i32
    %dma_start3A_29 = tpu.memref_slice %arg7[%add3A_27, %dma_start3A_28] : memref<10240x128xf32, #tpu.memory_space<vmem_shared>> -> memref<16x128xf32, #tpu.memory_space<vmem_shared>>
    %dma_start3A_30 = arith.constant 0 : i32
    %dma_start3A_31 = tpu.memref_slice %arg7[%add3A_27, %dma_start3A_30] : memref<10240x128xf32, #tpu.memory_space<vmem_shared>> -> memref<16x128xf32, #tpu.memory_space<vmem_shared>>
    tpu.enqueue_dma source(%arg12 : memref<16x128xf32, #tpu.memory_space<vmem>>) target(%dma_start3A_31 : memref<16x128xf32, #tpu.memory_space<vmem_shared>>) target_semaphore(%arg16 : memref<!tpu.dma_semaphore, #tpu.memory_space<semaphore_mem>>)
    %add3A_32 = arith.constant 48 : i32
    %add3A_33 = arith.addi %mul3A_14, %add3A_32 : i32
    %dma_start3A_34 = arith.constant 0 : i32
    %dma_start3A_35 = tpu.memref_slice %arg7[%add3A_33, %dma_start3A_34] : memref<10240x128xf32, #tpu.memory_space<vmem_shared>> -> memref<16x128xf32, #tpu.memory_space<vmem_shared>>
    %dma_start3A_36 = arith.constant 0 : i32
    %dma_start3A_37 = tpu.memref_slice %arg7[%add3A_33, %dma_start3A_36] : memref<10240x128xf32, #tpu.memory_space<vmem_shared>> -> memref<16x128xf32, #tpu.memory_space<vmem_shared>>
    tpu.enqueue_dma source(%arg12 : memref<16x128xf32, #tpu.memory_space<vmem>>) target(%dma_start3A_37 : memref<16x128xf32, #tpu.memory_space<vmem_shared>>) target_semaphore(%arg17 : memref<!tpu.dma_semaphore, #tpu.memory_space<semaphore_mem>>)
    %dma_wait3A = arith.constant 0 : i32
    %dma_wait3A_38 = tpu.memref_slice %arg7[%add3A_16, %dma_wait3A] : memref<10240x128xf32, #tpu.memory_space<vmem_shared>> -> memref<16x128xf32, #tpu.memory_space<vmem_shared>>
    %dma_wait3A_39 = arith.constant 0 : i32
    %dma_wait3A_40 = tpu.memref_slice %arg7[%add3A_16, %dma_wait3A_39] : memref<10240x128xf32, #tpu.memory_space<vmem_shared>> -> memref<16x128xf32, #tpu.memory_space<vmem_shared>>
    tpu.wait_dma2 semaphore(%arg14 : memref<!tpu.dma_semaphore, #tpu.memory_space<semaphore_mem>>) src(%arg12 : memref<16x128xf32, #tpu.memory_space<vmem>>) dst(%dma_wait3A_40 : memref<16x128xf32, #tpu.memory_space<vmem_shared>>)
    %add3A_41 = arith.constant 64 : i32
    %add3A_42 = arith.addi %mul3A_14, %add3A_41 : i32
    %dma_start3A_43 = arith.constant 0 : i32
    %dma_start3A_44 = tpu.memref_slice %arg7[%add3A_42, %dma_start3A_43] : memref<10240x128xf32, #tpu.memory_space<vmem_shared>> -> memref<16x128xf32, #tpu.memory_space<vmem_shared>>
    %dma_start3A_45 = arith.constant 0 : i32
    %dma_start3A_46 = tpu.memref_slice %arg7[%add3A_42, %dma_start3A_45] : memref<10240x128xf32, #tpu.memory_space<vmem_shared>> -> memref<16x128xf32, #tpu.memory_space<vmem_shared>>
    tpu.enqueue_dma source(%arg12 : memref<16x128xf32, #tpu.memory_space<vmem>>) target(%dma_start3A_46 : memref<16x128xf32, #tpu.memory_space<vmem_shared>>) target_semaphore(%arg14 : memref<!tpu.dma_semaphore, #tpu.memory_space<semaphore_mem>>)
    %dma_wait3A_47 = arith.constant 0 : i32
    %dma_wait3A_48 = tpu.memref_slice %arg7[%add3A_21, %dma_wait3A_47] : memref<10240x128xf32, #tpu.memory_space<vmem_shared>> -> memref<16x128xf32, #tpu.memory_space<vmem_shared>>
    %dma_wait3A_49 = arith.constant 0 : i32
    %dma_wait3A_50 = tpu.memref_slice %arg7[%add3A_21, %dma_wait3A_49] : memref<10240x128xf32, #tpu.memory_space<vmem_shared>> -> memref<16x128xf32, #tpu.memory_space<vmem_shared>>
    tpu.wait_dma2 semaphore(%arg15 : memref<!tpu.dma_semaphore, #tpu.memory_space<semaphore_mem>>) src(%arg12 : memref<16x128xf32, #tpu.memory_space<vmem>>) dst(%dma_wait3A_50 : memref<16x128xf32, #tpu.memory_space<vmem_shared>>)
    %add3A_51 = arith.constant 80 : i32
    %add3A_52 = arith.addi %mul3A_14, %add3A_51 : i32
    %dma_start3A_53 = arith.constant 0 : i32
    %dma_start3A_54 = tpu.memref_slice %arg7[%add3A_52, %dma_start3A_53] : memref<10240x128xf32, #tpu.memory_space<vmem_shared>> -> memref<16x128xf32, #tpu.memory_space<vmem_shared>>
    %dma_start3A_55 = arith.constant 0 : i32
    %dma_start3A_56 = tpu.memref_slice %arg7[%add3A_52, %dma_start3A_55] : memref<10240x128xf32, #tpu.memory_space<vmem_shared>> -> memref<16x128xf32, #tpu.memory_space<vmem_shared>>
    tpu.enqueue_dma source(%arg12 : memref<16x128xf32, #tpu.memory_space<vmem>>) target(%dma_start3A_56 : memref<16x128xf32, #tpu.memory_space<vmem_shared>>) target_semaphore(%arg15 : memref<!tpu.dma_semaphore, #tpu.memory_space<semaphore_mem>>)
    %dma_wait3A_57 = arith.constant 0 : i32
    %dma_wait3A_58 = tpu.memref_slice %arg7[%add3A_27, %dma_wait3A_57] : memref<10240x128xf32, #tpu.memory_space<vmem_shared>> -> memref<16x128xf32, #tpu.memory_space<vmem_shared>>
    %dma_wait3A_59 = arith.constant 0 : i32
    %dma_wait3A_60 = tpu.memref_slice %arg7[%add3A_27, %dma_wait3A_59] : memref<10240x128xf32, #tpu.memory_space<vmem_shared>> -> memref<16x128xf32, #tpu.memory_space<vmem_shared>>
    tpu.wait_dma2 semaphore(%arg16 : memref<!tpu.dma_semaphore, #tpu.memory_space<semaphore_mem>>) src(%arg12 : memref<16x128xf32, #tpu.memory_space<vmem>>) dst(%dma_wait3A_60 : memref<16x128xf32, #tpu.memory_space<vmem_shared>>)
    %add3A_61 = arith.constant 96 : i32
    %add3A_62 = arith.addi %mul3A_14, %add3A_61 : i32
    %dma_start3A_63 = arith.constant 0 : i32
    %dma_start3A_64 = tpu.memref_slice %arg7[%add3A_62, %dma_start3A_63] : memref<10240x128xf32, #tpu.memory_space<vmem_shared>> -> memref<16x128xf32, #tpu.memory_space<vmem_shared>>
    %dma_start3A_65 = arith.constant 0 : i32
    %dma_start3A_66 = tpu.memref_slice %arg7[%add3A_62, %dma_start3A_65] : memref<10240x128xf32, #tpu.memory_space<vmem_shared>> -> memref<16x128xf32, #tpu.memory_space<vmem_shared>>
    tpu.enqueue_dma source(%arg12 : memref<16x128xf32, #tpu.memory_space<vmem>>) target(%dma_start3A_66 : memref<16x128xf32, #tpu.memory_space<vmem_shared>>) target_semaphore(%arg16 : memref<!tpu.dma_semaphore, #tpu.memory_space<semaphore_mem>>)
    %dma_wait3A_67 = arith.constant 0 : i32
    %dma_wait3A_68 = tpu.memref_slice %arg7[%add3A_33, %dma_wait3A_67] : memref<10240x128xf32, #tpu.memory_space<vmem_shared>> -> memref<16x128xf32, #tpu.memory_space<vmem_shared>>
    %dma_wait3A_69 = arith.constant 0 : i32
    %dma_wait3A_70 = tpu.memref_slice %arg7[%add3A_33, %dma_wait3A_69] : memref<10240x128xf32, #tpu.memory_space<vmem_shared>> -> memref<16x128xf32, #tpu.memory_space<vmem_shared>>
    tpu.wait_dma2 semaphore(%arg17 : memref<!tpu.dma_semaphore, #tpu.memory_space<semaphore_mem>>) src(%arg12 : memref<16x128xf32, #tpu.memory_space<vmem>>) dst(%dma_wait3A_70 : memref<16x128xf32, #tpu.memory_space<vmem_shared>>)
    %add3A_71 = arith.constant 112 : i32
    %add3A_72 = arith.addi %mul3A_14, %add3A_71 : i32
    %dma_start3A_73 = arith.constant 0 : i32
    %dma_start3A_74 = tpu.memref_slice %arg7[%add3A_72, %dma_start3A_73] : memref<10240x128xf32, #tpu.memory_space<vmem_shared>> -> memref<16x128xf32, #tpu.memory_space<vmem_shared>>
    %dma_start3A_75 = arith.constant 0 : i32
    %dma_start3A_76 = tpu.memref_slice %arg7[%add3A_72, %dma_start3A_75] : memref<10240x128xf32, #tpu.memory_space<vmem_shared>> -> memref<16x128xf32, #tpu.memory_space<vmem_shared>>
    tpu.enqueue_dma source(%arg12 : memref<16x128xf32, #tpu.memory_space<vmem>>) target(%dma_start3A_76 : memref<16x128xf32, #tpu.memory_space<vmem_shared>>) target_semaphore(%arg17 : memref<!tpu.dma_semaphore, #tpu.memory_space<semaphore_mem>>)
    %dma_wait3A_77 = arith.constant 0 : i32
    %dma_wait3A_78 = tpu.memref_slice %arg7[%add3A_42, %dma_wait3A_77] : memref<10240x128xf32, #tpu.memory_space<vmem_shared>> -> memref<16x128xf32, #tpu.memory_space<vmem_shared>>
    %dma_wait3A_79 = arith.constant 0 : i32
    %dma_wait3A_80 = tpu.memref_slice %arg7[%add3A_42, %dma_wait3A_79] : memref<10240x128xf32, #tpu.memory_space<vmem_shared>> -> memref<16x128xf32, #tpu.memory_space<vmem_shared>>
    tpu.wait_dma2 semaphore(%arg14 : memref<!tpu.dma_semaphore, #tpu.memory_space<semaphore_mem>>) src(%arg12 : memref<16x128xf32, #tpu.memory_space<vmem>>) dst(%dma_wait3A_80 : memref<16x128xf32, #tpu.memory_space<vmem_shared>>)
    %add3A_81 = arith.constant 128 : i32
    %add3A_82 = arith.addi %mul3A_14, %add3A_81 : i32
    %dma_start3A_83 = arith.constant 0 : i32
    %dma_start3A_84 = tpu.memref_slice %arg7[%add3A_82, %dma_start3A_83] : memref<10240x128xf32, #tpu.memory_space<vmem_shared>> -> memref<16x128xf32, #tpu.memory_space<vmem_shared>>
    %dma_start3A_85 = arith.constant 0 : i32
    %dma_start3A_86 = tpu.memref_slice %arg7[%add3A_82, %dma_start3A_85] : memref<10240x128xf32, #tpu.memory_space<vmem_shared>> -> memref<16x128xf32, #tpu.memory_space<vmem_shared>>
    tpu.enqueue_dma source(%arg12 : memref<16x128xf32, #tpu.memory_space<vmem>>) target(%dma_start3A_86 : memref<16x128xf32, #tpu.memory_space<vmem_shared>>) target_semaphore(%arg14 : memref<!tpu.dma_semaphore, #tpu.memory_space<semaphore_mem>>)
    %dma_wait3A_87 = arith.constant 0 : i32
    %dma_wait3A_88 = tpu.memref_slice %arg7[%add3A_52, %dma_wait3A_87] : memref<10240x128xf32, #tpu.memory_space<vmem_shared>> -> memref<16x128xf32, #tpu.memory_space<vmem_shared>>
    %dma_wait3A_89 = arith.constant 0 : i32
    %dma_wait3A_90 = tpu.memref_slice %arg7[%add3A_52, %dma_wait3A_89] : memref<10240x128xf32, #tpu.memory_space<vmem_shared>> -> memref<16x128xf32, #tpu.memory_space<vmem_shared>>
    tpu.wait_dma2 semaphore(%arg15 : memref<!tpu.dma_semaphore, #tpu.memory_space<semaphore_mem>>) src(%arg12 : memref<16x128xf32, #tpu.memory_space<vmem>>) dst(%dma_wait3A_90 : memref<16x128xf32, #tpu.memory_space<vmem_shared>>)
    %add3A_91 = arith.constant 144 : i32
    %add3A_92 = arith.addi %mul3A_14, %add3A_91 : i32
    %dma_start3A_93 = arith.constant 0 : i32
    %dma_start3A_94 = tpu.memref_slice %arg7[%add3A_92, %dma_start3A_93] : memref<10240x128xf32, #tpu.memory_space<vmem_shared>> -> memref<16x128xf32, #tpu.memory_space<vmem_shared>>
    %dma_start3A_95 = arith.constant 0 : i32
    %dma_start3A_96 = tpu.memref_slice %arg7[%add3A_92, %dma_start3A_95] : memref<10240x128xf32, #tpu.memory_space<vmem_shared>> -> memref<16x128xf32, #tpu.memory_space<vmem_shared>>
    tpu.enqueue_dma source(%arg12 : memref<16x128xf32, #tpu.memory_space<vmem>>) target(%dma_start3A_96 : memref<16x128xf32, #tpu.memory_space<vmem_shared>>) target_semaphore(%arg15 : memref<!tpu.dma_semaphore, #tpu.memory_space<semaphore_mem>>)
    %dma_wait3A_97 = arith.constant 0 : i32
    %dma_wait3A_98 = tpu.memref_slice %arg7[%add3A_62, %dma_wait3A_97] : memref<10240x128xf32, #tpu.memory_space<vmem_shared>> -> memref<16x128xf32, #tpu.memory_space<vmem_shared>>
    %dma_wait3A_99 = arith.constant 0 : i32
    %dma_wait3A_100 = tpu.memref_slice %arg7[%add3A_62, %dma_wait3A_99] : memref<10240x128xf32, #tpu.memory_space<vmem_shared>> -> memref<16x128xf32, #tpu.memory_space<vmem_shared>>
    tpu.wait_dma2 semaphore(%arg16 : memref<!tpu.dma_semaphore, #tpu.memory_space<semaphore_mem>>) src(%arg12 : memref<16x128xf32, #tpu.memory_space<vmem>>) dst(%dma_wait3A_100 : memref<16x128xf32, #tpu.memory_space<vmem_shared>>)
    %add3A_101 = arith.constant 160 : i32
    %add3A_102 = arith.addi %mul3A_14, %add3A_101 : i32
    %dma_start3A_103 = arith.constant 0 : i32
    %dma_start3A_104 = tpu.memref_slice %arg7[%add3A_102, %dma_start3A_103] : memref<10240x128xf32, #tpu.memory_space<vmem_shared>> -> memref<16x128xf32, #tpu.memory_space<vmem_shared>>
    %dma_start3A_105 = arith.constant 0 : i32
    %dma_start3A_106 = tpu.memref_slice %arg7[%add3A_102, %dma_start3A_105] : memref<10240x128xf32, #tpu.memory_space<vmem_shared>> -> memref<16x128xf32, #tpu.memory_space<vmem_shared>>
    tpu.enqueue_dma source(%arg12 : memref<16x128xf32, #tpu.memory_space<vmem>>) target(%dma_start3A_106 : memref<16x128xf32, #tpu.memory_space<vmem_shared>>) target_semaphore(%arg16 : memref<!tpu.dma_semaphore, #tpu.memory_space<semaphore_mem>>)
    %dma_wait3A_107 = arith.constant 0 : i32
    %dma_wait3A_108 = tpu.memref_slice %arg7[%add3A_72, %dma_wait3A_107] : memref<10240x128xf32, #tpu.memory_space<vmem_shared>> -> memref<16x128xf32, #tpu.memory_space<vmem_shared>>
    %dma_wait3A_109 = arith.constant 0 : i32
    %dma_wait3A_110 = tpu.memref_slice %arg7[%add3A_72, %dma_wait3A_109] : memref<10240x128xf32, #tpu.memory_space<vmem_shared>> -> memref<16x128xf32, #tpu.memory_space<vmem_shared>>
    tpu.wait_dma2 semaphore(%arg17 : memref<!tpu.dma_semaphore, #tpu.memory_space<semaphore_mem>>) src(%arg12 : memref<16x128xf32, #tpu.memory_space<vmem>>) dst(%dma_wait3A_110 : memref<16x128xf32, #tpu.memory_space<vmem_shared>>)
    %add3A_111 = arith.constant 176 : i32
    %add3A_112 = arith.addi %mul3A_14, %add3A_111 : i32
    %dma_start3A_113 = arith.constant 0 : i32
    %dma_start3A_114 = tpu.memref_slice %arg7[%add3A_112, %dma_start3A_113] : memref<10240x128xf32, #tpu.memory_space<vmem_shared>> -> memref<16x128xf32, #tpu.memory_space<vmem_shared>>
    %dma_start3A_115 = arith.constant 0 : i32
    %dma_start3A_116 = tpu.memref_slice %arg7[%add3A_112, %dma_start3A_115] : memref<10240x128xf32, #tpu.memory_space<vmem_shared>> -> memref<16x128xf32, #tpu.memory_space<vmem_shared>>
    tpu.enqueue_dma source(%arg12 : memref<16x128xf32, #tpu.memory_space<vmem>>) target(%dma_start3A_116 : memref<16x128xf32, #tpu.memory_space<vmem_shared>>) target_semaphore(%arg17 : memref<!tpu.dma_semaphore, #tpu.memory_space<semaphore_mem>>)
    %dma_wait3A_117 = arith.constant 0 : i32
    %dma_wait3A_118 = tpu.memref_slice %arg7[%add3A_82, %dma_wait3A_117] : memref<10240x128xf32, #tpu.memory_space<vmem_shared>> -> memref<16x128xf32, #tpu.memory_space<vmem_shared>>
    %dma_wait3A_119 = arith.constant 0 : i32
    %dma_wait3A_120 = tpu.memref_slice %arg7[%add3A_82, %dma_wait3A_119] : memref<10240x128xf32, #tpu.memory_space<vmem_shared>> -> memref<16x128xf32, #tpu.memory_space<vmem_shared>>
    tpu.wait_dma2 semaphore(%arg14 : memref<!tpu.dma_semaphore, #tpu.memory_space<semaphore_mem>>) src(%arg12 : memref<16x128xf32, #tpu.memory_space<vmem>>) dst(%dma_wait3A_120 : memref<16x128xf32, #tpu.memory_space<vmem_shared>>)
    %add3A_121 = arith.constant 192 : i32
    %add3A_122 = arith.addi %mul3A_14, %add3A_121 : i32
    %dma_start3A_123 = arith.constant 0 : i32
    %dma_start3A_124 = tpu.memref_slice %arg7[%add3A_122, %dma_start3A_123] : memref<10240x128xf32, #tpu.memory_space<vmem_shared>> -> memref<16x128xf32, #tpu.memory_space<vmem_shared>>
    %dma_start3A_125 = arith.constant 0 : i32
    %dma_start3A_126 = tpu.memref_slice %arg7[%add3A_122, %dma_start3A_125] : memref<10240x128xf32, #tpu.memory_space<vmem_shared>> -> memref<16x128xf32, #tpu.memory_space<vmem_shared>>
    tpu.enqueue_dma source(%arg12 : memref<16x128xf32, #tpu.memory_space<vmem>>) target(%dma_start3A_126 : memref<16x128xf32, #tpu.memory_space<vmem_shared>>) target_semaphore(%arg14 : memref<!tpu.dma_semaphore, #tpu.memory_space<semaphore_mem>>)
    %dma_wait3A_127 = arith.constant 0 : i32
    %dma_wait3A_128 = tpu.memref_slice %arg7[%add3A_92, %dma_wait3A_127] : memref<10240x128xf32, #tpu.memory_space<vmem_shared>> -> memref<16x128xf32, #tpu.memory_space<vmem_shared>>
    %dma_wait3A_129 = arith.constant 0 : i32
    %dma_wait3A_130 = tpu.memref_slice %arg7[%add3A_92, %dma_wait3A_129] : memref<10240x128xf32, #tpu.memory_space<vmem_shared>> -> memref<16x128xf32, #tpu.memory_space<vmem_shared>>
    tpu.wait_dma2 semaphore(%arg15 : memref<!tpu.dma_semaphore, #tpu.memory_space<semaphore_mem>>) src(%arg12 : memref<16x128xf32, #tpu.memory_space<vmem>>) dst(%dma_wait3A_130 : memref<16x128xf32, #tpu.memory_space<vmem_shared>>)
    %add3A_131 = arith.constant 208 : i32
    %add3A_132 = arith.addi %mul3A_14, %add3A_131 : i32
    %dma_start3A_133 = arith.constant 0 : i32
    %dma_start3A_134 = tpu.memref_slice %arg7[%add3A_132, %dma_start3A_133] : memref<10240x128xf32, #tpu.memory_space<vmem_shared>> -> memref<16x128xf32, #tpu.memory_space<vmem_shared>>
    %dma_start3A_135 = arith.constant 0 : i32
    %dma_start3A_136 = tpu.memref_slice %arg7[%add3A_132, %dma_start3A_135] : memref<10240x128xf32, #tpu.memory_space<vmem_shared>> -> memref<16x128xf32, #tpu.memory_space<vmem_shared>>
    tpu.enqueue_dma source(%arg12 : memref<16x128xf32, #tpu.memory_space<vmem>>) target(%dma_start3A_136 : memref<16x128xf32, #tpu.memory_space<vmem_shared>>) target_semaphore(%arg15 : memref<!tpu.dma_semaphore, #tpu.memory_space<semaphore_mem>>)
    %dma_wait3A_137 = arith.constant 0 : i32
    %dma_wait3A_138 = tpu.memref_slice %arg7[%add3A_102, %dma_wait3A_137] : memref<10240x128xf32, #tpu.memory_space<vmem_shared>> -> memref<16x128xf32, #tpu.memory_space<vmem_shared>>
    %dma_wait3A_139 = arith.constant 0 : i32
    %dma_wait3A_140 = tpu.memref_slice %arg7[%add3A_102, %dma_wait3A_139] : memref<10240x128xf32, #tpu.memory_space<vmem_shared>> -> memref<16x128xf32, #tpu.memory_space<vmem_shared>>
    tpu.wait_dma2 semaphore(%arg16 : memref<!tpu.dma_semaphore, #tpu.memory_space<semaphore_mem>>) src(%arg12 : memref<16x128xf32, #tpu.memory_space<vmem>>) dst(%dma_wait3A_140 : memref<16x128xf32, #tpu.memory_space<vmem_shared>>)
    %add3A_141 = arith.constant 224 : i32
    %add3A_142 = arith.addi %mul3A_14, %add3A_141 : i32
    %dma_start3A_143 = arith.constant 0 : i32
    %dma_start3A_144 = tpu.memref_slice %arg7[%add3A_142, %dma_start3A_143] : memref<10240x128xf32, #tpu.memory_space<vmem_shared>> -> memref<16x128xf32, #tpu.memory_space<vmem_shared>>
    %dma_start3A_145 = arith.constant 0 : i32
    %dma_start3A_146 = tpu.memref_slice %arg7[%add3A_142, %dma_start3A_145] : memref<10240x128xf32, #tpu.memory_space<vmem_shared>> -> memref<16x128xf32, #tpu.memory_space<vmem_shared>>
    tpu.enqueue_dma source(%arg12 : memref<16x128xf32, #tpu.memory_space<vmem>>) target(%dma_start3A_146 : memref<16x128xf32, #tpu.memory_space<vmem_shared>>) target_semaphore(%arg16 : memref<!tpu.dma_semaphore, #tpu.memory_space<semaphore_mem>>)
    %dma_wait3A_147 = arith.constant 0 : i32
    %dma_wait3A_148 = tpu.memref_slice %arg7[%add3A_112, %dma_wait3A_147] : memref<10240x128xf32, #tpu.memory_space<vmem_shared>> -> memref<16x128xf32, #tpu.memory_space<vmem_shared>>
    %dma_wait3A_149 = arith.constant 0 : i32
    %dma_wait3A_150 = tpu.memref_slice %arg7[%add3A_112, %dma_wait3A_149] : memref<10240x128xf32, #tpu.memory_space<vmem_shared>> -> memref<16x128xf32, #tpu.memory_space<vmem_shared>>
    tpu.wait_dma2 semaphore(%arg17 : memref<!tpu.dma_semaphore, #tpu.memory_space<semaphore_mem>>) src(%arg12 : memref<16x128xf32, #tpu.memory_space<vmem>>) dst(%dma_wait3A_150 : memref<16x128xf32, #tpu.memory_space<vmem_shared>>)
    %add3A_151 = arith.constant 240 : i32
    %add3A_152 = arith.addi %mul3A_14, %add3A_151 : i32
    %dma_start3A_153 = arith.constant 0 : i32
    %dma_start3A_154 = tpu.memref_slice %arg7[%add3A_152, %dma_start3A_153] : memref<10240x128xf32, #tpu.memory_space<vmem_shared>> -> memref<16x128xf32, #tpu.memory_space<vmem_shared>>
    %dma_start3A_155 = arith.constant 0 : i32
    %dma_start3A_156 = tpu.memref_slice %arg7[%add3A_152, %dma_start3A_155] : memref<10240x128xf32, #tpu.memory_space<vmem_shared>> -> memref<16x128xf32, #tpu.memory_space<vmem_shared>>
    tpu.enqueue_dma source(%arg12 : memref<16x128xf32, #tpu.memory_space<vmem>>) target(%dma_start3A_156 : memref<16x128xf32, #tpu.memory_space<vmem_shared>>) target_semaphore(%arg17 : memref<!tpu.dma_semaphore, #tpu.memory_space<semaphore_mem>>)
    %dma_wait3A_157 = arith.constant 0 : i32
    %dma_wait3A_158 = tpu.memref_slice %arg7[%add3A_122, %dma_wait3A_157] : memref<10240x128xf32, #tpu.memory_space<vmem_shared>> -> memref<16x128xf32, #tpu.memory_space<vmem_shared>>
    %dma_wait3A_159 = arith.constant 0 : i32
    %dma_wait3A_160 = tpu.memref_slice %arg7[%add3A_122, %dma_wait3A_159] : memref<10240x128xf32, #tpu.memory_space<vmem_shared>> -> memref<16x128xf32, #tpu.memory_space<vmem_shared>>
    tpu.wait_dma2 semaphore(%arg14 : memref<!tpu.dma_semaphore, #tpu.memory_space<semaphore_mem>>) src(%arg12 : memref<16x128xf32, #tpu.memory_space<vmem>>) dst(%dma_wait3A_160 : memref<16x128xf32, #tpu.memory_space<vmem_shared>>)
    %add3A_161 = arith.constant 256 : i32
    %add3A_162 = arith.addi %mul3A_14, %add3A_161 : i32
    %dma_start3A_163 = arith.constant 0 : i32
    %dma_start3A_164 = tpu.memref_slice %arg7[%add3A_162, %dma_start3A_163] : memref<10240x128xf32, #tpu.memory_space<vmem_shared>> -> memref<16x128xf32, #tpu.memory_space<vmem_shared>>
    %dma_start3A_165 = arith.constant 0 : i32
    %dma_start3A_166 = tpu.memref_slice %arg7[%add3A_162, %dma_start3A_165] : memref<10240x128xf32, #tpu.memory_space<vmem_shared>> -> memref<16x128xf32, #tpu.memory_space<vmem_shared>>
    tpu.enqueue_dma source(%arg12 : memref<16x128xf32, #tpu.memory_space<vmem>>) target(%dma_start3A_166 : memref<16x128xf32, #tpu.memory_space<vmem_shared>>) target_semaphore(%arg14 : memref<!tpu.dma_semaphore, #tpu.memory_space<semaphore_mem>>)
    %dma_wait3A_167 = arith.constant 0 : i32
    %dma_wait3A_168 = tpu.memref_slice %arg7[%add3A_132, %dma_wait3A_167] : memref<10240x128xf32, #tpu.memory_space<vmem_shared>> -> memref<16x128xf32, #tpu.memory_space<vmem_shared>>
    %dma_wait3A_169 = arith.constant 0 : i32
    %dma_wait3A_170 = tpu.memref_slice %arg7[%add3A_132, %dma_wait3A_169] : memref<10240x128xf32, #tpu.memory_space<vmem_shared>> -> memref<16x128xf32, #tpu.memory_space<vmem_shared>>
    tpu.wait_dma2 semaphore(%arg15 : memref<!tpu.dma_semaphore, #tpu.memory_space<semaphore_mem>>) src(%arg12 : memref<16x128xf32, #tpu.memory_space<vmem>>) dst(%dma_wait3A_170 : memref<16x128xf32, #tpu.memory_space<vmem_shared>>)
    %add3A_171 = arith.constant 272 : i32
    %add3A_172 = arith.addi %mul3A_14, %add3A_171 : i32
    %dma_start3A_173 = arith.constant 0 : i32
    %dma_start3A_174 = tpu.memref_slice %arg7[%add3A_172, %dma_start3A_173] : memref<10240x128xf32, #tpu.memory_space<vmem_shared>> -> memref<16x128xf32, #tpu.memory_space<vmem_shared>>
    %dma_start3A_175 = arith.constant 0 : i32
    %dma_start3A_176 = tpu.memref_slice %arg7[%add3A_172, %dma_start3A_175] : memref<10240x128xf32, #tpu.memory_space<vmem_shared>> -> memref<16x128xf32, #tpu.memory_space<vmem_shared>>
    tpu.enqueue_dma source(%arg12 : memref<16x128xf32, #tpu.memory_space<vmem>>) target(%dma_start3A_176 : memref<16x128xf32, #tpu.memory_space<vmem_shared>>) target_semaphore(%arg15 : memref<!tpu.dma_semaphore, #tpu.memory_space<semaphore_mem>>)
    %dma_wait3A_177 = arith.constant 0 : i32
    %dma_wait3A_178 = tpu.memref_slice %arg7[%add3A_142, %dma_wait3A_177] : memref<10240x128xf32, #tpu.memory_space<vmem_shared>> -> memref<16x128xf32, #tpu.memory_space<vmem_shared>>
    %dma_wait3A_179 = arith.constant 0 : i32
    %dma_wait3A_180 = tpu.memref_slice %arg7[%add3A_142, %dma_wait3A_179] : memref<10240x128xf32, #tpu.memory_space<vmem_shared>> -> memref<16x128xf32, #tpu.memory_space<vmem_shared>>
    tpu.wait_dma2 semaphore(%arg16 : memref<!tpu.dma_semaphore, #tpu.memory_space<semaphore_mem>>) src(%arg12 : memref<16x128xf32, #tpu.memory_space<vmem>>) dst(%dma_wait3A_180 : memref<16x128xf32, #tpu.memory_space<vmem_shared>>)
    %add3A_181 = arith.constant 288 : i32
    %add3A_182 = arith.addi %mul3A_14, %add3A_181 : i32
    %dma_start3A_183 = arith.constant 0 : i32
    %dma_start3A_184 = tpu.memref_slice %arg7[%add3A_182, %dma_start3A_183] : memref<10240x128xf32, #tpu.memory_space<vmem_shared>> -> memref<16x128xf32, #tpu.memory_space<vmem_shared>>
    %dma_start3A_185 = arith.constant 0 : i32
    %dma_start3A_186 = tpu.memref_slice %arg7[%add3A_182, %dma_start3A_185] : memref<10240x128xf32, #tpu.memory_space<vmem_shared>> -> memref<16x128xf32, #tpu.memory_space<vmem_shared>>
    tpu.enqueue_dma source(%arg12 : memref<16x128xf32, #tpu.memory_space<vmem>>) target(%dma_start3A_186 : memref<16x128xf32, #tpu.memory_space<vmem_shared>>) target_semaphore(%arg16 : memref<!tpu.dma_semaphore, #tpu.memory_space<semaphore_mem>>)
    %dma_wait3A_187 = arith.constant 0 : i32
    %dma_wait3A_188 = tpu.memref_slice %arg7[%add3A_152, %dma_wait3A_187] : memref<10240x128xf32, #tpu.memory_space<vmem_shared>> -> memref<16x128xf32, #tpu.memory_space<vmem_shared>>
    %dma_wait3A_189 = arith.constant 0 : i32
    %dma_wait3A_190 = tpu.memref_slice %arg7[%add3A_152, %dma_wait3A_189] : memref<10240x128xf32, #tpu.memory_space<vmem_shared>> -> memref<16x128xf32, #tpu.memory_space<vmem_shared>>
    tpu.wait_dma2 semaphore(%arg17 : memref<!tpu.dma_semaphore, #tpu.memory_space<semaphore_mem>>) src(%arg12 : memref<16x128xf32, #tpu.memory_space<vmem>>) dst(%dma_wait3A_190 : memref<16x128xf32, #tpu.memory_space<vmem_shared>>)
    %add3A_191 = arith.constant 304 : i32
    %add3A_192 = arith.addi %mul3A_14, %add3A_191 : i32
    %dma_start3A_193 = arith.constant 0 : i32
    %dma_start3A_194 = tpu.memref_slice %arg7[%add3A_192, %dma_start3A_193] : memref<10240x128xf32, #tpu.memory_space<vmem_shared>> -> memref<16x128xf32, #tpu.memory_space<vmem_shared>>
    %dma_start3A_195 = arith.constant 0 : i32
    %dma_start3A_196 = tpu.memref_slice %arg7[%add3A_192, %dma_start3A_195] : memref<10240x128xf32, #tpu.memory_space<vmem_shared>> -> memref<16x128xf32, #tpu.memory_space<vmem_shared>>
    tpu.enqueue_dma source(%arg12 : memref<16x128xf32, #tpu.memory_space<vmem>>) target(%dma_start3A_196 : memref<16x128xf32, #tpu.memory_space<vmem_shared>>) target_semaphore(%arg17 : memref<!tpu.dma_semaphore, #tpu.memory_space<semaphore_mem>>)
    %dma_wait3A_197 = arith.constant 0 : i32
    %dma_wait3A_198 = tpu.memref_slice %arg7[%add3A_162, %dma_wait3A_197] : memref<10240x128xf32, #tpu.memory_space<vmem_shared>> -> memref<16x128xf32, #tpu.memory_space<vmem_shared>>
    %dma_wait3A_199 = arith.constant 0 : i32
    %dma_wait3A_200 = tpu.memref_slice %arg7[%add3A_162, %dma_wait3A_199] : memref<10240x128xf32, #tpu.memory_space<vmem_shared>> -> memref<16x128xf32, #tpu.memory_space<vmem_shared>>
    tpu.wait_dma2 semaphore(%arg14 : memref<!tpu.dma_semaphore, #tpu.memory_space<semaphore_mem>>) src(%arg12 : memref<16x128xf32, #tpu.memory_space<vmem>>) dst(%dma_wait3A_200 : memref<16x128xf32, #tpu.memory_space<vmem_shared>>)
    %add3A_201 = arith.constant 320 : i32
    %add3A_202 = arith.addi %mul3A_14, %add3A_201 : i32
    %dma_start3A_203 = arith.constant 0 : i32
    %dma_start3A_204 = tpu.memref_slice %arg7[%add3A_202, %dma_start3A_203] : memref<10240x128xf32, #tpu.memory_space<vmem_shared>> -> memref<16x128xf32, #tpu.memory_space<vmem_shared>>
    %dma_start3A_205 = arith.constant 0 : i32
    %dma_start3A_206 = tpu.memref_slice %arg7[%add3A_202, %dma_start3A_205] : memref<10240x128xf32, #tpu.memory_space<vmem_shared>> -> memref<16x128xf32, #tpu.memory_space<vmem_shared>>
    tpu.enqueue_dma source(%arg12 : memref<16x128xf32, #tpu.memory_space<vmem>>) target(%dma_start3A_206 : memref<16x128xf32, #tpu.memory_space<vmem_shared>>) target_semaphore(%arg14 : memref<!tpu.dma_semaphore, #tpu.memory_space<semaphore_mem>>)
    %dma_wait3A_207 = arith.constant 0 : i32
    %dma_wait3A_208 = tpu.memref_slice %arg7[%add3A_172, %dma_wait3A_207] : memref<10240x128xf32, #tpu.memory_space<vmem_shared>> -> memref<16x128xf32, #tpu.memory_space<vmem_shared>>
    %dma_wait3A_209 = arith.constant 0 : i32
    %dma_wait3A_210 = tpu.memref_slice %arg7[%add3A_172, %dma_wait3A_209] : memref<10240x128xf32, #tpu.memory_space<vmem_shared>> -> memref<16x128xf32, #tpu.memory_space<vmem_shared>>
    tpu.wait_dma2 semaphore(%arg15 : memref<!tpu.dma_semaphore, #tpu.memory_space<semaphore_mem>>) src(%arg12 : memref<16x128xf32, #tpu.memory_space<vmem>>) dst(%dma_wait3A_210 : memref<16x128xf32, #tpu.memory_space<vmem_shared>>)
    %add3A_211 = arith.constant 336 : i32
    %add3A_212 = arith.addi %mul3A_14, %add3A_211 : i32
    %dma_start3A_213 = arith.constant 0 : i32
    %dma_start3A_214 = tpu.memref_slice %arg7[%add3A_212, %dma_start3A_213] : memref<10240x128xf32, #tpu.memory_space<vmem_shared>> -> memref<16x128xf32, #tpu.memory_space<vmem_shared>>
    %dma_start3A_215 = arith.constant 0 : i32
    %dma_start3A_216 = tpu.memref_slice %arg7[%add3A_212, %dma_start3A_215] : memref<10240x128xf32, #tpu.memory_space<vmem_shared>> -> memref<16x128xf32, #tpu.memory_space<vmem_shared>>
    tpu.enqueue_dma source(%arg12 : memref<16x128xf32, #tpu.memory_space<vmem>>) target(%dma_start3A_216 : memref<16x128xf32, #tpu.memory_space<vmem_shared>>) target_semaphore(%arg15 : memref<!tpu.dma_semaphore, #tpu.memory_space<semaphore_mem>>)
    %dma_wait3A_217 = arith.constant 0 : i32
    %dma_wait3A_218 = tpu.memref_slice %arg7[%add3A_182, %dma_wait3A_217] : memref<10240x128xf32, #tpu.memory_space<vmem_shared>> -> memref<16x128xf32, #tpu.memory_space<vmem_shared>>
    %dma_wait3A_219 = arith.constant 0 : i32
    %dma_wait3A_220 = tpu.memref_slice %arg7[%add3A_182, %dma_wait3A_219] : memref<10240x128xf32, #tpu.memory_space<vmem_shared>> -> memref<16x128xf32, #tpu.memory_space<vmem_shared>>
    tpu.wait_dma2 semaphore(%arg16 : memref<!tpu.dma_semaphore, #tpu.memory_space<semaphore_mem>>) src(%arg12 : memref<16x128xf32, #tpu.memory_space<vmem>>) dst(%dma_wait3A_220 : memref<16x128xf32, #tpu.memory_space<vmem_shared>>)
    %add3A_221 = arith.constant 352 : i32
    %add3A_222 = arith.addi %mul3A_14, %add3A_221 : i32
    %dma_start3A_223 = arith.constant 0 : i32
    %dma_start3A_224 = tpu.memref_slice %arg7[%add3A_222, %dma_start3A_223] : memref<10240x128xf32, #tpu.memory_space<vmem_shared>> -> memref<16x128xf32, #tpu.memory_space<vmem_shared>>
    %dma_start3A_225 = arith.constant 0 : i32
    %dma_start3A_226 = tpu.memref_slice %arg7[%add3A_222, %dma_start3A_225] : memref<10240x128xf32, #tpu.memory_space<vmem_shared>> -> memref<16x128xf32, #tpu.memory_space<vmem_shared>>
    tpu.enqueue_dma source(%arg12 : memref<16x128xf32, #tpu.memory_space<vmem>>) target(%dma_start3A_226 : memref<16x128xf32, #tpu.memory_space<vmem_shared>>) target_semaphore(%arg16 : memref<!tpu.dma_semaphore, #tpu.memory_space<semaphore_mem>>)
    %dma_wait3A_227 = arith.constant 0 : i32
    %dma_wait3A_228 = tpu.memref_slice %arg7[%add3A_192, %dma_wait3A_227] : memref<10240x128xf32, #tpu.memory_space<vmem_shared>> -> memref<16x128xf32, #tpu.memory_space<vmem_shared>>
    %dma_wait3A_229 = arith.constant 0 : i32
    %dma_wait3A_230 = tpu.memref_slice %arg7[%add3A_192, %dma_wait3A_229] : memref<10240x128xf32, #tpu.memory_space<vmem_shared>> -> memref<16x128xf32, #tpu.memory_space<vmem_shared>>
    tpu.wait_dma2 semaphore(%arg17 : memref<!tpu.dma_semaphore, #tpu.memory_space<semaphore_mem>>) src(%arg12 : memref<16x128xf32, #tpu.memory_space<vmem>>) dst(%dma_wait3A_230 : memref<16x128xf32, #tpu.memory_space<vmem_shared>>)
    %add3A_231 = arith.constant 368 : i32
    %add3A_232 = arith.addi %mul3A_14, %add3A_231 : i32
    %dma_start3A_233 = arith.constant 0 : i32
    %dma_start3A_234 = tpu.memref_slice %arg7[%add3A_232, %dma_start3A_233] : memref<10240x128xf32, #tpu.memory_space<vmem_shared>> -> memref<16x128xf32, #tpu.memory_space<vmem_shared>>
    %dma_start3A_235 = arith.constant 0 : i32
    %dma_start3A_236 = tpu.memref_slice %arg7[%add3A_232, %dma_start3A_235] : memref<10240x128xf32, #tpu.memory_space<vmem_shared>> -> memref<16x128xf32, #tpu.memory_space<vmem_shared>>
    tpu.enqueue_dma source(%arg12 : memref<16x128xf32, #tpu.memory_space<vmem>>) target(%dma_start3A_236 : memref<16x128xf32, #tpu.memory_space<vmem_shared>>) target_semaphore(%arg17 : memref<!tpu.dma_semaphore, #tpu.memory_space<semaphore_mem>>)
    %dma_wait3A_237 = arith.constant 0 : i32
    %dma_wait3A_238 = tpu.memref_slice %arg7[%add3A_202, %dma_wait3A_237] : memref<10240x128xf32, #tpu.memory_space<vmem_shared>> -> memref<16x128xf32, #tpu.memory_space<vmem_shared>>
    %dma_wait3A_239 = arith.constant 0 : i32
    %dma_wait3A_240 = tpu.memref_slice %arg7[%add3A_202, %dma_wait3A_239] : memref<10240x128xf32, #tpu.memory_space<vmem_shared>> -> memref<16x128xf32, #tpu.memory_space<vmem_shared>>
    tpu.wait_dma2 semaphore(%arg14 : memref<!tpu.dma_semaphore, #tpu.memory_space<semaphore_mem>>) src(%arg12 : memref<16x128xf32, #tpu.memory_space<vmem>>) dst(%dma_wait3A_240 : memref<16x128xf32, #tpu.memory_space<vmem_shared>>)
    %add3A_241 = arith.constant 384 : i32
    %add3A_242 = arith.addi %mul3A_14, %add3A_241 : i32
    %dma_start3A_243 = arith.constant 0 : i32
    %dma_start3A_244 = tpu.memref_slice %arg7[%add3A_242, %dma_start3A_243] : memref<10240x128xf32, #tpu.memory_space<vmem_shared>> -> memref<16x128xf32, #tpu.memory_space<vmem_shared>>
    %dma_start3A_245 = arith.constant 0 : i32
    %dma_start3A_246 = tpu.memref_slice %arg7[%add3A_242, %dma_start3A_245] : memref<10240x128xf32, #tpu.memory_space<vmem_shared>> -> memref<16x128xf32, #tpu.memory_space<vmem_shared>>
    tpu.enqueue_dma source(%arg12 : memref<16x128xf32, #tpu.memory_space<vmem>>) target(%dma_start3A_246 : memref<16x128xf32, #tpu.memory_space<vmem_shared>>) target_semaphore(%arg14 : memref<!tpu.dma_semaphore, #tpu.memory_space<semaphore_mem>>)
    %dma_wait3A_247 = arith.constant 0 : i32
    %dma_wait3A_248 = tpu.memref_slice %arg7[%add3A_212, %dma_wait3A_247] : memref<10240x128xf32, #tpu.memory_space<vmem_shared>> -> memref<16x128xf32, #tpu.memory_space<vmem_shared>>
    %dma_wait3A_249 = arith.constant 0 : i32
    %dma_wait3A_250 = tpu.memref_slice %arg7[%add3A_212, %dma_wait3A_249] : memref<10240x128xf32, #tpu.memory_space<vmem_shared>> -> memref<16x128xf32, #tpu.memory_space<vmem_shared>>
    tpu.wait_dma2 semaphore(%arg15 : memref<!tpu.dma_semaphore, #tpu.memory_space<semaphore_mem>>) src(%arg12 : memref<16x128xf32, #tpu.memory_space<vmem>>) dst(%dma_wait3A_250 : memref<16x128xf32, #tpu.memory_space<vmem_shared>>)
    %add3A_251 = arith.constant 400 : i32
    %add3A_252 = arith.addi %mul3A_14, %add3A_251 : i32
    %dma_start3A_253 = arith.constant 0 : i32
    %dma_start3A_254 = tpu.memref_slice %arg7[%add3A_252, %dma_start3A_253] : memref<10240x128xf32, #tpu.memory_space<vmem_shared>> -> memref<16x128xf32, #tpu.memory_space<vmem_shared>>
    %dma_start3A_255 = arith.constant 0 : i32
    %dma_start3A_256 = tpu.memref_slice %arg7[%add3A_252, %dma_start3A_255] : memref<10240x128xf32, #tpu.memory_space<vmem_shared>> -> memref<16x128xf32, #tpu.memory_space<vmem_shared>>
    tpu.enqueue_dma source(%arg12 : memref<16x128xf32, #tpu.memory_space<vmem>>) target(%dma_start3A_256 : memref<16x128xf32, #tpu.memory_space<vmem_shared>>) target_semaphore(%arg15 : memref<!tpu.dma_semaphore, #tpu.memory_space<semaphore_mem>>)
    %dma_wait3A_257 = arith.constant 0 : i32
    %dma_wait3A_258 = tpu.memref_slice %arg7[%add3A_222, %dma_wait3A_257] : memref<10240x128xf32, #tpu.memory_space<vmem_shared>> -> memref<16x128xf32, #tpu.memory_space<vmem_shared>>
    %dma_wait3A_259 = arith.constant 0 : i32
    %dma_wait3A_260 = tpu.memref_slice %arg7[%add3A_222, %dma_wait3A_259] : memref<10240x128xf32, #tpu.memory_space<vmem_shared>> -> memref<16x128xf32, #tpu.memory_space<vmem_shared>>
    tpu.wait_dma2 semaphore(%arg16 : memref<!tpu.dma_semaphore, #tpu.memory_space<semaphore_mem>>) src(%arg12 : memref<16x128xf32, #tpu.memory_space<vmem>>) dst(%dma_wait3A_260 : memref<16x128xf32, #tpu.memory_space<vmem_shared>>)
    %add3A_261 = arith.constant 416 : i32
    %add3A_262 = arith.addi %mul3A_14, %add3A_261 : i32
    %dma_start3A_263 = arith.constant 0 : i32
    %dma_start3A_264 = tpu.memref_slice %arg7[%add3A_262, %dma_start3A_263] : memref<10240x128xf32, #tpu.memory_space<vmem_shared>> -> memref<16x128xf32, #tpu.memory_space<vmem_shared>>
    %dma_start3A_265 = arith.constant 0 : i32
    %dma_start3A_266 = tpu.memref_slice %arg7[%add3A_262, %dma_start3A_265] : memref<10240x128xf32, #tpu.memory_space<vmem_shared>> -> memref<16x128xf32, #tpu.memory_space<vmem_shared>>
    tpu.enqueue_dma source(%arg12 : memref<16x128xf32, #tpu.memory_space<vmem>>) target(%dma_start3A_266 : memref<16x128xf32, #tpu.memory_space<vmem_shared>>) target_semaphore(%arg16 : memref<!tpu.dma_semaphore, #tpu.memory_space<semaphore_mem>>)
    %dma_wait3A_267 = arith.constant 0 : i32
    %dma_wait3A_268 = tpu.memref_slice %arg7[%add3A_232, %dma_wait3A_267] : memref<10240x128xf32, #tpu.memory_space<vmem_shared>> -> memref<16x128xf32, #tpu.memory_space<vmem_shared>>
    %dma_wait3A_269 = arith.constant 0 : i32
    %dma_wait3A_270 = tpu.memref_slice %arg7[%add3A_232, %dma_wait3A_269] : memref<10240x128xf32, #tpu.memory_space<vmem_shared>> -> memref<16x128xf32, #tpu.memory_space<vmem_shared>>
    tpu.wait_dma2 semaphore(%arg17 : memref<!tpu.dma_semaphore, #tpu.memory_space<semaphore_mem>>) src(%arg12 : memref<16x128xf32, #tpu.memory_space<vmem>>) dst(%dma_wait3A_270 : memref<16x128xf32, #tpu.memory_space<vmem_shared>>)
    %add3A_271 = arith.constant 432 : i32
    %add3A_272 = arith.addi %mul3A_14, %add3A_271 : i32
    %dma_start3A_273 = arith.constant 0 : i32
    %dma_start3A_274 = tpu.memref_slice %arg7[%add3A_272, %dma_start3A_273] : memref<10240x128xf32, #tpu.memory_space<vmem_shared>> -> memref<16x128xf32, #tpu.memory_space<vmem_shared>>
    %dma_start3A_275 = arith.constant 0 : i32
    %dma_start3A_276 = tpu.memref_slice %arg7[%add3A_272, %dma_start3A_275] : memref<10240x128xf32, #tpu.memory_space<vmem_shared>> -> memref<16x128xf32, #tpu.memory_space<vmem_shared>>
    tpu.enqueue_dma source(%arg12 : memref<16x128xf32, #tpu.memory_space<vmem>>) target(%dma_start3A_276 : memref<16x128xf32, #tpu.memory_space<vmem_shared>>) target_semaphore(%arg17 : memref<!tpu.dma_semaphore, #tpu.memory_space<semaphore_mem>>)
    %dma_wait3A_277 = arith.constant 0 : i32
    %dma_wait3A_278 = tpu.memref_slice %arg7[%add3A_242, %dma_wait3A_277] : memref<10240x128xf32, #tpu.memory_space<vmem_shared>> -> memref<16x128xf32, #tpu.memory_space<vmem_shared>>
    %dma_wait3A_279 = arith.constant 0 : i32
    %dma_wait3A_280 = tpu.memref_slice %arg7[%add3A_242, %dma_wait3A_279] : memref<10240x128xf32, #tpu.memory_space<vmem_shared>> -> memref<16x128xf32, #tpu.memory_space<vmem_shared>>
    tpu.wait_dma2 semaphore(%arg14 : memref<!tpu.dma_semaphore, #tpu.memory_space<semaphore_mem>>) src(%arg12 : memref<16x128xf32, #tpu.memory_space<vmem>>) dst(%dma_wait3A_280 : memref<16x128xf32, #tpu.memory_space<vmem_shared>>)
    %add3A_281 = arith.constant 448 : i32
    %add3A_282 = arith.addi %mul3A_14, %add3A_281 : i32
    %dma_start3A_283 = arith.constant 0 : i32
    %dma_start3A_284 = tpu.memref_slice %arg7[%add3A_282, %dma_start3A_283] : memref<10240x128xf32, #tpu.memory_space<vmem_shared>> -> memref<16x128xf32, #tpu.memory_space<vmem_shared>>
    %dma_start3A_285 = arith.constant 0 : i32
    %dma_start3A_286 = tpu.memref_slice %arg7[%add3A_282, %dma_start3A_285] : memref<10240x128xf32, #tpu.memory_space<vmem_shared>> -> memref<16x128xf32, #tpu.memory_space<vmem_shared>>
    tpu.enqueue_dma source(%arg12 : memref<16x128xf32, #tpu.memory_space<vmem>>) target(%dma_start3A_286 : memref<16x128xf32, #tpu.memory_space<vmem_shared>>) target_semaphore(%arg14 : memref<!tpu.dma_semaphore, #tpu.memory_space<semaphore_mem>>)
    %dma_wait3A_287 = arith.constant 0 : i32
    %dma_wait3A_288 = tpu.memref_slice %arg7[%add3A_252, %dma_wait3A_287] : memref<10240x128xf32, #tpu.memory_space<vmem_shared>> -> memref<16x128xf32, #tpu.memory_space<vmem_shared>>
    %dma_wait3A_289 = arith.constant 0 : i32
    %dma_wait3A_290 = tpu.memref_slice %arg7[%add3A_252, %dma_wait3A_289] : memref<10240x128xf32, #tpu.memory_space<vmem_shared>> -> memref<16x128xf32, #tpu.memory_space<vmem_shared>>
    tpu.wait_dma2 semaphore(%arg15 : memref<!tpu.dma_semaphore, #tpu.memory_space<semaphore_mem>>) src(%arg12 : memref<16x128xf32, #tpu.memory_space<vmem>>) dst(%dma_wait3A_290 : memref<16x128xf32, #tpu.memory_space<vmem_shared>>)
    %add3A_291 = arith.constant 464 : i32
    %add3A_292 = arith.addi %mul3A_14, %add3A_291 : i32
    %dma_start3A_293 = arith.constant 0 : i32
    %dma_start3A_294 = tpu.memref_slice %arg7[%add3A_292, %dma_start3A_293] : memref<10240x128xf32, #tpu.memory_space<vmem_shared>> -> memref<16x128xf32, #tpu.memory_space<vmem_shared>>
    %dma_start3A_295 = arith.constant 0 : i32
    %dma_start3A_296 = tpu.memref_slice %arg7[%add3A_292, %dma_start3A_295] : memref<10240x128xf32, #tpu.memory_space<vmem_shared>> -> memref<16x128xf32, #tpu.memory_space<vmem_shared>>
    tpu.enqueue_dma source(%arg12 : memref<16x128xf32, #tpu.memory_space<vmem>>) target(%dma_start3A_296 : memref<16x128xf32, #tpu.memory_space<vmem_shared>>) target_semaphore(%arg15 : memref<!tpu.dma_semaphore, #tpu.memory_space<semaphore_mem>>)
    %dma_wait3A_297 = arith.constant 0 : i32
    %dma_wait3A_298 = tpu.memref_slice %arg7[%add3A_262, %dma_wait3A_297] : memref<10240x128xf32, #tpu.memory_space<vmem_shared>> -> memref<16x128xf32, #tpu.memory_space<vmem_shared>>
    %dma_wait3A_299 = arith.constant 0 : i32
    %dma_wait3A_300 = tpu.memref_slice %arg7[%add3A_262, %dma_wait3A_299] : memref<10240x128xf32, #tpu.memory_space<vmem_shared>> -> memref<16x128xf32, #tpu.memory_space<vmem_shared>>
    tpu.wait_dma2 semaphore(%arg16 : memref<!tpu.dma_semaphore, #tpu.memory_space<semaphore_mem>>) src(%arg12 : memref<16x128xf32, #tpu.memory_space<vmem>>) dst(%dma_wait3A_300 : memref<16x128xf32, #tpu.memory_space<vmem_shared>>)
    %add3A_301 = arith.constant 480 : i32
    %add3A_302 = arith.addi %mul3A_14, %add3A_301 : i32
    %dma_start3A_303 = arith.constant 0 : i32
    %dma_start3A_304 = tpu.memref_slice %arg7[%add3A_302, %dma_start3A_303] : memref<10240x128xf32, #tpu.memory_space<vmem_shared>> -> memref<16x128xf32, #tpu.memory_space<vmem_shared>>
    %dma_start3A_305 = arith.constant 0 : i32
    %dma_start3A_306 = tpu.memref_slice %arg7[%add3A_302, %dma_start3A_305] : memref<10240x128xf32, #tpu.memory_space<vmem_shared>> -> memref<16x128xf32, #tpu.memory_space<vmem_shared>>
    tpu.enqueue_dma source(%arg12 : memref<16x128xf32, #tpu.memory_space<vmem>>) target(%dma_start3A_306 : memref<16x128xf32, #tpu.memory_space<vmem_shared>>) target_semaphore(%arg16 : memref<!tpu.dma_semaphore, #tpu.memory_space<semaphore_mem>>)
    %dma_wait3A_307 = arith.constant 0 : i32
    %dma_wait3A_308 = tpu.memref_slice %arg7[%add3A_272, %dma_wait3A_307] : memref<10240x128xf32, #tpu.memory_space<vmem_shared>> -> memref<16x128xf32, #tpu.memory_space<vmem_shared>>
    %dma_wait3A_309 = arith.constant 0 : i32
    %dma_wait3A_310 = tpu.memref_slice %arg7[%add3A_272, %dma_wait3A_309] : memref<10240x128xf32, #tpu.memory_space<vmem_shared>> -> memref<16x128xf32, #tpu.memory_space<vmem_shared>>
    tpu.wait_dma2 semaphore(%arg17 : memref<!tpu.dma_semaphore, #tpu.memory_space<semaphore_mem>>) src(%arg12 : memref<16x128xf32, #tpu.memory_space<vmem>>) dst(%dma_wait3A_310 : memref<16x128xf32, #tpu.memory_space<vmem_shared>>)
    %add3A_311 = arith.constant 496 : i32
    %add3A_312 = arith.addi %mul3A_14, %add3A_311 : i32
    %dma_start3A_313 = arith.constant 0 : i32
    %dma_start3A_314 = tpu.memref_slice %arg7[%add3A_312, %dma_start3A_313] : memref<10240x128xf32, #tpu.memory_space<vmem_shared>> -> memref<16x128xf32, #tpu.memory_space<vmem_shared>>
    %dma_start3A_315 = arith.constant 0 : i32
    %dma_start3A_316 = tpu.memref_slice %arg7[%add3A_312, %dma_start3A_315] : memref<10240x128xf32, #tpu.memory_space<vmem_shared>> -> memref<16x128xf32, #tpu.memory_space<vmem_shared>>
    tpu.enqueue_dma source(%arg12 : memref<16x128xf32, #tpu.memory_space<vmem>>) target(%dma_start3A_316 : memref<16x128xf32, #tpu.memory_space<vmem_shared>>) target_semaphore(%arg17 : memref<!tpu.dma_semaphore, #tpu.memory_space<semaphore_mem>>)
    %dma_wait3A_317 = arith.constant 0 : i32
    %dma_wait3A_318 = tpu.memref_slice %arg7[%add3A_282, %dma_wait3A_317] : memref<10240x128xf32, #tpu.memory_space<vmem_shared>> -> memref<16x128xf32, #tpu.memory_space<vmem_shared>>
    %dma_wait3A_319 = arith.constant 0 : i32
    %dma_wait3A_320 = tpu.memref_slice %arg7[%add3A_282, %dma_wait3A_319] : memref<10240x128xf32, #tpu.memory_space<vmem_shared>> -> memref<16x128xf32, #tpu.memory_space<vmem_shared>>
    tpu.wait_dma2 semaphore(%arg14 : memref<!tpu.dma_semaphore, #tpu.memory_space<semaphore_mem>>) src(%arg12 : memref<16x128xf32, #tpu.memory_space<vmem>>) dst(%dma_wait3A_320 : memref<16x128xf32, #tpu.memory_space<vmem_shared>>)
    %add3A_321 = arith.constant 512 : i32
    %add3A_322 = arith.addi %mul3A_14, %add3A_321 : i32
    %dma_start3A_323 = arith.constant 0 : i32
    %dma_start3A_324 = tpu.memref_slice %arg7[%add3A_322, %dma_start3A_323] : memref<10240x128xf32, #tpu.memory_space<vmem_shared>> -> memref<16x128xf32, #tpu.memory_space<vmem_shared>>
    %dma_start3A_325 = arith.constant 0 : i32
    %dma_start3A_326 = tpu.memref_slice %arg7[%add3A_322, %dma_start3A_325] : memref<10240x128xf32, #tpu.memory_space<vmem_shared>> -> memref<16x128xf32, #tpu.memory_space<vmem_shared>>
    tpu.enqueue_dma source(%arg12 : memref<16x128xf32, #tpu.memory_space<vmem>>) target(%dma_start3A_326 : memref<16x128xf32, #tpu.memory_space<vmem_shared>>) target_semaphore(%arg14 : memref<!tpu.dma_semaphore, #tpu.memory_space<semaphore_mem>>)
    %dma_wait3A_327 = arith.constant 0 : i32
    %dma_wait3A_328 = tpu.memref_slice %arg7[%add3A_292, %dma_wait3A_327] : memref<10240x128xf32, #tpu.memory_space<vmem_shared>> -> memref<16x128xf32, #tpu.memory_space<vmem_shared>>
    %dma_wait3A_329 = arith.constant 0 : i32
    %dma_wait3A_330 = tpu.memref_slice %arg7[%add3A_292, %dma_wait3A_329] : memref<10240x128xf32, #tpu.memory_space<vmem_shared>> -> memref<16x128xf32, #tpu.memory_space<vmem_shared>>
    tpu.wait_dma2 semaphore(%arg15 : memref<!tpu.dma_semaphore, #tpu.memory_space<semaphore_mem>>) src(%arg12 : memref<16x128xf32, #tpu.memory_space<vmem>>) dst(%dma_wait3A_330 : memref<16x128xf32, #tpu.memory_space<vmem_shared>>)
    %add3A_331 = arith.constant 528 : i32
    %add3A_332 = arith.addi %mul3A_14, %add3A_331 : i32
    %dma_start3A_333 = arith.constant 0 : i32
    %dma_start3A_334 = tpu.memref_slice %arg7[%add3A_332, %dma_start3A_333] : memref<10240x128xf32, #tpu.memory_space<vmem_shared>> -> memref<16x128xf32, #tpu.memory_space<vmem_shared>>
    %dma_start3A_335 = arith.constant 0 : i32
    %dma_start3A_336 = tpu.memref_slice %arg7[%add3A_332, %dma_start3A_335] : memref<10240x128xf32, #tpu.memory_space<vmem_shared>> -> memref<16x128xf32, #tpu.memory_space<vmem_shared>>
    tpu.enqueue_dma source(%arg12 : memref<16x128xf32, #tpu.memory_space<vmem>>) target(%dma_start3A_336 : memref<16x128xf32, #tpu.memory_space<vmem_shared>>) target_semaphore(%arg15 : memref<!tpu.dma_semaphore, #tpu.memory_space<semaphore_mem>>)
    %dma_wait3A_337 = arith.constant 0 : i32
    %dma_wait3A_338 = tpu.memref_slice %arg7[%add3A_302, %dma_wait3A_337] : memref<10240x128xf32, #tpu.memory_space<vmem_shared>> -> memref<16x128xf32, #tpu.memory_space<vmem_shared>>
    %dma_wait3A_339 = arith.constant 0 : i32
    %dma_wait3A_340 = tpu.memref_slice %arg7[%add3A_302, %dma_wait3A_339] : memref<10240x128xf32, #tpu.memory_space<vmem_shared>> -> memref<16x128xf32, #tpu.memory_space<vmem_shared>>
    tpu.wait_dma2 semaphore(%arg16 : memref<!tpu.dma_semaphore, #tpu.memory_space<semaphore_mem>>) src(%arg12 : memref<16x128xf32, #tpu.memory_space<vmem>>) dst(%dma_wait3A_340 : memref<16x128xf32, #tpu.memory_space<vmem_shared>>)
    %add3A_341 = arith.constant 544 : i32
    %add3A_342 = arith.addi %mul3A_14, %add3A_341 : i32
    %dma_start3A_343 = arith.constant 0 : i32
    %dma_start3A_344 = tpu.memref_slice %arg7[%add3A_342, %dma_start3A_343] : memref<10240x128xf32, #tpu.memory_space<vmem_shared>> -> memref<16x128xf32, #tpu.memory_space<vmem_shared>>
    %dma_start3A_345 = arith.constant 0 : i32
    %dma_start3A_346 = tpu.memref_slice %arg7[%add3A_342, %dma_start3A_345] : memref<10240x128xf32, #tpu.memory_space<vmem_shared>> -> memref<16x128xf32, #tpu.memory_space<vmem_shared>>
    tpu.enqueue_dma source(%arg12 : memref<16x128xf32, #tpu.memory_space<vmem>>) target(%dma_start3A_346 : memref<16x128xf32, #tpu.memory_space<vmem_shared>>) target_semaphore(%arg16 : memref<!tpu.dma_semaphore, #tpu.memory_space<semaphore_mem>>)
    %dma_wait3A_347 = arith.constant 0 : i32
    %dma_wait3A_348 = tpu.memref_slice %arg7[%add3A_312, %dma_wait3A_347] : memref<10240x128xf32, #tpu.memory_space<vmem_shared>> -> memref<16x128xf32, #tpu.memory_space<vmem_shared>>
    %dma_wait3A_349 = arith.constant 0 : i32
    %dma_wait3A_350 = tpu.memref_slice %arg7[%add3A_312, %dma_wait3A_349] : memref<10240x128xf32, #tpu.memory_space<vmem_shared>> -> memref<16x128xf32, #tpu.memory_space<vmem_shared>>
    tpu.wait_dma2 semaphore(%arg17 : memref<!tpu.dma_semaphore, #tpu.memory_space<semaphore_mem>>) src(%arg12 : memref<16x128xf32, #tpu.memory_space<vmem>>) dst(%dma_wait3A_350 : memref<16x128xf32, #tpu.memory_space<vmem_shared>>)
    %add3A_351 = arith.constant 560 : i32
    %add3A_352 = arith.addi %mul3A_14, %add3A_351 : i32
    %dma_start3A_353 = arith.constant 0 : i32
    %dma_start3A_354 = tpu.memref_slice %arg7[%add3A_352, %dma_start3A_353] : memref<10240x128xf32, #tpu.memory_space<vmem_shared>> -> memref<16x128xf32, #tpu.memory_space<vmem_shared>>
    %dma_start3A_355 = arith.constant 0 : i32
    %dma_start3A_356 = tpu.memref_slice %arg7[%add3A_352, %dma_start3A_355] : memref<10240x128xf32, #tpu.memory_space<vmem_shared>> -> memref<16x128xf32, #tpu.memory_space<vmem_shared>>
    tpu.enqueue_dma source(%arg12 : memref<16x128xf32, #tpu.memory_space<vmem>>) target(%dma_start3A_356 : memref<16x128xf32, #tpu.memory_space<vmem_shared>>) target_semaphore(%arg17 : memref<!tpu.dma_semaphore, #tpu.memory_space<semaphore_mem>>)
    %dma_wait3A_357 = arith.constant 0 : i32
    %dma_wait3A_358 = tpu.memref_slice %arg7[%add3A_322, %dma_wait3A_357] : memref<10240x128xf32, #tpu.memory_space<vmem_shared>> -> memref<16x128xf32, #tpu.memory_space<vmem_shared>>
    %dma_wait3A_359 = arith.constant 0 : i32
    %dma_wait3A_360 = tpu.memref_slice %arg7[%add3A_322, %dma_wait3A_359] : memref<10240x128xf32, #tpu.memory_space<vmem_shared>> -> memref<16x128xf32, #tpu.memory_space<vmem_shared>>
    tpu.wait_dma2 semaphore(%arg14 : memref<!tpu.dma_semaphore, #tpu.memory_space<semaphore_mem>>) src(%arg12 : memref<16x128xf32, #tpu.memory_space<vmem>>) dst(%dma_wait3A_360 : memref<16x128xf32, #tpu.memory_space<vmem_shared>>)
    %add3A_361 = arith.constant 576 : i32
    %add3A_362 = arith.addi %mul3A_14, %add3A_361 : i32
    %dma_start3A_363 = arith.constant 0 : i32
    %dma_start3A_364 = tpu.memref_slice %arg7[%add3A_362, %dma_start3A_363] : memref<10240x128xf32, #tpu.memory_space<vmem_shared>> -> memref<16x128xf32, #tpu.memory_space<vmem_shared>>
    %dma_start3A_365 = arith.constant 0 : i32
    %dma_start3A_366 = tpu.memref_slice %arg7[%add3A_362, %dma_start3A_365] : memref<10240x128xf32, #tpu.memory_space<vmem_shared>> -> memref<16x128xf32, #tpu.memory_space<vmem_shared>>
    tpu.enqueue_dma source(%arg12 : memref<16x128xf32, #tpu.memory_space<vmem>>) target(%dma_start3A_366 : memref<16x128xf32, #tpu.memory_space<vmem_shared>>) target_semaphore(%arg14 : memref<!tpu.dma_semaphore, #tpu.memory_space<semaphore_mem>>)
    %dma_wait3A_367 = arith.constant 0 : i32
    %dma_wait3A_368 = tpu.memref_slice %arg7[%add3A_332, %dma_wait3A_367] : memref<10240x128xf32, #tpu.memory_space<vmem_shared>> -> memref<16x128xf32, #tpu.memory_space<vmem_shared>>
    %dma_wait3A_369 = arith.constant 0 : i32
    %dma_wait3A_370 = tpu.memref_slice %arg7[%add3A_332, %dma_wait3A_369] : memref<10240x128xf32, #tpu.memory_space<vmem_shared>> -> memref<16x128xf32, #tpu.memory_space<vmem_shared>>
    tpu.wait_dma2 semaphore(%arg15 : memref<!tpu.dma_semaphore, #tpu.memory_space<semaphore_mem>>) src(%arg12 : memref<16x128xf32, #tpu.memory_space<vmem>>) dst(%dma_wait3A_370 : memref<16x128xf32, #tpu.memory_space<vmem_shared>>)
    %add3A_371 = arith.constant 592 : i32
    %add3A_372 = arith.addi %mul3A_14, %add3A_371 : i32
    %dma_start3A_373 = arith.constant 0 : i32
    %dma_start3A_374 = tpu.memref_slice %arg7[%add3A_372, %dma_start3A_373] : memref<10240x128xf32, #tpu.memory_space<vmem_shared>> -> memref<16x128xf32, #tpu.memory_space<vmem_shared>>
    %dma_start3A_375 = arith.constant 0 : i32
    %dma_start3A_376 = tpu.memref_slice %arg7[%add3A_372, %dma_start3A_375] : memref<10240x128xf32, #tpu.memory_space<vmem_shared>> -> memref<16x128xf32, #tpu.memory_space<vmem_shared>>
    tpu.enqueue_dma source(%arg12 : memref<16x128xf32, #tpu.memory_space<vmem>>) target(%dma_start3A_376 : memref<16x128xf32, #tpu.memory_space<vmem_shared>>) target_semaphore(%arg15 : memref<!tpu.dma_semaphore, #tpu.memory_space<semaphore_mem>>)
    %dma_wait3A_377 = arith.constant 0 : i32
    %dma_wait3A_378 = tpu.memref_slice %arg7[%add3A_342, %dma_wait3A_377] : memref<10240x128xf32, #tpu.memory_space<vmem_shared>> -> memref<16x128xf32, #tpu.memory_space<vmem_shared>>
    %dma_wait3A_379 = arith.constant 0 : i32
    %dma_wait3A_380 = tpu.memref_slice %arg7[%add3A_342, %dma_wait3A_379] : memref<10240x128xf32, #tpu.memory_space<vmem_shared>> -> memref<16x128xf32, #tpu.memory_space<vmem_shared>>
    tpu.wait_dma2 semaphore(%arg16 : memref<!tpu.dma_semaphore, #tpu.memory_space<semaphore_mem>>) src(%arg12 : memref<16x128xf32, #tpu.memory_space<vmem>>) dst(%dma_wait3A_380 : memref<16x128xf32, #tpu.memory_space<vmem_shared>>)
    %add3A_381 = arith.constant 608 : i32
    %add3A_382 = arith.addi %mul3A_14, %add3A_381 : i32
    %dma_start3A_383 = arith.constant 0 : i32
    %dma_start3A_384 = tpu.memref_slice %arg7[%add3A_382, %dma_start3A_383] : memref<10240x128xf32, #tpu.memory_space<vmem_shared>> -> memref<16x128xf32, #tpu.memory_space<vmem_shared>>
    %dma_start3A_385 = arith.constant 0 : i32
    %dma_start3A_386 = tpu.memref_slice %arg7[%add3A_382, %dma_start3A_385] : memref<10240x128xf32, #tpu.memory_space<vmem_shared>> -> memref<16x128xf32, #tpu.memory_space<vmem_shared>>
    tpu.enqueue_dma source(%arg12 : memref<16x128xf32, #tpu.memory_space<vmem>>) target(%dma_start3A_386 : memref<16x128xf32, #tpu.memory_space<vmem_shared>>) target_semaphore(%arg16 : memref<!tpu.dma_semaphore, #tpu.memory_space<semaphore_mem>>)
    %dma_wait3A_387 = arith.constant 0 : i32
    %dma_wait3A_388 = tpu.memref_slice %arg7[%add3A_352, %dma_wait3A_387] : memref<10240x128xf32, #tpu.memory_space<vmem_shared>> -> memref<16x128xf32, #tpu.memory_space<vmem_shared>>
    %dma_wait3A_389 = arith.constant 0 : i32
    %dma_wait3A_390 = tpu.memref_slice %arg7[%add3A_352, %dma_wait3A_389] : memref<10240x128xf32, #tpu.memory_space<vmem_shared>> -> memref<16x128xf32, #tpu.memory_space<vmem_shared>>
    tpu.wait_dma2 semaphore(%arg17 : memref<!tpu.dma_semaphore, #tpu.memory_space<semaphore_mem>>) src(%arg12 : memref<16x128xf32, #tpu.memory_space<vmem>>) dst(%dma_wait3A_390 : memref<16x128xf32, #tpu.memory_space<vmem_shared>>)
    %add3A_391 = arith.constant 624 : i32
    %add3A_392 = arith.addi %mul3A_14, %add3A_391 : i32
    %dma_start3A_393 = arith.constant 0 : i32
    %dma_start3A_394 = tpu.memref_slice %arg7[%add3A_392, %dma_start3A_393] : memref<10240x128xf32, #tpu.memory_space<vmem_shared>> -> memref<16x128xf32, #tpu.memory_space<vmem_shared>>
    %dma_start3A_395 = arith.constant 0 : i32
    %dma_start3A_396 = tpu.memref_slice %arg7[%add3A_392, %dma_start3A_395] : memref<10240x128xf32, #tpu.memory_space<vmem_shared>> -> memref<16x128xf32, #tpu.memory_space<vmem_shared>>
    tpu.enqueue_dma source(%arg12 : memref<16x128xf32, #tpu.memory_space<vmem>>) target(%dma_start3A_396 : memref<16x128xf32, #tpu.memory_space<vmem_shared>>) target_semaphore(%arg17 : memref<!tpu.dma_semaphore, #tpu.memory_space<semaphore_mem>>)
    %dma_wait3A_397 = arith.constant 0 : i32
    %dma_wait3A_398 = tpu.memref_slice %arg7[%add3A_362, %dma_wait3A_397] : memref<10240x128xf32, #tpu.memory_space<vmem_shared>> -> memref<16x128xf32, #tpu.memory_space<vmem_shared>>
    %dma_wait3A_399 = arith.constant 0 : i32
    %dma_wait3A_400 = tpu.memref_slice %arg7[%add3A_362, %dma_wait3A_399] : memref<10240x128xf32, #tpu.memory_space<vmem_shared>> -> memref<16x128xf32, #tpu.memory_space<vmem_shared>>
    tpu.wait_dma2 semaphore(%arg14 : memref<!tpu.dma_semaphore, #tpu.memory_space<semaphore_mem>>) src(%arg12 : memref<16x128xf32, #tpu.memory_space<vmem>>) dst(%dma_wait3A_400 : memref<16x128xf32, #tpu.memory_space<vmem_shared>>)
    %dma_wait3A_401 = arith.constant 0 : i32
    %dma_wait3A_402 = tpu.memref_slice %arg7[%add3A_372, %dma_wait3A_401] : memref<10240x128xf32, #tpu.memory_space<vmem_shared>> -> memref<16x128xf32, #tpu.memory_space<vmem_shared>>
    %dma_wait3A_403 = arith.constant 0 : i32
    %dma_wait3A_404 = tpu.memref_slice %arg7[%add3A_372, %dma_wait3A_403] : memref<10240x128xf32, #tpu.memory_space<vmem_shared>> -> memref<16x128xf32, #tpu.memory_space<vmem_shared>>
    tpu.wait_dma2 semaphore(%arg15 : memref<!tpu.dma_semaphore, #tpu.memory_space<semaphore_mem>>) src(%arg12 : memref<16x128xf32, #tpu.memory_space<vmem>>) dst(%dma_wait3A_404 : memref<16x128xf32, #tpu.memory_space<vmem_shared>>)
    %dma_wait3A_405 = arith.constant 0 : i32
    %dma_wait3A_406 = tpu.memref_slice %arg7[%add3A_382, %dma_wait3A_405] : memref<10240x128xf32, #tpu.memory_space<vmem_shared>> -> memref<16x128xf32, #tpu.memory_space<vmem_shared>>
    %dma_wait3A_407 = arith.constant 0 : i32
    %dma_wait3A_408 = tpu.memref_slice %arg7[%add3A_382, %dma_wait3A_407] : memref<10240x128xf32, #tpu.memory_space<vmem_shared>> -> memref<16x128xf32, #tpu.memory_space<vmem_shared>>
    tpu.wait_dma2 semaphore(%arg16 : memref<!tpu.dma_semaphore, #tpu.memory_space<semaphore_mem>>) src(%arg12 : memref<16x128xf32, #tpu.memory_space<vmem>>) dst(%dma_wait3A_408 : memref<16x128xf32, #tpu.memory_space<vmem_shared>>)
    %dma_wait3A_409 = arith.constant 0 : i32
    %dma_wait3A_410 = tpu.memref_slice %arg7[%add3A_392, %dma_wait3A_409] : memref<10240x128xf32, #tpu.memory_space<vmem_shared>> -> memref<16x128xf32, #tpu.memory_space<vmem_shared>>
    %dma_wait3A_411 = arith.constant 0 : i32
    %dma_wait3A_412 = tpu.memref_slice %arg7[%add3A_392, %dma_wait3A_411] : memref<10240x128xf32, #tpu.memory_space<vmem_shared>> -> memref<16x128xf32, #tpu.memory_space<vmem_shared>>
    tpu.wait_dma2 semaphore(%arg17 : memref<!tpu.dma_semaphore, #tpu.memory_space<semaphore_mem>>) src(%arg12 : memref<16x128xf32, #tpu.memory_space<vmem>>) dst(%dma_wait3A_412 : memref<16x128xf32, #tpu.memory_space<vmem_shared>>)
    %barrier3A = arith.constant 0 : index
    tpu.barrier barrier_id(%barrier3A)
    %broadcast_in_dim3A_413 = arith.constant 1.000000e+00 : f32
    %broadcast_in_dim3A_414 = vector.broadcast %broadcast_in_dim3A_413 : f32 to vector<16xf32>
    %scan3A_415 = arith.constant 0 : i32
    %scan3A_416 = arith.constant 0 : i32
    %scan3A_417 = arith.constant 5 : i32
    %scan3A_418 = arith.addi %scan3A_416, %scan3A_417 : i32
    %scan3A_419 = arith.constant 1 : i32
    scf.for %scan3A_422 = %scan3A_416 to %scan3A_418 step %scan3A_419  : i32 {
      %mul3A_423 = arith.constant 16 : i32
      %mul3A_424 = arith.muli %scan3A_422, %mul3A_423 : i32
      "tpu.region"() ({
        %run_scoped3A = tpu.sem_alloc : memref<!tpu.dma_semaphore, #tpu.memory_space<semaphore_mem>>
        %dma_start3A_1387 = arith.constant 0 : i32
        %dma_start3A_1388 = tpu.memref_slice %arg3[%arg0, %arg1, %mul3A_424, %dma_start3A_1387] : memref<2x16x80x128xi32, #tpu.memory_space<hbm>> -> memref<1x1x16x128xi32, #tpu.memory_space<hbm>>
        %dma_start3A_1389 = tpu.memref_squeeze %dma_start3A_1388 : memref<1x1x16x128xi32, #tpu.memory_space<hbm>> -> memref<16x128xi32, #tpu.memory_space<hbm>>
        %dma_start3A_1390 = arith.constant 0 : i32
        %dma_start3A_1391 = tpu.memref_slice %arg3[%arg0, %arg1, %mul3A_424, %dma_start3A_1390] : memref<2x16x80x128xi32, #tpu.memory_space<hbm>> -> memref<1x1x16x128xi32, #tpu.memory_space<hbm>>
        %dma_start3A_1392 = tpu.memref_squeeze %dma_start3A_1391 : memref<1x1x16x128xi32, #tpu.memory_space<hbm>> -> memref<16x128xi32, #tpu.memory_space<hbm>>
        tpu.enqueue_dma source(%dma_start3A_1392 : memref<16x128xi32, #tpu.memory_space<hbm>>) target(%arg8 : memref<16x128xi32, #tpu.memory_space<vmem>>) target_semaphore(%run_scoped3A : memref<!tpu.dma_semaphore, #tpu.memory_space<semaphore_mem>>)
        %dma_wait3A_1393 = arith.constant 0 : i32
        %dma_wait3A_1394 = tpu.memref_slice %arg3[%arg0, %arg1, %mul3A_424, %dma_wait3A_1393] : memref<2x16x80x128xi32, #tpu.memory_space<hbm>> -> memref<1x1x16x128xi32, #tpu.memory_space<hbm>>
        %dma_wait3A_1395 = tpu.memref_squeeze %dma_wait3A_1394 : memref<1x1x16x128xi32, #tpu.memory_space<hbm>> -> memref<16x128xi32, #tpu.memory_space<hbm>>
        %dma_wait3A_1396 = arith.constant 0 : i32
        %dma_wait3A_1397 = tpu.memref_slice %arg3[%arg0, %arg1, %mul3A_424, %dma_wait3A_1396] : memref<2x16x80x128xi32, #tpu.memory_space<hbm>> -> memref<1x1x16x128xi32, #tpu.memory_space<hbm>>
        %dma_wait3A_1398 = tpu.memref_squeeze %dma_wait3A_1397 : memref<1x1x16x128xi32, #tpu.memory_space<hbm>> -> memref<16x128xi32, #tpu.memory_space<hbm>>
        tpu.wait_dma2 semaphore(%run_scoped3A : memref<!tpu.dma_semaphore, #tpu.memory_space<semaphore_mem>>) src(%dma_wait3A_1398 : memref<16x128xi32, #tpu.memory_space<hbm>>) dst(%arg8 : memref<16x128xi32, #tpu.memory_space<vmem>>)
        tpu.yield
      }) : () -> ()
      %mul3A_425 = arith.constant 16 : i32
      %mul3A_426 = arith.muli %scan3A_422, %mul3A_425 : i32
      "tpu.region"() ({
        %run_scoped3A = tpu.sem_alloc : memref<!tpu.dma_semaphore, #tpu.memory_space<semaphore_mem>>
        %dma_start3A_1387 = arith.constant 0 : i32
        %dma_start3A_1388 = tpu.memref_slice %arg4[%arg0, %arg1, %mul3A_426, %dma_start3A_1387] : memref<2x16x80x128xi32, #tpu.memory_space<hbm>> -> memref<1x1x16x128xi32, #tpu.memory_space<hbm>>
        %dma_start3A_1389 = tpu.memref_squeeze %dma_start3A_1388 : memref<1x1x16x128xi32, #tpu.memory_space<hbm>> -> memref<16x128xi32, #tpu.memory_space<hbm>>
        %dma_start3A_1390 = arith.constant 0 : i32
        %dma_start3A_1391 = tpu.memref_slice %arg4[%arg0, %arg1, %mul3A_426, %dma_start3A_1390] : memref<2x16x80x128xi32, #tpu.memory_space<hbm>> -> memref<1x1x16x128xi32, #tpu.memory_space<hbm>>
        %dma_start3A_1392 = tpu.memref_squeeze %dma_start3A_1391 : memref<1x1x16x128xi32, #tpu.memory_space<hbm>> -> memref<16x128xi32, #tpu.memory_space<hbm>>
        tpu.enqueue_dma source(%dma_start3A_1392 : memref<16x128xi32, #tpu.memory_space<hbm>>) target(%arg9 : memref<16x128xi32, #tpu.memory_space<vmem>>) target_semaphore(%run_scoped3A : memref<!tpu.dma_semaphore, #tpu.memory_space<semaphore_mem>>)
        %dma_wait3A_1393 = arith.constant 0 : i32
        %dma_wait3A_1394 = tpu.memref_slice %arg4[%arg0, %arg1, %mul3A_426, %dma_wait3A_1393] : memref<2x16x80x128xi32, #tpu.memory_space<hbm>> -> memref<1x1x16x128xi32, #tpu.memory_space<hbm>>
        %dma_wait3A_1395 = tpu.memref_squeeze %dma_wait3A_1394 : memref<1x1x16x128xi32, #tpu.memory_space<hbm>> -> memref<16x128xi32, #tpu.memory_space<hbm>>
        %dma_wait3A_1396 = arith.constant 0 : i32
        %dma_wait3A_1397 = tpu.memref_slice %arg4[%arg0, %arg1, %mul3A_426, %dma_wait3A_1396] : memref<2x16x80x128xi32, #tpu.memory_space<hbm>> -> memref<1x1x16x128xi32, #tpu.memory_space<hbm>>
        %dma_wait3A_1398 = tpu.memref_squeeze %dma_wait3A_1397 : memref<1x1x16x128xi32, #tpu.memory_space<hbm>> -> memref<16x128xi32, #tpu.memory_space<hbm>>
        tpu.wait_dma2 semaphore(%run_scoped3A : memref<!tpu.dma_semaphore, #tpu.memory_space<semaphore_mem>>) src(%dma_wait3A_1398 : memref<16x128xi32, #tpu.memory_space<hbm>>) dst(%arg9 : memref<16x128xi32, #tpu.memory_space<vmem>>)
        tpu.yield
      }) : () -> ()
      %dma_start3A_427 = arith.constant 0 : i32
      %dma_start3A_428 = arith.constant 0 : i32
      %dma_start3A_429 = arith.constant 0 : i32
      %dma_start3A_430 = tpu.memref_slice %arg10[%dma_start3A_428, %dma_start3A_429] : memref<128x128xf32, #tpu.memory_space<vmem>> -> memref<64x128xf32, #tpu.memory_space<vmem>>
      %dma_start3A_431 = arith.constant 0 : i32
      %dma_start3A_432 = tpu.memref_slice %arg8[%dma_start3A_427, %dma_start3A_431] : memref<16x128xi32, #tpu.memory_space<vmem>> -> memref<1x64xi32, #tpu.memory_space<vmem>>
      %dma_start3A_433 = tpu.memref_squeeze %dma_start3A_432 : memref<1x64xi32, #tpu.memory_space<vmem>> -> memref<64xi32, #tpu.memory_space<vmem>>
      %dma_start3A_434 = arith.constant 0 : i32
      %dma_start3A_435 = arith.constant 0 : i32
      %dma_start3A_436 = tpu.memref_slice %arg2[%dma_start3A_434, %dma_start3A_435] : memref<10016x128xf32, #tpu.memory_space<hbm>> -> memref<10016x128xf32, #tpu.memory_space<hbm>>
      tpu.enqueue_indirect_dma source(%dma_start3A_436 : memref<10016x128xf32, #tpu.memory_space<hbm>>) target(%dma_start3A_430 : memref<64x128xf32, #tpu.memory_space<vmem>>) offsets(%dma_start3A_433 : memref<64xi32, #tpu.memory_space<vmem>>) semaphore(%arg14 : memref<!tpu.dma_semaphore, #tpu.memory_space<semaphore_mem>>)
      %dma_start3A_437 = arith.constant 0 : i32
      %dma_start3A_438 = arith.constant 64 : i32
      %dma_start3A_439 = arith.constant 0 : i32
      %dma_start3A_440 = tpu.memref_slice %arg10[%dma_start3A_438, %dma_start3A_439] : memref<128x128xf32, #tpu.memory_space<vmem>> -> memref<64x128xf32, #tpu.memory_space<vmem>>
      %dma_start3A_441 = arith.constant 64 : i32
      %dma_start3A_442 = tpu.memref_slice %arg8[%dma_start3A_437, %dma_start3A_441] : memref<16x128xi32, #tpu.memory_space<vmem>> -> memref<1x64xi32, #tpu.memory_space<vmem>>
      %dma_start3A_443 = tpu.memref_squeeze %dma_start3A_442 : memref<1x64xi32, #tpu.memory_space<vmem>> -> memref<64xi32, #tpu.memory_space<vmem>>
      %dma_start3A_444 = arith.constant 0 : i32
      %dma_start3A_445 = arith.constant 0 : i32
      %dma_start3A_446 = tpu.memref_slice %arg2[%dma_start3A_444, %dma_start3A_445] : memref<10016x128xf32, #tpu.memory_space<hbm>> -> memref<10016x128xf32, #tpu.memory_space<hbm>>
      tpu.enqueue_indirect_dma source(%dma_start3A_446 : memref<10016x128xf32, #tpu.memory_space<hbm>>) target(%dma_start3A_440 : memref<64x128xf32, #tpu.memory_space<vmem>>) offsets(%dma_start3A_443 : memref<64xi32, #tpu.memory_space<vmem>>) semaphore(%arg14 : memref<!tpu.dma_semaphore, #tpu.memory_space<semaphore_mem>>)
      %dma_start3A_447 = arith.constant 1 : i32
      %dma_start3A_448 = arith.constant 0 : i32
      %dma_start3A_449 = arith.constant 0 : i32
      %dma_start3A_450 = tpu.memref_slice %arg11[%dma_start3A_448, %dma_start3A_449] : memref<128x128xf32, #tpu.memory_space<vmem>> -> memref<64x128xf32, #tpu.memory_space<vmem>>
      %dma_start3A_451 = arith.constant 0 : i32
      %dma_start3A_452 = tpu.memref_slice %arg8[%dma_start3A_447, %dma_start3A_451] : memref<16x128xi32, #tpu.memory_space<vmem>> -> memref<1x64xi32, #tpu.memory_space<vmem>>
      %dma_start3A_453 = tpu.memref_squeeze %dma_start3A_452 : memref<1x64xi32, #tpu.memory_space<vmem>> -> memref<64xi32, #tpu.memory_space<vmem>>
      %dma_start3A_454 = arith.constant 0 : i32
      %dma_start3A_455 = arith.constant 0 : i32
      %dma_start3A_456 = tpu.memref_slice %arg2[%dma_start3A_454, %dma_start3A_455] : memref<10016x128xf32, #tpu.memory_space<hbm>> -> memref<10016x128xf32, #tpu.memory_space<hbm>>
      tpu.enqueue_indirect_dma source(%dma_start3A_456 : memref<10016x128xf32, #tpu.memory_space<hbm>>) target(%dma_start3A_450 : memref<64x128xf32, #tpu.memory_space<vmem>>) offsets(%dma_start3A_453 : memref<64xi32, #tpu.memory_space<vmem>>) semaphore(%arg15 : memref<!tpu.dma_semaphore, #tpu.memory_space<semaphore_mem>>)
      %dma_start3A_457 = arith.constant 1 : i32
      %dma_start3A_458 = arith.constant 64 : i32
      %dma_start3A_459 = arith.constant 0 : i32
      %dma_start3A_460 = tpu.memref_slice %arg11[%dma_start3A_458, %dma_start3A_459] : memref<128x128xf32, #tpu.memory_space<vmem>> -> memref<64x128xf32, #tpu.memory_space<vmem>>
      %dma_start3A_461 = arith.constant 64 : i32
      %dma_start3A_462 = tpu.memref_slice %arg8[%dma_start3A_457, %dma_start3A_461] : memref<16x128xi32, #tpu.memory_space<vmem>> -> memref<1x64xi32, #tpu.memory_space<vmem>>
      %dma_start3A_463 = tpu.memref_squeeze %dma_start3A_462 : memref<1x64xi32, #tpu.memory_space<vmem>> -> memref<64xi32, #tpu.memory_space<vmem>>
      %dma_start3A_464 = arith.constant 0 : i32
      %dma_start3A_465 = arith.constant 0 : i32
      %dma_start3A_466 = tpu.memref_slice %arg2[%dma_start3A_464, %dma_start3A_465] : memref<10016x128xf32, #tpu.memory_space<hbm>> -> memref<10016x128xf32, #tpu.memory_space<hbm>>
      tpu.enqueue_indirect_dma source(%dma_start3A_466 : memref<10016x128xf32, #tpu.memory_space<hbm>>) target(%dma_start3A_460 : memref<64x128xf32, #tpu.memory_space<vmem>>) offsets(%dma_start3A_463 : memref<64xi32, #tpu.memory_space<vmem>>) semaphore(%arg15 : memref<!tpu.dma_semaphore, #tpu.memory_space<semaphore_mem>>)
      %dma_wait3A_467 = arith.constant 0 : i32
      %dma_wait3A_468 = arith.constant 0 : i32
      %dma_wait3A_469 = arith.constant 0 : i32
      %dma_wait3A_470 = tpu.memref_slice %arg10[%dma_wait3A_468, %dma_wait3A_469] : memref<128x128xf32, #tpu.memory_space<vmem>> -> memref<64x128xf32, #tpu.memory_space<vmem>>
      %dma_wait3A_471 = arith.constant 0 : i32
      %dma_wait3A_472 = tpu.memref_slice %arg8[%dma_wait3A_467, %dma_wait3A_471] : memref<16x128xi32, #tpu.memory_space<vmem>> -> memref<1x64xi32, #tpu.memory_space<vmem>>
      %dma_wait3A_473 = tpu.memref_squeeze %dma_wait3A_472 : memref<1x64xi32, #tpu.memory_space<vmem>> -> memref<64xi32, #tpu.memory_space<vmem>>
      %dma_wait3A_474 = arith.constant 0 : i32
      %dma_wait3A_475 = arith.constant 0 : i32
      %dma_wait3A_476 = tpu.memref_slice %arg2[%dma_wait3A_474, %dma_wait3A_475] : memref<10016x128xf32, #tpu.memory_space<hbm>> -> memref<10016x128xf32, #tpu.memory_space<hbm>>
      tpu.wait_indirect_dma semaphore(%arg14 : memref<!tpu.dma_semaphore, #tpu.memory_space<semaphore_mem>>) src(%dma_wait3A_476 : memref<10016x128xf32, #tpu.memory_space<hbm>>) dst(%dma_wait3A_470 : memref<64x128xf32, #tpu.memory_space<vmem>>)
      %dma_wait3A_477 = arith.constant 0 : i32
      %dma_wait3A_478 = arith.constant 64 : i32
      %dma_wait3A_479 = arith.constant 0 : i32
      %dma_wait3A_480 = tpu.memref_slice %arg10[%dma_wait3A_478, %dma_wait3A_479] : memref<128x128xf32, #tpu.memory_space<vmem>> -> memref<64x128xf32, #tpu.memory_space<vmem>>
      %dma_wait3A_481 = arith.constant 64 : i32
      %dma_wait3A_482 = tpu.memref_slice %arg8[%dma_wait3A_477, %dma_wait3A_481] : memref<16x128xi32, #tpu.memory_space<vmem>> -> memref<1x64xi32, #tpu.memory_space<vmem>>
      %dma_wait3A_483 = tpu.memref_squeeze %dma_wait3A_482 : memref<1x64xi32, #tpu.memory_space<vmem>> -> memref<64xi32, #tpu.memory_space<vmem>>
      %dma_wait3A_484 = arith.constant 0 : i32
      %dma_wait3A_485 = arith.constant 0 : i32
      %dma_wait3A_486 = tpu.memref_slice %arg2[%dma_wait3A_484, %dma_wait3A_485] : memref<10016x128xf32, #tpu.memory_space<hbm>> -> memref<10016x128xf32, #tpu.memory_space<hbm>>
      tpu.wait_indirect_dma semaphore(%arg14 : memref<!tpu.dma_semaphore, #tpu.memory_space<semaphore_mem>>) src(%dma_wait3A_486 : memref<10016x128xf32, #tpu.memory_space<hbm>>) dst(%dma_wait3A_480 : memref<64x128xf32, #tpu.memory_space<vmem>>)
      %dma_start3A_487 = arith.constant 0 : i32
      %dma_start3A_488 = arith.constant 0 : i32
      %dma_start3A_489 = tpu.memref_slice %arg9[%dma_start3A_487, %dma_start3A_488] : memref<16x128xi32, #tpu.memory_space<vmem>> -> memref<1x128xi32, #tpu.memory_space<vmem>>
      %dma_start3A_490 = tpu.memref_squeeze %dma_start3A_489 : memref<1x128xi32, #tpu.memory_space<vmem>> -> memref<128xi32, #tpu.memory_space<vmem>>
      %dma_start3A_491 = arith.constant 0 : i32
      %dma_start3A_492 = arith.constant 0 : i32
      %dma_start3A_493 = tpu.memref_slice %arg7[%dma_start3A_491, %dma_start3A_492] : memref<10240x128xf32, #tpu.memory_space<vmem_shared>> -> memref<10240x128xf32, #tpu.memory_space<vmem_shared>>
      tpu.enqueue_indirect_dma source(%arg10 : memref<128x128xf32, #tpu.memory_space<vmem>>) target(%dma_start3A_493 : memref<10240x128xf32, #tpu.memory_space<vmem_shared>>) offsets(%dma_start3A_490 : memref<128xi32, #tpu.memory_space<vmem>>) semaphore(%arg16 : memref<!tpu.dma_semaphore, #tpu.memory_space<semaphore_mem>>) {add = true}
      %scan3A_494 = arith.constant 0 : i32
      %scan3A_495 = arith.constant 0 : i32
      %scan3A_496 = arith.constant 8 : i32
      %scan3A_497 = arith.addi %scan3A_495, %scan3A_496 : i32
      %scan3A_498 = arith.constant 1 : i32
      scf.for %scan3A_1387 = %scan3A_495 to %scan3A_497 step %scan3A_498  : i32 {
        %mul3A_1388 = arith.constant 16 : i32
        %mul3A_1389 = arith.muli %scan3A_1387, %mul3A_1388 : i32
        %get3A = arith.constant 0 : i32
        %get3A_1390 = arith.index_cast %get3A : i32 to index
        %get3A_1391 = arith.index_cast %mul3A_1389 : i32 to index
        %get3A_1392 = tpu.vector_load %arg9[%get3A_1390, %get3A_1391] {strides = array<i32>} : memref<16x128xi32, #tpu.memory_space<vmem>>, vector<16xi32>,
        tpu.vector_store_idx %arg13[%get3A_1392], %broadcast_in_dim3A_414 {add = true} : memref<10224xf32, #tpu.memory_space<vmem>>[vector<16xi32>], vector<16xf32>,
      }
      %scan3A_499 = arith.constant 8 : i32
      %dma_wait3A_500 = arith.constant 0 : i32
      %dma_wait3A_501 = arith.constant 0 : i32
      %dma_wait3A_502 = tpu.memref_slice %arg9[%dma_wait3A_500, %dma_wait3A_501] : memref<16x128xi32, #tpu.memory_space<vmem>> -> memref<1x128xi32, #tpu.memory_space<vmem>>
      %dma_wait3A_503 = tpu.memref_squeeze %dma_wait3A_502 : memref<1x128xi32, #tpu.memory_space<vmem>> -> memref<128xi32, #tpu.memory_space<vmem>>
      %dma_wait3A_504 = arith.constant 0 : i32
      %dma_wait3A_505 = arith.constant 0 : i32
      %dma_wait3A_506 = tpu.memref_slice %arg7[%dma_wait3A_504, %dma_wait3A_505] : memref<10240x128xf32, #tpu.memory_space<vmem_shared>> -> memref<10240x128xf32, #tpu.memory_space<vmem_shared>>
      tpu.wait_indirect_dma semaphore(%arg16 : memref<!tpu.dma_semaphore, #tpu.memory_space<semaphore_mem>>) src(%arg10 : memref<128x128xf32, #tpu.memory_space<vmem>>) dst(%dma_wait3A_506 : memref<10240x128xf32, #tpu.memory_space<vmem_shared>>)
      %dma_start3A_507 = arith.constant 2 : i32
      %dma_start3A_508 = arith.constant 0 : i32
      %dma_start3A_509 = arith.constant 0 : i32
      %dma_start3A_510 = tpu.memref_slice %arg10[%dma_start3A_508, %dma_start3A_509] : memref<128x128xf32, #tpu.memory_space<vmem>> -> memref<64x128xf32, #tpu.memory_space<vmem>>
      %dma_start3A_511 = arith.constant 0 : i32
      %dma_start3A_512 = tpu.memref_slice %arg8[%dma_start3A_507, %dma_start3A_511] : memref<16x128xi32, #tpu.memory_space<vmem>> -> memref<1x64xi32, #tpu.memory_space<vmem>>
      %dma_start3A_513 = tpu.memref_squeeze %dma_start3A_512 : memref<1x64xi32, #tpu.memory_space<vmem>> -> memref<64xi32, #tpu.memory_space<vmem>>
      %dma_start3A_514 = arith.constant 0 : i32
      %dma_start3A_515 = arith.constant 0 : i32
      %dma_start3A_516 = tpu.memref_slice %arg2[%dma_start3A_514, %dma_start3A_515] : memref<10016x128xf32, #tpu.memory_space<hbm>> -> memref<10016x128xf32, #tpu.memory_space<hbm>>
      tpu.enqueue_indirect_dma source(%dma_start3A_516 : memref<10016x128xf32, #tpu.memory_space<hbm>>) target(%dma_start3A_510 : memref<64x128xf32, #tpu.memory_space<vmem>>) offsets(%dma_start3A_513 : memref<64xi32, #tpu.memory_space<vmem>>) semaphore(%arg14 : memref<!tpu.dma_semaphore, #tpu.memory_space<semaphore_mem>>)
      %dma_start3A_517 = arith.constant 2 : i32
      %dma_start3A_518 = arith.constant 64 : i32
      %dma_start3A_519 = arith.constant 0 : i32
      %dma_start3A_520 = tpu.memref_slice %arg10[%dma_start3A_518, %dma_start3A_519] : memref<128x128xf32, #tpu.memory_space<vmem>> -> memref<64x128xf32, #tpu.memory_space<vmem>>
      %dma_start3A_521 = arith.constant 64 : i32
      %dma_start3A_522 = tpu.memref_slice %arg8[%dma_start3A_517, %dma_start3A_521] : memref<16x128xi32, #tpu.memory_space<vmem>> -> memref<1x64xi32, #tpu.memory_space<vmem>>
      %dma_start3A_523 = tpu.memref_squeeze %dma_start3A_522 : memref<1x64xi32, #tpu.memory_space<vmem>> -> memref<64xi32, #tpu.memory_space<vmem>>
      %dma_start3A_524 = arith.constant 0 : i32
      %dma_start3A_525 = arith.constant 0 : i32
      %dma_start3A_526 = tpu.memref_slice %arg2[%dma_start3A_524, %dma_start3A_525] : memref<10016x128xf32, #tpu.memory_space<hbm>> -> memref<10016x128xf32, #tpu.memory_space<hbm>>
      tpu.enqueue_indirect_dma source(%dma_start3A_526 : memref<10016x128xf32, #tpu.memory_space<hbm>>) target(%dma_start3A_520 : memref<64x128xf32, #tpu.memory_space<vmem>>) offsets(%dma_start3A_523 : memref<64xi32, #tpu.memory_space<vmem>>) semaphore(%arg14 : memref<!tpu.dma_semaphore, #tpu.memory_space<semaphore_mem>>)
      %dma_wait3A_527 = arith.constant 1 : i32
      %dma_wait3A_528 = arith.constant 0 : i32
      %dma_wait3A_529 = arith.constant 0 : i32
      %dma_wait3A_530 = tpu.memref_slice %arg11[%dma_wait3A_528, %dma_wait3A_529] : memref<128x128xf32, #tpu.memory_space<vmem>> -> memref<64x128xf32, #tpu.memory_space<vmem>>
      %dma_wait3A_531 = arith.constant 0 : i32
      %dma_wait3A_532 = tpu.memref_slice %arg8[%dma_wait3A_527, %dma_wait3A_531] : memref<16x128xi32, #tpu.memory_space<vmem>> -> memref<1x64xi32, #tpu.memory_space<vmem>>
      %dma_wait3A_533 = tpu.memref_squeeze %dma_wait3A_532 : memref<1x64xi32, #tpu.memory_space<vmem>> -> memref<64xi32, #tpu.memory_space<vmem>>
      %dma_wait3A_534 = arith.constant 0 : i32
      %dma_wait3A_535 = arith.constant 0 : i32
      %dma_wait3A_536 = tpu.memref_slice %arg2[%dma_wait3A_534, %dma_wait3A_535] : memref<10016x128xf32, #tpu.memory_space<hbm>> -> memref<10016x128xf32, #tpu.memory_space<hbm>>
      tpu.wait_indirect_dma semaphore(%arg15 : memref<!tpu.dma_semaphore, #tpu.memory_space<semaphore_mem>>) src(%dma_wait3A_536 : memref<10016x128xf32, #tpu.memory_space<hbm>>) dst(%dma_wait3A_530 : memref<64x128xf32, #tpu.memory_space<vmem>>)
      %dma_wait3A_537 = arith.constant 1 : i32
      %dma_wait3A_538 = arith.constant 64 : i32
      %dma_wait3A_539 = arith.constant 0 : i32
      %dma_wait3A_540 = tpu.memref_slice %arg11[%dma_wait3A_538, %dma_wait3A_539] : memref<128x128xf32, #tpu.memory_space<vmem>> -> memref<64x128xf32, #tpu.memory_space<vmem>>
      %dma_wait3A_541 = arith.constant 64 : i32
      %dma_wait3A_542 = tpu.memref_slice %arg8[%dma_wait3A_537, %dma_wait3A_541] : memref<16x128xi32, #tpu.memory_space<vmem>> -> memref<1x64xi32, #tpu.memory_space<vmem>>
      %dma_wait3A_543 = tpu.memref_squeeze %dma_wait3A_542 : memref<1x64xi32, #tpu.memory_space<vmem>> -> memref<64xi32, #tpu.memory_space<vmem>>
      %dma_wait3A_544 = arith.constant 0 : i32
      %dma_wait3A_545 = arith.constant 0 : i32
      %dma_wait3A_546 = tpu.memref_slice %arg2[%dma_wait3A_544, %dma_wait3A_545] : memref<10016x128xf32, #tpu.memory_space<hbm>> -> memref<10016x128xf32, #tpu.memory_space<hbm>>
      tpu.wait_indirect_dma semaphore(%arg15 : memref<!tpu.dma_semaphore, #tpu.memory_space<semaphore_mem>>) src(%dma_wait3A_546 : memref<10016x128xf32, #tpu.memory_space<hbm>>) dst(%dma_wait3A_540 : memref<64x128xf32, #tpu.memory_space<vmem>>)
      %dma_start3A_547 = arith.constant 1 : i32
      %dma_start3A_548 = arith.constant 0 : i32
      %dma_start3A_549 = tpu.memref_slice %arg9[%dma_start3A_547, %dma_start3A_548] : memref<16x128xi32, #tpu.memory_space<vmem>> -> memref<1x128xi32, #tpu.memory_space<vmem>>
      %dma_start3A_550 = tpu.memref_squeeze %dma_start3A_549 : memref<1x128xi32, #tpu.memory_space<vmem>> -> memref<128xi32, #tpu.memory_space<vmem>>
      %dma_start3A_551 = arith.constant 0 : i32
      %dma_start3A_552 = arith.constant 0 : i32
      %dma_start3A_553 = tpu.memref_slice %arg7[%dma_start3A_551, %dma_start3A_552] : memref<10240x128xf32, #tpu.memory_space<vmem_shared>> -> memref<10240x128xf32, #tpu.memory_space<vmem_shared>>
      tpu.enqueue_indirect_dma source(%arg11 : memref<128x128xf32, #tpu.memory_space<vmem>>) target(%dma_start3A_553 : memref<10240x128xf32, #tpu.memory_space<vmem_shared>>) offsets(%dma_start3A_550 : memref<128xi32, #tpu.memory_space<vmem>>) semaphore(%arg17 : memref<!tpu.dma_semaphore, #tpu.memory_space<semaphore_mem>>) {add = true}
      %scan3A_554 = arith.constant 0 : i32
      %scan3A_555 = arith.constant 0 : i32
      %scan3A_556 = arith.constant 8 : i32
      %scan3A_557 = arith.addi %scan3A_555, %scan3A_556 : i32
      %scan3A_558 = arith.constant 1 : i32
      scf.for %scan3A_1387 = %scan3A_555 to %scan3A_557 step %scan3A_558  : i32 {
        %mul3A_1388 = arith.constant 16 : i32
        %mul3A_1389 = arith.muli %scan3A_1387, %mul3A_1388 : i32
        %get3A = arith.constant 1 : i32
        %get3A_1390 = arith.index_cast %get3A : i32 to index
        %get3A_1391 = arith.index_cast %mul3A_1389 : i32 to index
        %get3A_1392 = tpu.vector_load %arg9[%get3A_1390, %get3A_1391] {strides = array<i32>} : memref<16x128xi32, #tpu.memory_space<vmem>>, vector<16xi32>,
        tpu.vector_store_idx %arg13[%get3A_1392], %broadcast_in_dim3A_414 {add = true} : memref<10224xf32, #tpu.memory_space<vmem>>[vector<16xi32>], vector<16xf32>,
      }
      %scan3A_559 = arith.constant 8 : i32
      %dma_wait3A_560 = arith.constant 1 : i32
      %dma_wait3A_561 = arith.constant 0 : i32
      %dma_wait3A_562 = tpu.memref_slice %arg9[%dma_wait3A_560, %dma_wait3A_561] : memref<16x128xi32, #tpu.memory_space<vmem>> -> memref<1x128xi32, #tpu.memory_space<vmem>>
      %dma_wait3A_563 = tpu.memref_squeeze %dma_wait3A_562 : memref<1x128xi32, #tpu.memory_space<vmem>> -> memref<128xi32, #tpu.memory_space<vmem>>
      %dma_wait3A_564 = arith.constant 0 : i32
      %dma_wait3A_565 = arith.constant 0 : i32
      %dma_wait3A_566 = tpu.memref_slice %arg7[%dma_wait3A_564, %dma_wait3A_565] : memref<10240x128xf32, #tpu.memory_space<vmem_shared>> -> memref<10240x128xf32, #tpu.memory_space<vmem_shared>>
      tpu.wait_indirect_dma semaphore(%arg17 : memref<!tpu.dma_semaphore, #tpu.memory_space<semaphore_mem>>) src(%arg11 : memref<128x128xf32, #tpu.memory_space<vmem>>) dst(%dma_wait3A_566 : memref<10240x128xf32, #tpu.memory_space<vmem_shared>>)
      %dma_start3A_567 = arith.constant 3 : i32
      %dma_start3A_568 = arith.constant 0 : i32
      %dma_start3A_569 = arith.constant 0 : i32
      %dma_start3A_570 = tpu.memref_slice %arg11[%dma_start3A_568, %dma_start3A_569] : memref<128x128xf32, #tpu.memory_space<vmem>> -> memref<64x128xf32, #tpu.memory_space<vmem>>
      %dma_start3A_571 = arith.constant 0 : i32
      %dma_start3A_572 = tpu.memref_slice %arg8[%dma_start3A_567, %dma_start3A_571] : memref<16x128xi32, #tpu.memory_space<vmem>> -> memref<1x64xi32, #tpu.memory_space<vmem>>
      %dma_start3A_573 = tpu.memref_squeeze %dma_start3A_572 : memref<1x64xi32, #tpu.memory_space<vmem>> -> memref<64xi32, #tpu.memory_space<vmem>>
      %dma_start3A_574 = arith.constant 0 : i32
      %dma_start3A_575 = arith.constant 0 : i32
      %dma_start3A_576 = tpu.memref_slice %arg2[%dma_start3A_574, %dma_start3A_575] : memref<10016x128xf32, #tpu.memory_space<hbm>> -> memref<10016x128xf32, #tpu.memory_space<hbm>>
      tpu.enqueue_indirect_dma source(%dma_start3A_576 : memref<10016x128xf32, #tpu.memory_space<hbm>>) target(%dma_start3A_570 : memref<64x128xf32, #tpu.memory_space<vmem>>) offsets(%dma_start3A_573 : memref<64xi32, #tpu.memory_space<vmem>>) semaphore(%arg15 : memref<!tpu.dma_semaphore, #tpu.memory_space<semaphore_mem>>)
      %dma_start3A_577 = arith.constant 3 : i32
      %dma_start3A_578 = arith.constant 64 : i32
      %dma_start3A_579 = arith.constant 0 : i32
      %dma_start3A_580 = tpu.memref_slice %arg11[%dma_start3A_578, %dma_start3A_579] : memref<128x128xf32, #tpu.memory_space<vmem>> -> memref<64x128xf32, #tpu.memory_space<vmem>>
      %dma_start3A_581 = arith.constant 64 : i32
      %dma_start3A_582 = tpu.memref_slice %arg8[%dma_start3A_577, %dma_start3A_581] : memref<16x128xi32, #tpu.memory_space<vmem>> -> memref<1x64xi32, #tpu.memory_space<vmem>>
      %dma_start3A_583 = tpu.memref_squeeze %dma_start3A_582 : memref<1x64xi32, #tpu.memory_space<vmem>> -> memref<64xi32, #tpu.memory_space<vmem>>
      %dma_start3A_584 = arith.constant 0 : i32
      %dma_start3A_585 = arith.constant 0 : i32
      %dma_start3A_586 = tpu.memref_slice %arg2[%dma_start3A_584, %dma_start3A_585] : memref<10016x128xf32, #tpu.memory_space<hbm>> -> memref<10016x128xf32, #tpu.memory_space<hbm>>
      tpu.enqueue_indirect_dma source(%dma_start3A_586 : memref<10016x128xf32, #tpu.memory_space<hbm>>) target(%dma_start3A_580 : memref<64x128xf32, #tpu.memory_space<vmem>>) offsets(%dma_start3A_583 : memref<64xi32, #tpu.memory_space<vmem>>) semaphore(%arg15 : memref<!tpu.dma_semaphore, #tpu.memory_space<semaphore_mem>>)
      %dma_wait3A_587 = arith.constant 2 : i32
      %dma_wait3A_588 = arith.constant 0 : i32
      %dma_wait3A_589 = arith.constant 0 : i32
      %dma_wait3A_590 = tpu.memref_slice %arg10[%dma_wait3A_588, %dma_wait3A_589] : memref<128x128xf32, #tpu.memory_space<vmem>> -> memref<64x128xf32, #tpu.memory_space<vmem>>
      %dma_wait3A_591 = arith.constant 0 : i32
      %dma_wait3A_592 = tpu.memref_slice %arg8[%dma_wait3A_587, %dma_wait3A_591] : memref<16x128xi32, #tpu.memory_space<vmem>> -> memref<1x64xi32, #tpu.memory_space<vmem>>
      %dma_wait3A_593 = tpu.memref_squeeze %dma_wait3A_592 : memref<1x64xi32, #tpu.memory_space<vmem>> -> memref<64xi32, #tpu.memory_space<vmem>>
      %dma_wait3A_594 = arith.constant 0 : i32
      %dma_wait3A_595 = arith.constant 0 : i32
      %dma_wait3A_596 = tpu.memref_slice %arg2[%dma_wait3A_594, %dma_wait3A_595] : memref<10016x128xf32, #tpu.memory_space<hbm>> -> memref<10016x128xf32, #tpu.memory_space<hbm>>
      tpu.wait_indirect_dma semaphore(%arg14 : memref<!tpu.dma_semaphore, #tpu.memory_space<semaphore_mem>>) src(%dma_wait3A_596 : memref<10016x128xf32, #tpu.memory_space<hbm>>) dst(%dma_wait3A_590 : memref<64x128xf32, #tpu.memory_space<vmem>>)
      %dma_wait3A_597 = arith.constant 2 : i32
      %dma_wait3A_598 = arith.constant 64 : i32
      %dma_wait3A_599 = arith.constant 0 : i32
      %dma_wait3A_600 = tpu.memref_slice %arg10[%dma_wait3A_598, %dma_wait3A_599] : memref<128x128xf32, #tpu.memory_space<vmem>> -> memref<64x128xf32, #tpu.memory_space<vmem>>
      %dma_wait3A_601 = arith.constant 64 : i32
      %dma_wait3A_602 = tpu.memref_slice %arg8[%dma_wait3A_597, %dma_wait3A_601] : memref<16x128xi32, #tpu.memory_space<vmem>> -> memref<1x64xi32, #tpu.memory_space<vmem>>
      %dma_wait3A_603 = tpu.memref_squeeze %dma_wait3A_602 : memref<1x64xi32, #tpu.memory_space<vmem>> -> memref<64xi32, #tpu.memory_space<vmem>>
      %dma_wait3A_604 = arith.constant 0 : i32
      %dma_wait3A_605 = arith.constant 0 : i32
      %dma_wait3A_606 = tpu.memref_slice %arg2[%dma_wait3A_604, %dma_wait3A_605] : memref<10016x128xf32, #tpu.memory_space<hbm>> -> memref<10016x128xf32, #tpu.memory_space<hbm>>
      tpu.wait_indirect_dma semaphore(%arg14 : memref<!tpu.dma_semaphore, #tpu.memory_space<semaphore_mem>>) src(%dma_wait3A_606 : memref<10016x128xf32, #tpu.memory_space<hbm>>) dst(%dma_wait3A_600 : memref<64x128xf32, #tpu.memory_space<vmem>>)
      %dma_start3A_607 = arith.constant 2 : i32
      %dma_start3A_608 = arith.constant 0 : i32
      %dma_start3A_609 = tpu.memref_slice %arg9[%dma_start3A_607, %dma_start3A_608] : memref<16x128xi32, #tpu.memory_space<vmem>> -> memref<1x128xi32, #tpu.memory_space<vmem>>
      %dma_start3A_610 = tpu.memref_squeeze %dma_start3A_609 : memref<1x128xi32, #tpu.memory_space<vmem>> -> memref<128xi32, #tpu.memory_space<vmem>>
      %dma_start3A_611 = arith.constant 0 : i32
      %dma_start3A_612 = arith.constant 0 : i32
      %dma_start3A_613 = tpu.memref_slice %arg7[%dma_start3A_611, %dma_start3A_612] : memref<10240x128xf32, #tpu.memory_space<vmem_shared>> -> memref<10240x128xf32, #tpu.memory_space<vmem_shared>>
      tpu.enqueue_indirect_dma source(%arg10 : memref<128x128xf32, #tpu.memory_space<vmem>>) target(%dma_start3A_613 : memref<10240x128xf32, #tpu.memory_space<vmem_shared>>) offsets(%dma_start3A_610 : memref<128xi32, #tpu.memory_space<vmem>>) semaphore(%arg16 : memref<!tpu.dma_semaphore, #tpu.memory_space<semaphore_mem>>) {add = true}
      %scan3A_614 = arith.constant 0 : i32
      %scan3A_615 = arith.constant 0 : i32
      %scan3A_616 = arith.constant 8 : i32
      %scan3A_617 = arith.addi %scan3A_615, %scan3A_616 : i32
      %scan3A_618 = arith.constant 1 : i32
      scf.for %scan3A_1387 = %scan3A_615 to %scan3A_617 step %scan3A_618  : i32 {
        %mul3A_1388 = arith.constant 16 : i32
        %mul3A_1389 = arith.muli %scan3A_1387, %mul3A_1388 : i32
        %get3A = arith.constant 2 : i32
        %get3A_1390 = arith.index_cast %get3A : i32 to index
        %get3A_1391 = arith.index_cast %mul3A_1389 : i32 to index
        %get3A_1392 = tpu.vector_load %arg9[%get3A_1390, %get3A_1391] {strides = array<i32>} : memref<16x128xi32, #tpu.memory_space<vmem>>, vector<16xi32>,
        tpu.vector_store_idx %arg13[%get3A_1392], %broadcast_in_dim3A_414 {add = true} : memref<10224xf32, #tpu.memory_space<vmem>>[vector<16xi32>], vector<16xf32>,
      }
      %scan3A_619 = arith.constant 8 : i32
      %dma_wait3A_620 = arith.constant 2 : i32
      %dma_wait3A_621 = arith.constant 0 : i32
      %dma_wait3A_622 = tpu.memref_slice %arg9[%dma_wait3A_620, %dma_wait3A_621] : memref<16x128xi32, #tpu.memory_space<vmem>> -> memref<1x128xi32, #tpu.memory_space<vmem>>
      %dma_wait3A_623 = tpu.memref_squeeze %dma_wait3A_622 : memref<1x128xi32, #tpu.memory_space<vmem>> -> memref<128xi32, #tpu.memory_space<vmem>>
      %dma_wait3A_624 = arith.constant 0 : i32
      %dma_wait3A_625 = arith.constant 0 : i32
      %dma_wait3A_626 = tpu.memref_slice %arg7[%dma_wait3A_624, %dma_wait3A_625] : memref<10240x128xf32, #tpu.memory_space<vmem_shared>> -> memref<10240x128xf32, #tpu.memory_space<vmem_shared>>
      tpu.wait_indirect_dma semaphore(%arg16 : memref<!tpu.dma_semaphore, #tpu.memory_space<semaphore_mem>>) src(%arg10 : memref<128x128xf32, #tpu.memory_space<vmem>>) dst(%dma_wait3A_626 : memref<10240x128xf32, #tpu.memory_space<vmem_shared>>)
      %dma_start3A_627 = arith.constant 4 : i32
      %dma_start3A_628 = arith.constant 0 : i32
      %dma_start3A_629 = arith.constant 0 : i32
      %dma_start3A_630 = tpu.memref_slice %arg10[%dma_start3A_628, %dma_start3A_629] : memref<128x128xf32, #tpu.memory_space<vmem>> -> memref<64x128xf32, #tpu.memory_space<vmem>>
      %dma_start3A_631 = arith.constant 0 : i32
      %dma_start3A_632 = tpu.memref_slice %arg8[%dma_start3A_627, %dma_start3A_631] : memref<16x128xi32, #tpu.memory_space<vmem>> -> memref<1x64xi32, #tpu.memory_space<vmem>>
      %dma_start3A_633 = tpu.memref_squeeze %dma_start3A_632 : memref<1x64xi32, #tpu.memory_space<vmem>> -> memref<64xi32, #tpu.memory_space<vmem>>
      %dma_start3A_634 = arith.constant 0 : i32
      %dma_start3A_635 = arith.constant 0 : i32
      %dma_start3A_636 = tpu.memref_slice %arg2[%dma_start3A_634, %dma_start3A_635] : memref<10016x128xf32, #tpu.memory_space<hbm>> -> memref<10016x128xf32, #tpu.memory_space<hbm>>
      tpu.enqueue_indirect_dma source(%dma_start3A_636 : memref<10016x128xf32, #tpu.memory_space<hbm>>) target(%dma_start3A_630 : memref<64x128xf32, #tpu.memory_space<vmem>>) offsets(%dma_start3A_633 : memref<64xi32, #tpu.memory_space<vmem>>) semaphore(%arg14 : memref<!tpu.dma_semaphore, #tpu.memory_space<semaphore_mem>>)
      %dma_start3A_637 = arith.constant 4 : i32
      %dma_start3A_638 = arith.constant 64 : i32
      %dma_start3A_639 = arith.constant 0 : i32
      %dma_start3A_640 = tpu.memref_slice %arg10[%dma_start3A_638, %dma_start3A_639] : memref<128x128xf32, #tpu.memory_space<vmem>> -> memref<64x128xf32, #tpu.memory_space<vmem>>
      %dma_start3A_641 = arith.constant 64 : i32
      %dma_start3A_642 = tpu.memref_slice %arg8[%dma_start3A_637, %dma_start3A_641] : memref<16x128xi32, #tpu.memory_space<vmem>> -> memref<1x64xi32, #tpu.memory_space<vmem>>
      %dma_start3A_643 = tpu.memref_squeeze %dma_start3A_642 : memref<1x64xi32, #tpu.memory_space<vmem>> -> memref<64xi32, #tpu.memory_space<vmem>>
      %dma_start3A_644 = arith.constant 0 : i32
      %dma_start3A_645 = arith.constant 0 : i32
      %dma_start3A_646 = tpu.memref_slice %arg2[%dma_start3A_644, %dma_start3A_645] : memref<10016x128xf32, #tpu.memory_space<hbm>> -> memref<10016x128xf32, #tpu.memory_space<hbm>>
      tpu.enqueue_indirect_dma source(%dma_start3A_646 : memref<10016x128xf32, #tpu.memory_space<hbm>>) target(%dma_start3A_640 : memref<64x128xf32, #tpu.memory_space<vmem>>) offsets(%dma_start3A_643 : memref<64xi32, #tpu.memory_space<vmem>>) semaphore(%arg14 : memref<!tpu.dma_semaphore, #tpu.memory_space<semaphore_mem>>)
      %dma_wait3A_647 = arith.constant 3 : i32
      %dma_wait3A_648 = arith.constant 0 : i32
      %dma_wait3A_649 = arith.constant 0 : i32
      %dma_wait3A_650 = tpu.memref_slice %arg11[%dma_wait3A_648, %dma_wait3A_649] : memref<128x128xf32, #tpu.memory_space<vmem>> -> memref<64x128xf32, #tpu.memory_space<vmem>>
      %dma_wait3A_651 = arith.constant 0 : i32
      %dma_wait3A_652 = tpu.memref_slice %arg8[%dma_wait3A_647, %dma_wait3A_651] : memref<16x128xi32, #tpu.memory_space<vmem>> -> memref<1x64xi32, #tpu.memory_space<vmem>>
      %dma_wait3A_653 = tpu.memref_squeeze %dma_wait3A_652 : memref<1x64xi32, #tpu.memory_space<vmem>> -> memref<64xi32, #tpu.memory_space<vmem>>
      %dma_wait3A_654 = arith.constant 0 : i32
      %dma_wait3A_655 = arith.constant 0 : i32
      %dma_wait3A_656 = tpu.memref_slice %arg2[%dma_wait3A_654, %dma_wait3A_655] : memref<10016x128xf32, #tpu.memory_space<hbm>> -> memref<10016x128xf32, #tpu.memory_space<hbm>>
      tpu.wait_indirect_dma semaphore(%arg15 : memref<!tpu.dma_semaphore, #tpu.memory_space<semaphore_mem>>) src(%dma_wait3A_656 : memref<10016x128xf32, #tpu.memory_space<hbm>>) dst(%dma_wait3A_650 : memref<64x128xf32, #tpu.memory_space<vmem>>)
      %dma_wait3A_657 = arith.constant 3 : i32
      %dma_wait3A_658 = arith.constant 64 : i32
      %dma_wait3A_659 = arith.constant 0 : i32
      %dma_wait3A_660 = tpu.memref_slice %arg11[%dma_wait3A_658, %dma_wait3A_659] : memref<128x128xf32, #tpu.memory_space<vmem>> -> memref<64x128xf32, #tpu.memory_space<vmem>>
      %dma_wait3A_661 = arith.constant 64 : i32
      %dma_wait3A_662 = tpu.memref_slice %arg8[%dma_wait3A_657, %dma_wait3A_661] : memref<16x128xi32, #tpu.memory_space<vmem>> -> memref<1x64xi32, #tpu.memory_space<vmem>>
      %dma_wait3A_663 = tpu.memref_squeeze %dma_wait3A_662 : memref<1x64xi32, #tpu.memory_space<vmem>> -> memref<64xi32, #tpu.memory_space<vmem>>
      %dma_wait3A_664 = arith.constant 0 : i32
      %dma_wait3A_665 = arith.constant 0 : i32
      %dma_wait3A_666 = tpu.memref_slice %arg2[%dma_wait3A_664, %dma_wait3A_665] : memref<10016x128xf32, #tpu.memory_space<hbm>> -> memref<10016x128xf32, #tpu.memory_space<hbm>>
      tpu.wait_indirect_dma semaphore(%arg15 : memref<!tpu.dma_semaphore, #tpu.memory_space<semaphore_mem>>) src(%dma_wait3A_666 : memref<10016x128xf32, #tpu.memory_space<hbm>>) dst(%dma_wait3A_660 : memref<64x128xf32, #tpu.memory_space<vmem>>)
      %dma_start3A_667 = arith.constant 3 : i32
      %dma_start3A_668 = arith.constant 0 : i32
      %dma_start3A_669 = tpu.memref_slice %arg9[%dma_start3A_667, %dma_start3A_668] : memref<16x128xi32, #tpu.memory_space<vmem>> -> memref<1x128xi32, #tpu.memory_space<vmem>>
      %dma_start3A_670 = tpu.memref_squeeze %dma_start3A_669 : memref<1x128xi32, #tpu.memory_space<vmem>> -> memref<128xi32, #tpu.memory_space<vmem>>
      %dma_start3A_671 = arith.constant 0 : i32
      %dma_start3A_672 = arith.constant 0 : i32
      %dma_start3A_673 = tpu.memref_slice %arg7[%dma_start3A_671, %dma_start3A_672] : memref<10240x128xf32, #tpu.memory_space<vmem_shared>> -> memref<10240x128xf32, #tpu.memory_space<vmem_shared>>
      tpu.enqueue_indirect_dma source(%arg11 : memref<128x128xf32, #tpu.memory_space<vmem>>) target(%dma_start3A_673 : memref<10240x128xf32, #tpu.memory_space<vmem_shared>>) offsets(%dma_start3A_670 : memref<128xi32, #tpu.memory_space<vmem>>) semaphore(%arg17 : memref<!tpu.dma_semaphore, #tpu.memory_space<semaphore_mem>>) {add = true}
      %scan3A_674 = arith.constant 0 : i32
      %scan3A_675 = arith.constant 0 : i32
      %scan3A_676 = arith.constant 8 : i32
      %scan3A_677 = arith.addi %scan3A_675, %scan3A_676 : i32
      %scan3A_678 = arith.constant 1 : i32
      scf.for %scan3A_1387 = %scan3A_675 to %scan3A_677 step %scan3A_678  : i32 {
        %mul3A_1388 = arith.constant 16 : i32
        %mul3A_1389 = arith.muli %scan3A_1387, %mul3A_1388 : i32
        %get3A = arith.constant 3 : i32
        %get3A_1390 = arith.index_cast %get3A : i32 to index
        %get3A_1391 = arith.index_cast %mul3A_1389 : i32 to index
        %get3A_1392 = tpu.vector_load %arg9[%get3A_1390, %get3A_1391] {strides = array<i32>} : memref<16x128xi32, #tpu.memory_space<vmem>>, vector<16xi32>,
        tpu.vector_store_idx %arg13[%get3A_1392], %broadcast_in_dim3A_414 {add = true} : memref<10224xf32, #tpu.memory_space<vmem>>[vector<16xi32>], vector<16xf32>,
      }
      %scan3A_679 = arith.constant 8 : i32
      %dma_wait3A_680 = arith.constant 3 : i32
      %dma_wait3A_681 = arith.constant 0 : i32
      %dma_wait3A_682 = tpu.memref_slice %arg9[%dma_wait3A_680, %dma_wait3A_681] : memref<16x128xi32, #tpu.memory_space<vmem>> -> memref<1x128xi32, #tpu.memory_space<vmem>>
      %dma_wait3A_683 = tpu.memref_squeeze %dma_wait3A_682 : memref<1x128xi32, #tpu.memory_space<vmem>> -> memref<128xi32, #tpu.memory_space<vmem>>
      %dma_wait3A_684 = arith.constant 0 : i32
      %dma_wait3A_685 = arith.constant 0 : i32
      %dma_wait3A_686 = tpu.memref_slice %arg7[%dma_wait3A_684, %dma_wait3A_685] : memref<10240x128xf32, #tpu.memory_space<vmem_shared>> -> memref<10240x128xf32, #tpu.memory_space<vmem_shared>>
      tpu.wait_indirect_dma semaphore(%arg17 : memref<!tpu.dma_semaphore, #tpu.memory_space<semaphore_mem>>) src(%arg11 : memref<128x128xf32, #tpu.memory_space<vmem>>) dst(%dma_wait3A_686 : memref<10240x128xf32, #tpu.memory_space<vmem_shared>>)
      %dma_start3A_687 = arith.constant 5 : i32
      %dma_start3A_688 = arith.constant 0 : i32
      %dma_start3A_689 = arith.constant 0 : i32
      %dma_start3A_690 = tpu.memref_slice %arg11[%dma_start3A_688, %dma_start3A_689] : memref<128x128xf32, #tpu.memory_space<vmem>> -> memref<64x128xf32, #tpu.memory_space<vmem>>
      %dma_start3A_691 = arith.constant 0 : i32
      %dma_start3A_692 = tpu.memref_slice %arg8[%dma_start3A_687, %dma_start3A_691] : memref<16x128xi32, #tpu.memory_space<vmem>> -> memref<1x64xi32, #tpu.memory_space<vmem>>
      %dma_start3A_693 = tpu.memref_squeeze %dma_start3A_692 : memref<1x64xi32, #tpu.memory_space<vmem>> -> memref<64xi32, #tpu.memory_space<vmem>>
      %dma_start3A_694 = arith.constant 0 : i32
      %dma_start3A_695 = arith.constant 0 : i32
      %dma_start3A_696 = tpu.memref_slice %arg2[%dma_start3A_694, %dma_start3A_695] : memref<10016x128xf32, #tpu.memory_space<hbm>> -> memref<10016x128xf32, #tpu.memory_space<hbm>>
      tpu.enqueue_indirect_dma source(%dma_start3A_696 : memref<10016x128xf32, #tpu.memory_space<hbm>>) target(%dma_start3A_690 : memref<64x128xf32, #tpu.memory_space<vmem>>) offsets(%dma_start3A_693 : memref<64xi32, #tpu.memory_space<vmem>>) semaphore(%arg15 : memref<!tpu.dma_semaphore, #tpu.memory_space<semaphore_mem>>)
      %dma_start3A_697 = arith.constant 5 : i32
      %dma_start3A_698 = arith.constant 64 : i32
      %dma_start3A_699 = arith.constant 0 : i32
      %dma_start3A_700 = tpu.memref_slice %arg11[%dma_start3A_698, %dma_start3A_699] : memref<128x128xf32, #tpu.memory_space<vmem>> -> memref<64x128xf32, #tpu.memory_space<vmem>>
      %dma_start3A_701 = arith.constant 64 : i32
      %dma_start3A_702 = tpu.memref_slice %arg8[%dma_start3A_697, %dma_start3A_701] : memref<16x128xi32, #tpu.memory_space<vmem>> -> memref<1x64xi32, #tpu.memory_space<vmem>>
      %dma_start3A_703 = tpu.memref_squeeze %dma_start3A_702 : memref<1x64xi32, #tpu.memory_space<vmem>> -> memref<64xi32, #tpu.memory_space<vmem>>
      %dma_start3A_704 = arith.constant 0 : i32
      %dma_start3A_705 = arith.constant 0 : i32
      %dma_start3A_706 = tpu.memref_slice %arg2[%dma_start3A_704, %dma_start3A_705] : memref<10016x128xf32, #tpu.memory_space<hbm>> -> memref<10016x128xf32, #tpu.memory_space<hbm>>
      tpu.enqueue_indirect_dma source(%dma_start3A_706 : memref<10016x128xf32, #tpu.memory_space<hbm>>) target(%dma_start3A_700 : memref<64x128xf32, #tpu.memory_space<vmem>>) offsets(%dma_start3A_703 : memref<64xi32, #tpu.memory_space<vmem>>) semaphore(%arg15 : memref<!tpu.dma_semaphore, #tpu.memory_space<semaphore_mem>>)
      %dma_wait3A_707 = arith.constant 4 : i32
      %dma_wait3A_708 = arith.constant 0 : i32
      %dma_wait3A_709 = arith.constant 0 : i32
      %dma_wait3A_710 = tpu.memref_slice %arg10[%dma_wait3A_708, %dma_wait3A_709] : memref<128x128xf32, #tpu.memory_space<vmem>> -> memref<64x128xf32, #tpu.memory_space<vmem>>
      %dma_wait3A_711 = arith.constant 0 : i32
      %dma_wait3A_712 = tpu.memref_slice %arg8[%dma_wait3A_707, %dma_wait3A_711] : memref<16x128xi32, #tpu.memory_space<vmem>> -> memref<1x64xi32, #tpu.memory_space<vmem>>
      %dma_wait3A_713 = tpu.memref_squeeze %dma_wait3A_712 : memref<1x64xi32, #tpu.memory_space<vmem>> -> memref<64xi32, #tpu.memory_space<vmem>>
      %dma_wait3A_714 = arith.constant 0 : i32
      %dma_wait3A_715 = arith.constant 0 : i32
      %dma_wait3A_716 = tpu.memref_slice %arg2[%dma_wait3A_714, %dma_wait3A_715] : memref<10016x128xf32, #tpu.memory_space<hbm>> -> memref<10016x128xf32, #tpu.memory_space<hbm>>
      tpu.wait_indirect_dma semaphore(%arg14 : memref<!tpu.dma_semaphore, #tpu.memory_space<semaphore_mem>>) src(%dma_wait3A_716 : memref<10016x128xf32, #tpu.memory_space<hbm>>) dst(%dma_wait3A_710 : memref<64x128xf32, #tpu.memory_space<vmem>>)
      %dma_wait3A_717 = arith.constant 4 : i32
      %dma_wait3A_718 = arith.constant 64 : i32
      %dma_wait3A_719 = arith.constant 0 : i32
      %dma_wait3A_720 = tpu.memref_slice %arg10[%dma_wait3A_718, %dma_wait3A_719] : memref<128x128xf32, #tpu.memory_space<vmem>> -> memref<64x128xf32, #tpu.memory_space<vmem>>
      %dma_wait3A_721 = arith.constant 64 : i32
      %dma_wait3A_722 = tpu.memref_slice %arg8[%dma_wait3A_717, %dma_wait3A_721] : memref<16x128xi32, #tpu.memory_space<vmem>> -> memref<1x64xi32, #tpu.memory_space<vmem>>
      %dma_wait3A_723 = tpu.memref_squeeze %dma_wait3A_722 : memref<1x64xi32, #tpu.memory_space<vmem>> -> memref<64xi32, #tpu.memory_space<vmem>>
      %dma_wait3A_724 = arith.constant 0 : i32
      %dma_wait3A_725 = arith.constant 0 : i32
      %dma_wait3A_726 = tpu.memref_slice %arg2[%dma_wait3A_724, %dma_wait3A_725] : memref<10016x128xf32, #tpu.memory_space<hbm>> -> memref<10016x128xf32, #tpu.memory_space<hbm>>
      tpu.wait_indirect_dma semaphore(%arg14 : memref<!tpu.dma_semaphore, #tpu.memory_space<semaphore_mem>>) src(%dma_wait3A_726 : memref<10016x128xf32, #tpu.memory_space<hbm>>) dst(%dma_wait3A_720 : memref<64x128xf32, #tpu.memory_space<vmem>>)
      %dma_start3A_727 = arith.constant 4 : i32
      %dma_start3A_728 = arith.constant 0 : i32
      %dma_start3A_729 = tpu.memref_slice %arg9[%dma_start3A_727, %dma_start3A_728] : memref<16x128xi32, #tpu.memory_space<vmem>> -> memref<1x128xi32, #tpu.memory_space<vmem>>
      %dma_start3A_730 = tpu.memref_squeeze %dma_start3A_729 : memref<1x128xi32, #tpu.memory_space<vmem>> -> memref<128xi32, #tpu.memory_space<vmem>>
      %dma_start3A_731 = arith.constant 0 : i32
      %dma_start3A_732 = arith.constant 0 : i32
      %dma_start3A_733 = tpu.memref_slice %arg7[%dma_start3A_731, %dma_start3A_732] : memref<10240x128xf32, #tpu.memory_space<vmem_shared>> -> memref<10240x128xf32, #tpu.memory_space<vmem_shared>>
      tpu.enqueue_indirect_dma source(%arg10 : memref<128x128xf32, #tpu.memory_space<vmem>>) target(%dma_start3A_733 : memref<10240x128xf32, #tpu.memory_space<vmem_shared>>) offsets(%dma_start3A_730 : memref<128xi32, #tpu.memory_space<vmem>>) semaphore(%arg16 : memref<!tpu.dma_semaphore, #tpu.memory_space<semaphore_mem>>) {add = true}
      %scan3A_734 = arith.constant 0 : i32
      %scan3A_735 = arith.constant 0 : i32
      %scan3A_736 = arith.constant 8 : i32
      %scan3A_737 = arith.addi %scan3A_735, %scan3A_736 : i32
      %scan3A_738 = arith.constant 1 : i32
      scf.for %scan3A_1387 = %scan3A_735 to %scan3A_737 step %scan3A_738  : i32 {
        %mul3A_1388 = arith.constant 16 : i32
        %mul3A_1389 = arith.muli %scan3A_1387, %mul3A_1388 : i32
        %get3A = arith.constant 4 : i32
        %get3A_1390 = arith.index_cast %get3A : i32 to index
        %get3A_1391 = arith.index_cast %mul3A_1389 : i32 to index
        %get3A_1392 = tpu.vector_load %arg9[%get3A_1390, %get3A_1391] {strides = array<i32>} : memref<16x128xi32, #tpu.memory_space<vmem>>, vector<16xi32>,
        tpu.vector_store_idx %arg13[%get3A_1392], %broadcast_in_dim3A_414 {add = true} : memref<10224xf32, #tpu.memory_space<vmem>>[vector<16xi32>], vector<16xf32>,
      }
      %scan3A_739 = arith.constant 8 : i32
      %dma_wait3A_740 = arith.constant 4 : i32
      %dma_wait3A_741 = arith.constant 0 : i32
      %dma_wait3A_742 = tpu.memref_slice %arg9[%dma_wait3A_740, %dma_wait3A_741] : memref<16x128xi32, #tpu.memory_space<vmem>> -> memref<1x128xi32, #tpu.memory_space<vmem>>
      %dma_wait3A_743 = tpu.memref_squeeze %dma_wait3A_742 : memref<1x128xi32, #tpu.memory_space<vmem>> -> memref<128xi32, #tpu.memory_space<vmem>>
      %dma_wait3A_744 = arith.constant 0 : i32
      %dma_wait3A_745 = arith.constant 0 : i32
      %dma_wait3A_746 = tpu.memref_slice %arg7[%dma_wait3A_744, %dma_wait3A_745] : memref<10240x128xf32, #tpu.memory_space<vmem_shared>> -> memref<10240x128xf32, #tpu.memory_space<vmem_shared>>
      tpu.wait_indirect_dma semaphore(%arg16 : memref<!tpu.dma_semaphore, #tpu.memory_space<semaphore_mem>>) src(%arg10 : memref<128x128xf32, #tpu.memory_space<vmem>>) dst(%dma_wait3A_746 : memref<10240x128xf32, #tpu.memory_space<vmem_shared>>)
      %dma_start3A_747 = arith.constant 6 : i32
      %dma_start3A_748 = arith.constant 0 : i32
      %dma_start3A_749 = arith.constant 0 : i32
      %dma_start3A_750 = tpu.memref_slice %arg10[%dma_start3A_748, %dma_start3A_749] : memref<128x128xf32, #tpu.memory_space<vmem>> -> memref<64x128xf32, #tpu.memory_space<vmem>>
      %dma_start3A_751 = arith.constant 0 : i32
      %dma_start3A_752 = tpu.memref_slice %arg8[%dma_start3A_747, %dma_start3A_751] : memref<16x128xi32, #tpu.memory_space<vmem>> -> memref<1x64xi32, #tpu.memory_space<vmem>>
      %dma_start3A_753 = tpu.memref_squeeze %dma_start3A_752 : memref<1x64xi32, #tpu.memory_space<vmem>> -> memref<64xi32, #tpu.memory_space<vmem>>
      %dma_start3A_754 = arith.constant 0 : i32
      %dma_start3A_755 = arith.constant 0 : i32
      %dma_start3A_756 = tpu.memref_slice %arg2[%dma_start3A_754, %dma_start3A_755] : memref<10016x128xf32, #tpu.memory_space<hbm>> -> memref<10016x128xf32, #tpu.memory_space<hbm>>
      tpu.enqueue_indirect_dma source(%dma_start3A_756 : memref<10016x128xf32, #tpu.memory_space<hbm>>) target(%dma_start3A_750 : memref<64x128xf32, #tpu.memory_space<vmem>>) offsets(%dma_start3A_753 : memref<64xi32, #tpu.memory_space<vmem>>) semaphore(%arg14 : memref<!tpu.dma_semaphore, #tpu.memory_space<semaphore_mem>>)
      %dma_start3A_757 = arith.constant 6 : i32
      %dma_start3A_758 = arith.constant 64 : i32
      %dma_start3A_759 = arith.constant 0 : i32
      %dma_start3A_760 = tpu.memref_slice %arg10[%dma_start3A_758, %dma_start3A_759] : memref<128x128xf32, #tpu.memory_space<vmem>> -> memref<64x128xf32, #tpu.memory_space<vmem>>
      %dma_start3A_761 = arith.constant 64 : i32
      %dma_start3A_762 = tpu.memref_slice %arg8[%dma_start3A_757, %dma_start3A_761] : memref<16x128xi32, #tpu.memory_space<vmem>> -> memref<1x64xi32, #tpu.memory_space<vmem>>
      %dma_start3A_763 = tpu.memref_squeeze %dma_start3A_762 : memref<1x64xi32, #tpu.memory_space<vmem>> -> memref<64xi32, #tpu.memory_space<vmem>>
      %dma_start3A_764 = arith.constant 0 : i32
      %dma_start3A_765 = arith.constant 0 : i32
      %dma_start3A_766 = tpu.memref_slice %arg2[%dma_start3A_764, %dma_start3A_765] : memref<10016x128xf32, #tpu.memory_space<hbm>> -> memref<10016x128xf32, #tpu.memory_space<hbm>>
      tpu.enqueue_indirect_dma source(%dma_start3A_766 : memref<10016x128xf32, #tpu.memory_space<hbm>>) target(%dma_start3A_760 : memref<64x128xf32, #tpu.memory_space<vmem>>) offsets(%dma_start3A_763 : memref<64xi32, #tpu.memory_space<vmem>>) semaphore(%arg14 : memref<!tpu.dma_semaphore, #tpu.memory_space<semaphore_mem>>)
      %dma_wait3A_767 = arith.constant 5 : i32
      %dma_wait3A_768 = arith.constant 0 : i32
      %dma_wait3A_769 = arith.constant 0 : i32
      %dma_wait3A_770 = tpu.memref_slice %arg11[%dma_wait3A_768, %dma_wait3A_769] : memref<128x128xf32, #tpu.memory_space<vmem>> -> memref<64x128xf32, #tpu.memory_space<vmem>>
      %dma_wait3A_771 = arith.constant 0 : i32
      %dma_wait3A_772 = tpu.memref_slice %arg8[%dma_wait3A_767, %dma_wait3A_771] : memref<16x128xi32, #tpu.memory_space<vmem>> -> memref<1x64xi32, #tpu.memory_space<vmem>>
      %dma_wait3A_773 = tpu.memref_squeeze %dma_wait3A_772 : memref<1x64xi32, #tpu.memory_space<vmem>> -> memref<64xi32, #tpu.memory_space<vmem>>
      %dma_wait3A_774 = arith.constant 0 : i32
      %dma_wait3A_775 = arith.constant 0 : i32
      %dma_wait3A_776 = tpu.memref_slice %arg2[%dma_wait3A_774, %dma_wait3A_775] : memref<10016x128xf32, #tpu.memory_space<hbm>> -> memref<10016x128xf32, #tpu.memory_space<hbm>>
      tpu.wait_indirect_dma semaphore(%arg15 : memref<!tpu.dma_semaphore, #tpu.memory_space<semaphore_mem>>) src(%dma_wait3A_776 : memref<10016x128xf32, #tpu.memory_space<hbm>>) dst(%dma_wait3A_770 : memref<64x128xf32, #tpu.memory_space<vmem>>)
      %dma_wait3A_777 = arith.constant 5 : i32
      %dma_wait3A_778 = arith.constant 64 : i32
      %dma_wait3A_779 = arith.constant 0 : i32
      %dma_wait3A_780 = tpu.memref_slice %arg11[%dma_wait3A_778, %dma_wait3A_779] : memref<128x128xf32, #tpu.memory_space<vmem>> -> memref<64x128xf32, #tpu.memory_space<vmem>>
      %dma_wait3A_781 = arith.constant 64 : i32
      %dma_wait3A_782 = tpu.memref_slice %arg8[%dma_wait3A_777, %dma_wait3A_781] : memref<16x128xi32, #tpu.memory_space<vmem>> -> memref<1x64xi32, #tpu.memory_space<vmem>>
      %dma_wait3A_783 = tpu.memref_squeeze %dma_wait3A_782 : memref<1x64xi32, #tpu.memory_space<vmem>> -> memref<64xi32, #tpu.memory_space<vmem>>
      %dma_wait3A_784 = arith.constant 0 : i32
      %dma_wait3A_785 = arith.constant 0 : i32
      %dma_wait3A_786 = tpu.memref_slice %arg2[%dma_wait3A_784, %dma_wait3A_785] : memref<10016x128xf32, #tpu.memory_space<hbm>> -> memref<10016x128xf32, #tpu.memory_space<hbm>>
      tpu.wait_indirect_dma semaphore(%arg15 : memref<!tpu.dma_semaphore, #tpu.memory_space<semaphore_mem>>) src(%dma_wait3A_786 : memref<10016x128xf32, #tpu.memory_space<hbm>>) dst(%dma_wait3A_780 : memref<64x128xf32, #tpu.memory_space<vmem>>)
      %dma_start3A_787 = arith.constant 5 : i32
      %dma_start3A_788 = arith.constant 0 : i32
      %dma_start3A_789 = tpu.memref_slice %arg9[%dma_start3A_787, %dma_start3A_788] : memref<16x128xi32, #tpu.memory_space<vmem>> -> memref<1x128xi32, #tpu.memory_space<vmem>>
      %dma_start3A_790 = tpu.memref_squeeze %dma_start3A_789 : memref<1x128xi32, #tpu.memory_space<vmem>> -> memref<128xi32, #tpu.memory_space<vmem>>
      %dma_start3A_791 = arith.constant 0 : i32
      %dma_start3A_792 = arith.constant 0 : i32
      %dma_start3A_793 = tpu.memref_slice %arg7[%dma_start3A_791, %dma_start3A_792] : memref<10240x128xf32, #tpu.memory_space<vmem_shared>> -> memref<10240x128xf32, #tpu.memory_space<vmem_shared>>
      tpu.enqueue_indirect_dma source(%arg11 : memref<128x128xf32, #tpu.memory_space<vmem>>) target(%dma_start3A_793 : memref<10240x128xf32, #tpu.memory_space<vmem_shared>>) offsets(%dma_start3A_790 : memref<128xi32, #tpu.memory_space<vmem>>) semaphore(%arg17 : memref<!tpu.dma_semaphore, #tpu.memory_space<semaphore_mem>>) {add = true}
      %scan3A_794 = arith.constant 0 : i32
      %scan3A_795 = arith.constant 0 : i32
      %scan3A_796 = arith.constant 8 : i32
      %scan3A_797 = arith.addi %scan3A_795, %scan3A_796 : i32
      %scan3A_798 = arith.constant 1 : i32
      scf.for %scan3A_1387 = %scan3A_795 to %scan3A_797 step %scan3A_798  : i32 {
        %mul3A_1388 = arith.constant 16 : i32
        %mul3A_1389 = arith.muli %scan3A_1387, %mul3A_1388 : i32
        %get3A = arith.constant 5 : i32
        %get3A_1390 = arith.index_cast %get3A : i32 to index
        %get3A_1391 = arith.index_cast %mul3A_1389 : i32 to index
        %get3A_1392 = tpu.vector_load %arg9[%get3A_1390, %get3A_1391] {strides = array<i32>} : memref<16x128xi32, #tpu.memory_space<vmem>>, vector<16xi32>,
        tpu.vector_store_idx %arg13[%get3A_1392], %broadcast_in_dim3A_414 {add = true} : memref<10224xf32, #tpu.memory_space<vmem>>[vector<16xi32>], vector<16xf32>,
      }
      %scan3A_799 = arith.constant 8 : i32
      %dma_wait3A_800 = arith.constant 5 : i32
      %dma_wait3A_801 = arith.constant 0 : i32
      %dma_wait3A_802 = tpu.memref_slice %arg9[%dma_wait3A_800, %dma_wait3A_801] : memref<16x128xi32, #tpu.memory_space<vmem>> -> memref<1x128xi32, #tpu.memory_space<vmem>>
      %dma_wait3A_803 = tpu.memref_squeeze %dma_wait3A_802 : memref<1x128xi32, #tpu.memory_space<vmem>> -> memref<128xi32, #tpu.memory_space<vmem>>
      %dma_wait3A_804 = arith.constant 0 : i32
      %dma_wait3A_805 = arith.constant 0 : i32
      %dma_wait3A_806 = tpu.memref_slice %arg7[%dma_wait3A_804, %dma_wait3A_805] : memref<10240x128xf32, #tpu.memory_space<vmem_shared>> -> memref<10240x128xf32, #tpu.memory_space<vmem_shared>>
      tpu.wait_indirect_dma semaphore(%arg17 : memref<!tpu.dma_semaphore, #tpu.memory_space<semaphore_mem>>) src(%arg11 : memref<128x128xf32, #tpu.memory_space<vmem>>) dst(%dma_wait3A_806 : memref<10240x128xf32, #tpu.memory_space<vmem_shared>>)
      %dma_start3A_807 = arith.constant 7 : i32
      %dma_start3A_808 = arith.constant 0 : i32
      %dma_start3A_809 = arith.constant 0 : i32
      %dma_start3A_810 = tpu.memref_slice %arg11[%dma_start3A_808, %dma_start3A_809] : memref<128x128xf32, #tpu.memory_space<vmem>> -> memref<64x128xf32, #tpu.memory_space<vmem>>
      %dma_start3A_811 = arith.constant 0 : i32
      %dma_start3A_812 = tpu.memref_slice %arg8[%dma_start3A_807, %dma_start3A_811] : memref<16x128xi32, #tpu.memory_space<vmem>> -> memref<1x64xi32, #tpu.memory_space<vmem>>
      %dma_start3A_813 = tpu.memref_squeeze %dma_start3A_812 : memref<1x64xi32, #tpu.memory_space<vmem>> -> memref<64xi32, #tpu.memory_space<vmem>>
      %dma_start3A_814 = arith.constant 0 : i32
      %dma_start3A_815 = arith.constant 0 : i32
      %dma_start3A_816 = tpu.memref_slice %arg2[%dma_start3A_814, %dma_start3A_815] : memref<10016x128xf32, #tpu.memory_space<hbm>> -> memref<10016x128xf32, #tpu.memory_space<hbm>>
      tpu.enqueue_indirect_dma source(%dma_start3A_816 : memref<10016x128xf32, #tpu.memory_space<hbm>>) target(%dma_start3A_810 : memref<64x128xf32, #tpu.memory_space<vmem>>) offsets(%dma_start3A_813 : memref<64xi32, #tpu.memory_space<vmem>>) semaphore(%arg15 : memref<!tpu.dma_semaphore, #tpu.memory_space<semaphore_mem>>)
      %dma_start3A_817 = arith.constant 7 : i32
      %dma_start3A_818 = arith.constant 64 : i32
      %dma_start3A_819 = arith.constant 0 : i32
      %dma_start3A_820 = tpu.memref_slice %arg11[%dma_start3A_818, %dma_start3A_819] : memref<128x128xf32, #tpu.memory_space<vmem>> -> memref<64x128xf32, #tpu.memory_space<vmem>>
      %dma_start3A_821 = arith.constant 64 : i32
      %dma_start3A_822 = tpu.memref_slice %arg8[%dma_start3A_817, %dma_start3A_821] : memref<16x128xi32, #tpu.memory_space<vmem>> -> memref<1x64xi32, #tpu.memory_space<vmem>>
      %dma_start3A_823 = tpu.memref_squeeze %dma_start3A_822 : memref<1x64xi32, #tpu.memory_space<vmem>> -> memref<64xi32, #tpu.memory_space<vmem>>
      %dma_start3A_824 = arith.constant 0 : i32
      %dma_start3A_825 = arith.constant 0 : i32
      %dma_start3A_826 = tpu.memref_slice %arg2[%dma_start3A_824, %dma_start3A_825] : memref<10016x128xf32, #tpu.memory_space<hbm>> -> memref<10016x128xf32, #tpu.memory_space<hbm>>
      tpu.enqueue_indirect_dma source(%dma_start3A_826 : memref<10016x128xf32, #tpu.memory_space<hbm>>) target(%dma_start3A_820 : memref<64x128xf32, #tpu.memory_space<vmem>>) offsets(%dma_start3A_823 : memref<64xi32, #tpu.memory_space<vmem>>) semaphore(%arg15 : memref<!tpu.dma_semaphore, #tpu.memory_space<semaphore_mem>>)
      %dma_wait3A_827 = arith.constant 6 : i32
      %dma_wait3A_828 = arith.constant 0 : i32
      %dma_wait3A_829 = arith.constant 0 : i32
      %dma_wait3A_830 = tpu.memref_slice %arg10[%dma_wait3A_828, %dma_wait3A_829] : memref<128x128xf32, #tpu.memory_space<vmem>> -> memref<64x128xf32, #tpu.memory_space<vmem>>
      %dma_wait3A_831 = arith.constant 0 : i32
      %dma_wait3A_832 = tpu.memref_slice %arg8[%dma_wait3A_827, %dma_wait3A_831] : memref<16x128xi32, #tpu.memory_space<vmem>> -> memref<1x64xi32, #tpu.memory_space<vmem>>
      %dma_wait3A_833 = tpu.memref_squeeze %dma_wait3A_832 : memref<1x64xi32, #tpu.memory_space<vmem>> -> memref<64xi32, #tpu.memory_space<vmem>>
      %dma_wait3A_834 = arith.constant 0 : i32
      %dma_wait3A_835 = arith.constant 0 : i32
      %dma_wait3A_836 = tpu.memref_slice %arg2[%dma_wait3A_834, %dma_wait3A_835] : memref<10016x128xf32, #tpu.memory_space<hbm>> -> memref<10016x128xf32, #tpu.memory_space<hbm>>
      tpu.wait_indirect_dma semaphore(%arg14 : memref<!tpu.dma_semaphore, #tpu.memory_space<semaphore_mem>>) src(%dma_wait3A_836 : memref<10016x128xf32, #tpu.memory_space<hbm>>) dst(%dma_wait3A_830 : memref<64x128xf32, #tpu.memory_space<vmem>>)
      %dma_wait3A_837 = arith.constant 6 : i32
      %dma_wait3A_838 = arith.constant 64 : i32
      %dma_wait3A_839 = arith.constant 0 : i32
      %dma_wait3A_840 = tpu.memref_slice %arg10[%dma_wait3A_838, %dma_wait3A_839] : memref<128x128xf32, #tpu.memory_space<vmem>> -> memref<64x128xf32, #tpu.memory_space<vmem>>
      %dma_wait3A_841 = arith.constant 64 : i32
      %dma_wait3A_842 = tpu.memref_slice %arg8[%dma_wait3A_837, %dma_wait3A_841] : memref<16x128xi32, #tpu.memory_space<vmem>> -> memref<1x64xi32, #tpu.memory_space<vmem>>
      %dma_wait3A_843 = tpu.memref_squeeze %dma_wait3A_842 : memref<1x64xi32, #tpu.memory_space<vmem>> -> memref<64xi32, #tpu.memory_space<vmem>>
      %dma_wait3A_844 = arith.constant 0 : i32
      %dma_wait3A_845 = arith.constant 0 : i32
      %dma_wait3A_846 = tpu.memref_slice %arg2[%dma_wait3A_844, %dma_wait3A_845] : memref<10016x128xf32, #tpu.memory_space<hbm>> -> memref<10016x128xf32, #tpu.memory_space<hbm>>
      tpu.wait_indirect_dma semaphore(%arg14 : memref<!tpu.dma_semaphore, #tpu.memory_space<semaphore_mem>>) src(%dma_wait3A_846 : memref<10016x128xf32, #tpu.memory_space<hbm>>) dst(%dma_wait3A_840 : memref<64x128xf32, #tpu.memory_space<vmem>>)
      %dma_start3A_847 = arith.constant 6 : i32
      %dma_start3A_848 = arith.constant 0 : i32
      %dma_start3A_849 = tpu.memref_slice %arg9[%dma_start3A_847, %dma_start3A_848] : memref<16x128xi32, #tpu.memory_space<vmem>> -> memref<1x128xi32, #tpu.memory_space<vmem>>
      %dma_start3A_850 = tpu.memref_squeeze %dma_start3A_849 : memref<1x128xi32, #tpu.memory_space<vmem>> -> memref<128xi32, #tpu.memory_space<vmem>>
      %dma_start3A_851 = arith.constant 0 : i32
      %dma_start3A_852 = arith.constant 0 : i32
      %dma_start3A_853 = tpu.memref_slice %arg7[%dma_start3A_851, %dma_start3A_852] : memref<10240x128xf32, #tpu.memory_space<vmem_shared>> -> memref<10240x128xf32, #tpu.memory_space<vmem_shared>>
      tpu.enqueue_indirect_dma source(%arg10 : memref<128x128xf32, #tpu.memory_space<vmem>>) target(%dma_start3A_853 : memref<10240x128xf32, #tpu.memory_space<vmem_shared>>) offsets(%dma_start3A_850 : memref<128xi32, #tpu.memory_space<vmem>>) semaphore(%arg16 : memref<!tpu.dma_semaphore, #tpu.memory_space<semaphore_mem>>) {add = true}
      %scan3A_854 = arith.constant 0 : i32
      %scan3A_855 = arith.constant 0 : i32
      %scan3A_856 = arith.constant 8 : i32
      %scan3A_857 = arith.addi %scan3A_855, %scan3A_856 : i32
      %scan3A_858 = arith.constant 1 : i32
      scf.for %scan3A_1387 = %scan3A_855 to %scan3A_857 step %scan3A_858  : i32 {
        %mul3A_1388 = arith.constant 16 : i32
        %mul3A_1389 = arith.muli %scan3A_1387, %mul3A_1388 : i32
        %get3A = arith.constant 6 : i32
        %get3A_1390 = arith.index_cast %get3A : i32 to index
        %get3A_1391 = arith.index_cast %mul3A_1389 : i32 to index
        %get3A_1392 = tpu.vector_load %arg9[%get3A_1390, %get3A_1391] {strides = array<i32>} : memref<16x128xi32, #tpu.memory_space<vmem>>, vector<16xi32>,
        tpu.vector_store_idx %arg13[%get3A_1392], %broadcast_in_dim3A_414 {add = true} : memref<10224xf32, #tpu.memory_space<vmem>>[vector<16xi32>], vector<16xf32>,
      }
      %scan3A_859 = arith.constant 8 : i32
      %dma_wait3A_860 = arith.constant 6 : i32
      %dma_wait3A_861 = arith.constant 0 : i32
      %dma_wait3A_862 = tpu.memref_slice %arg9[%dma_wait3A_860, %dma_wait3A_861] : memref<16x128xi32, #tpu.memory_space<vmem>> -> memref<1x128xi32, #tpu.memory_space<vmem>>
      %dma_wait3A_863 = tpu.memref_squeeze %dma_wait3A_862 : memref<1x128xi32, #tpu.memory_space<vmem>> -> memref<128xi32, #tpu.memory_space<vmem>>
      %dma_wait3A_864 = arith.constant 0 : i32
      %dma_wait3A_865 = arith.constant 0 : i32
      %dma_wait3A_866 = tpu.memref_slice %arg7[%dma_wait3A_864, %dma_wait3A_865] : memref<10240x128xf32, #tpu.memory_space<vmem_shared>> -> memref<10240x128xf32, #tpu.memory_space<vmem_shared>>
      tpu.wait_indirect_dma semaphore(%arg16 : memref<!tpu.dma_semaphore, #tpu.memory_space<semaphore_mem>>) src(%arg10 : memref<128x128xf32, #tpu.memory_space<vmem>>) dst(%dma_wait3A_866 : memref<10240x128xf32, #tpu.memory_space<vmem_shared>>)
      %dma_start3A_867 = arith.constant 8 : i32
      %dma_start3A_868 = arith.constant 0 : i32
      %dma_start3A_869 = arith.constant 0 : i32
      %dma_start3A_870 = tpu.memref_slice %arg10[%dma_start3A_868, %dma_start3A_869] : memref<128x128xf32, #tpu.memory_space<vmem>> -> memref<64x128xf32, #tpu.memory_space<vmem>>
      %dma_start3A_871 = arith.constant 0 : i32
      %dma_start3A_872 = tpu.memref_slice %arg8[%dma_start3A_867, %dma_start3A_871] : memref<16x128xi32, #tpu.memory_space<vmem>> -> memref<1x64xi32, #tpu.memory_space<vmem>>
      %dma_start3A_873 = tpu.memref_squeeze %dma_start3A_872 : memref<1x64xi32, #tpu.memory_space<vmem>> -> memref<64xi32, #tpu.memory_space<vmem>>
      %dma_start3A_874 = arith.constant 0 : i32
      %dma_start3A_875 = arith.constant 0 : i32
      %dma_start3A_876 = tpu.memref_slice %arg2[%dma_start3A_874, %dma_start3A_875] : memref<10016x128xf32, #tpu.memory_space<hbm>> -> memref<10016x128xf32, #tpu.memory_space<hbm>>
      tpu.enqueue_indirect_dma source(%dma_start3A_876 : memref<10016x128xf32, #tpu.memory_space<hbm>>) target(%dma_start3A_870 : memref<64x128xf32, #tpu.memory_space<vmem>>) offsets(%dma_start3A_873 : memref<64xi32, #tpu.memory_space<vmem>>) semaphore(%arg14 : memref<!tpu.dma_semaphore, #tpu.memory_space<semaphore_mem>>)
      %dma_start3A_877 = arith.constant 8 : i32
      %dma_start3A_878 = arith.constant 64 : i32
      %dma_start3A_879 = arith.constant 0 : i32
      %dma_start3A_880 = tpu.memref_slice %arg10[%dma_start3A_878, %dma_start3A_879] : memref<128x128xf32, #tpu.memory_space<vmem>> -> memref<64x128xf32, #tpu.memory_space<vmem>>
      %dma_start3A_881 = arith.constant 64 : i32
      %dma_start3A_882 = tpu.memref_slice %arg8[%dma_start3A_877, %dma_start3A_881] : memref<16x128xi32, #tpu.memory_space<vmem>> -> memref<1x64xi32, #tpu.memory_space<vmem>>
      %dma_start3A_883 = tpu.memref_squeeze %dma_start3A_882 : memref<1x64xi32, #tpu.memory_space<vmem>> -> memref<64xi32, #tpu.memory_space<vmem>>
      %dma_start3A_884 = arith.constant 0 : i32
      %dma_start3A_885 = arith.constant 0 : i32
      %dma_start3A_886 = tpu.memref_slice %arg2[%dma_start3A_884, %dma_start3A_885] : memref<10016x128xf32, #tpu.memory_space<hbm>> -> memref<10016x128xf32, #tpu.memory_space<hbm>>
      tpu.enqueue_indirect_dma source(%dma_start3A_886 : memref<10016x128xf32, #tpu.memory_space<hbm>>) target(%dma_start3A_880 : memref<64x128xf32, #tpu.memory_space<vmem>>) offsets(%dma_start3A_883 : memref<64xi32, #tpu.memory_space<vmem>>) semaphore(%arg14 : memref<!tpu.dma_semaphore, #tpu.memory_space<semaphore_mem>>)
      %dma_wait3A_887 = arith.constant 7 : i32
      %dma_wait3A_888 = arith.constant 0 : i32
      %dma_wait3A_889 = arith.constant 0 : i32
      %dma_wait3A_890 = tpu.memref_slice %arg11[%dma_wait3A_888, %dma_wait3A_889] : memref<128x128xf32, #tpu.memory_space<vmem>> -> memref<64x128xf32, #tpu.memory_space<vmem>>
      %dma_wait3A_891 = arith.constant 0 : i32
      %dma_wait3A_892 = tpu.memref_slice %arg8[%dma_wait3A_887, %dma_wait3A_891] : memref<16x128xi32, #tpu.memory_space<vmem>> -> memref<1x64xi32, #tpu.memory_space<vmem>>
      %dma_wait3A_893 = tpu.memref_squeeze %dma_wait3A_892 : memref<1x64xi32, #tpu.memory_space<vmem>> -> memref<64xi32, #tpu.memory_space<vmem>>
      %dma_wait3A_894 = arith.constant 0 : i32
      %dma_wait3A_895 = arith.constant 0 : i32
      %dma_wait3A_896 = tpu.memref_slice %arg2[%dma_wait3A_894, %dma_wait3A_895] : memref<10016x128xf32, #tpu.memory_space<hbm>> -> memref<10016x128xf32, #tpu.memory_space<hbm>>
      tpu.wait_indirect_dma semaphore(%arg15 : memref<!tpu.dma_semaphore, #tpu.memory_space<semaphore_mem>>) src(%dma_wait3A_896 : memref<10016x128xf32, #tpu.memory_space<hbm>>) dst(%dma_wait3A_890 : memref<64x128xf32, #tpu.memory_space<vmem>>)
      %dma_wait3A_897 = arith.constant 7 : i32
      %dma_wait3A_898 = arith.constant 64 : i32
      %dma_wait3A_899 = arith.constant 0 : i32
      %dma_wait3A_900 = tpu.memref_slice %arg11[%dma_wait3A_898, %dma_wait3A_899] : memref<128x128xf32, #tpu.memory_space<vmem>> -> memref<64x128xf32, #tpu.memory_space<vmem>>
      %dma_wait3A_901 = arith.constant 64 : i32
      %dma_wait3A_902 = tpu.memref_slice %arg8[%dma_wait3A_897, %dma_wait3A_901] : memref<16x128xi32, #tpu.memory_space<vmem>> -> memref<1x64xi32, #tpu.memory_space<vmem>>
      %dma_wait3A_903 = tpu.memref_squeeze %dma_wait3A_902 : memref<1x64xi32, #tpu.memory_space<vmem>> -> memref<64xi32, #tpu.memory_space<vmem>>
      %dma_wait3A_904 = arith.constant 0 : i32
      %dma_wait3A_905 = arith.constant 0 : i32
      %dma_wait3A_906 = tpu.memref_slice %arg2[%dma_wait3A_904, %dma_wait3A_905] : memref<10016x128xf32, #tpu.memory_space<hbm>> -> memref<10016x128xf32, #tpu.memory_space<hbm>>
      tpu.wait_indirect_dma semaphore(%arg15 : memref<!tpu.dma_semaphore, #tpu.memory_space<semaphore_mem>>) src(%dma_wait3A_906 : memref<10016x128xf32, #tpu.memory_space<hbm>>) dst(%dma_wait3A_900 : memref<64x128xf32, #tpu.memory_space<vmem>>)
      %dma_start3A_907 = arith.constant 7 : i32
      %dma_start3A_908 = arith.constant 0 : i32
      %dma_start3A_909 = tpu.memref_slice %arg9[%dma_start3A_907, %dma_start3A_908] : memref<16x128xi32, #tpu.memory_space<vmem>> -> memref<1x128xi32, #tpu.memory_space<vmem>>
      %dma_start3A_910 = tpu.memref_squeeze %dma_start3A_909 : memref<1x128xi32, #tpu.memory_space<vmem>> -> memref<128xi32, #tpu.memory_space<vmem>>
      %dma_start3A_911 = arith.constant 0 : i32
      %dma_start3A_912 = arith.constant 0 : i32
      %dma_start3A_913 = tpu.memref_slice %arg7[%dma_start3A_911, %dma_start3A_912] : memref<10240x128xf32, #tpu.memory_space<vmem_shared>> -> memref<10240x128xf32, #tpu.memory_space<vmem_shared>>
      tpu.enqueue_indirect_dma source(%arg11 : memref<128x128xf32, #tpu.memory_space<vmem>>) target(%dma_start3A_913 : memref<10240x128xf32, #tpu.memory_space<vmem_shared>>) offsets(%dma_start3A_910 : memref<128xi32, #tpu.memory_space<vmem>>) semaphore(%arg17 : memref<!tpu.dma_semaphore, #tpu.memory_space<semaphore_mem>>) {add = true}
      %scan3A_914 = arith.constant 0 : i32
      %scan3A_915 = arith.constant 0 : i32
      %scan3A_916 = arith.constant 8 : i32
      %scan3A_917 = arith.addi %scan3A_915, %scan3A_916 : i32
      %scan3A_918 = arith.constant 1 : i32
      scf.for %scan3A_1387 = %scan3A_915 to %scan3A_917 step %scan3A_918  : i32 {
        %mul3A_1388 = arith.constant 16 : i32
        %mul3A_1389 = arith.muli %scan3A_1387, %mul3A_1388 : i32
        %get3A = arith.constant 7 : i32
        %get3A_1390 = arith.index_cast %get3A : i32 to index
        %get3A_1391 = arith.index_cast %mul3A_1389 : i32 to index
        %get3A_1392 = tpu.vector_load %arg9[%get3A_1390, %get3A_1391] {strides = array<i32>} : memref<16x128xi32, #tpu.memory_space<vmem>>, vector<16xi32>,
        tpu.vector_store_idx %arg13[%get3A_1392], %broadcast_in_dim3A_414 {add = true} : memref<10224xf32, #tpu.memory_space<vmem>>[vector<16xi32>], vector<16xf32>,
      }
      %scan3A_919 = arith.constant 8 : i32
      %dma_wait3A_920 = arith.constant 7 : i32
      %dma_wait3A_921 = arith.constant 0 : i32
      %dma_wait3A_922 = tpu.memref_slice %arg9[%dma_wait3A_920, %dma_wait3A_921] : memref<16x128xi32, #tpu.memory_space<vmem>> -> memref<1x128xi32, #tpu.memory_space<vmem>>
      %dma_wait3A_923 = tpu.memref_squeeze %dma_wait3A_922 : memref<1x128xi32, #tpu.memory_space<vmem>> -> memref<128xi32, #tpu.memory_space<vmem>>
      %dma_wait3A_924 = arith.constant 0 : i32
      %dma_wait3A_925 = arith.constant 0 : i32
      %dma_wait3A_926 = tpu.memref_slice %arg7[%dma_wait3A_924, %dma_wait3A_925] : memref<10240x128xf32, #tpu.memory_space<vmem_shared>> -> memref<10240x128xf32, #tpu.memory_space<vmem_shared>>
      tpu.wait_indirect_dma semaphore(%arg17 : memref<!tpu.dma_semaphore, #tpu.memory_space<semaphore_mem>>) src(%arg11 : memref<128x128xf32, #tpu.memory_space<vmem>>) dst(%dma_wait3A_926 : memref<10240x128xf32, #tpu.memory_space<vmem_shared>>)
      %dma_start3A_927 = arith.constant 9 : i32
      %dma_start3A_928 = arith.constant 0 : i32
      %dma_start3A_929 = arith.constant 0 : i32
      %dma_start3A_930 = tpu.memref_slice %arg11[%dma_start3A_928, %dma_start3A_929] : memref<128x128xf32, #tpu.memory_space<vmem>> -> memref<64x128xf32, #tpu.memory_space<vmem>>
      %dma_start3A_931 = arith.constant 0 : i32
      %dma_start3A_932 = tpu.memref_slice %arg8[%dma_start3A_927, %dma_start3A_931] : memref<16x128xi32, #tpu.memory_space<vmem>> -> memref<1x64xi32, #tpu.memory_space<vmem>>
      %dma_start3A_933 = tpu.memref_squeeze %dma_start3A_932 : memref<1x64xi32, #tpu.memory_space<vmem>> -> memref<64xi32, #tpu.memory_space<vmem>>
      %dma_start3A_934 = arith.constant 0 : i32
      %dma_start3A_935 = arith.constant 0 : i32
      %dma_start3A_936 = tpu.memref_slice %arg2[%dma_start3A_934, %dma_start3A_935] : memref<10016x128xf32, #tpu.memory_space<hbm>> -> memref<10016x128xf32, #tpu.memory_space<hbm>>
      tpu.enqueue_indirect_dma source(%dma_start3A_936 : memref<10016x128xf32, #tpu.memory_space<hbm>>) target(%dma_start3A_930 : memref<64x128xf32, #tpu.memory_space<vmem>>) offsets(%dma_start3A_933 : memref<64xi32, #tpu.memory_space<vmem>>) semaphore(%arg15 : memref<!tpu.dma_semaphore, #tpu.memory_space<semaphore_mem>>)
      %dma_start3A_937 = arith.constant 9 : i32
      %dma_start3A_938 = arith.constant 64 : i32
      %dma_start3A_939 = arith.constant 0 : i32
      %dma_start3A_940 = tpu.memref_slice %arg11[%dma_start3A_938, %dma_start3A_939] : memref<128x128xf32, #tpu.memory_space<vmem>> -> memref<64x128xf32, #tpu.memory_space<vmem>>
      %dma_start3A_941 = arith.constant 64 : i32
      %dma_start3A_942 = tpu.memref_slice %arg8[%dma_start3A_937, %dma_start3A_941] : memref<16x128xi32, #tpu.memory_space<vmem>> -> memref<1x64xi32, #tpu.memory_space<vmem>>
      %dma_start3A_943 = tpu.memref_squeeze %dma_start3A_942 : memref<1x64xi32, #tpu.memory_space<vmem>> -> memref<64xi32, #tpu.memory_space<vmem>>
      %dma_start3A_944 = arith.constant 0 : i32
      %dma_start3A_945 = arith.constant 0 : i32
      %dma_start3A_946 = tpu.memref_slice %arg2[%dma_start3A_944, %dma_start3A_945] : memref<10016x128xf32, #tpu.memory_space<hbm>> -> memref<10016x128xf32, #tpu.memory_space<hbm>>
      tpu.enqueue_indirect_dma source(%dma_start3A_946 : memref<10016x128xf32, #tpu.memory_space<hbm>>) target(%dma_start3A_940 : memref<64x128xf32, #tpu.memory_space<vmem>>) offsets(%dma_start3A_943 : memref<64xi32, #tpu.memory_space<vmem>>) semaphore(%arg15 : memref<!tpu.dma_semaphore, #tpu.memory_space<semaphore_mem>>)
      %dma_wait3A_947 = arith.constant 8 : i32
      %dma_wait3A_948 = arith.constant 0 : i32
      %dma_wait3A_949 = arith.constant 0 : i32
      %dma_wait3A_950 = tpu.memref_slice %arg10[%dma_wait3A_948, %dma_wait3A_949] : memref<128x128xf32, #tpu.memory_space<vmem>> -> memref<64x128xf32, #tpu.memory_space<vmem>>
      %dma_wait3A_951 = arith.constant 0 : i32
      %dma_wait3A_952 = tpu.memref_slice %arg8[%dma_wait3A_947, %dma_wait3A_951] : memref<16x128xi32, #tpu.memory_space<vmem>> -> memref<1x64xi32, #tpu.memory_space<vmem>>
      %dma_wait3A_953 = tpu.memref_squeeze %dma_wait3A_952 : memref<1x64xi32, #tpu.memory_space<vmem>> -> memref<64xi32, #tpu.memory_space<vmem>>
      %dma_wait3A_954 = arith.constant 0 : i32
      %dma_wait3A_955 = arith.constant 0 : i32
      %dma_wait3A_956 = tpu.memref_slice %arg2[%dma_wait3A_954, %dma_wait3A_955] : memref<10016x128xf32, #tpu.memory_space<hbm>> -> memref<10016x128xf32, #tpu.memory_space<hbm>>
      tpu.wait_indirect_dma semaphore(%arg14 : memref<!tpu.dma_semaphore, #tpu.memory_space<semaphore_mem>>) src(%dma_wait3A_956 : memref<10016x128xf32, #tpu.memory_space<hbm>>) dst(%dma_wait3A_950 : memref<64x128xf32, #tpu.memory_space<vmem>>)
      %dma_wait3A_957 = arith.constant 8 : i32
      %dma_wait3A_958 = arith.constant 64 : i32
      %dma_wait3A_959 = arith.constant 0 : i32
      %dma_wait3A_960 = tpu.memref_slice %arg10[%dma_wait3A_958, %dma_wait3A_959] : memref<128x128xf32, #tpu.memory_space<vmem>> -> memref<64x128xf32, #tpu.memory_space<vmem>>
      %dma_wait3A_961 = arith.constant 64 : i32
      %dma_wait3A_962 = tpu.memref_slice %arg8[%dma_wait3A_957, %dma_wait3A_961] : memref<16x128xi32, #tpu.memory_space<vmem>> -> memref<1x64xi32, #tpu.memory_space<vmem>>
      %dma_wait3A_963 = tpu.memref_squeeze %dma_wait3A_962 : memref<1x64xi32, #tpu.memory_space<vmem>> -> memref<64xi32, #tpu.memory_space<vmem>>
      %dma_wait3A_964 = arith.constant 0 : i32
      %dma_wait3A_965 = arith.constant 0 : i32
      %dma_wait3A_966 = tpu.memref_slice %arg2[%dma_wait3A_964, %dma_wait3A_965] : memref<10016x128xf32, #tpu.memory_space<hbm>> -> memref<10016x128xf32, #tpu.memory_space<hbm>>
      tpu.wait_indirect_dma semaphore(%arg14 : memref<!tpu.dma_semaphore, #tpu.memory_space<semaphore_mem>>) src(%dma_wait3A_966 : memref<10016x128xf32, #tpu.memory_space<hbm>>) dst(%dma_wait3A_960 : memref<64x128xf32, #tpu.memory_space<vmem>>)
      %dma_start3A_967 = arith.constant 8 : i32
      %dma_start3A_968 = arith.constant 0 : i32
      %dma_start3A_969 = tpu.memref_slice %arg9[%dma_start3A_967, %dma_start3A_968] : memref<16x128xi32, #tpu.memory_space<vmem>> -> memref<1x128xi32, #tpu.memory_space<vmem>>
      %dma_start3A_970 = tpu.memref_squeeze %dma_start3A_969 : memref<1x128xi32, #tpu.memory_space<vmem>> -> memref<128xi32, #tpu.memory_space<vmem>>
      %dma_start3A_971 = arith.constant 0 : i32
      %dma_start3A_972 = arith.constant 0 : i32
      %dma_start3A_973 = tpu.memref_slice %arg7[%dma_start3A_971, %dma_start3A_972] : memref<10240x128xf32, #tpu.memory_space<vmem_shared>> -> memref<10240x128xf32, #tpu.memory_space<vmem_shared>>
      tpu.enqueue_indirect_dma source(%arg10 : memref<128x128xf32, #tpu.memory_space<vmem>>) target(%dma_start3A_973 : memref<10240x128xf32, #tpu.memory_space<vmem_shared>>) offsets(%dma_start3A_970 : memref<128xi32, #tpu.memory_space<vmem>>) semaphore(%arg16 : memref<!tpu.dma_semaphore, #tpu.memory_space<semaphore_mem>>) {add = true}
      %scan3A_974 = arith.constant 0 : i32
      %scan3A_975 = arith.constant 0 : i32
      %scan3A_976 = arith.constant 8 : i32
      %scan3A_977 = arith.addi %scan3A_975, %scan3A_976 : i32
      %scan3A_978 = arith.constant 1 : i32
      scf.for %scan3A_1387 = %scan3A_975 to %scan3A_977 step %scan3A_978  : i32 {
        %mul3A_1388 = arith.constant 16 : i32
        %mul3A_1389 = arith.muli %scan3A_1387, %mul3A_1388 : i32
        %get3A = arith.constant 8 : i32
        %get3A_1390 = arith.index_cast %get3A : i32 to index
        %get3A_1391 = arith.index_cast %mul3A_1389 : i32 to index
        %get3A_1392 = tpu.vector_load %arg9[%get3A_1390, %get3A_1391] {strides = array<i32>} : memref<16x128xi32, #tpu.memory_space<vmem>>, vector<16xi32>,
        tpu.vector_store_idx %arg13[%get3A_1392], %broadcast_in_dim3A_414 {add = true} : memref<10224xf32, #tpu.memory_space<vmem>>[vector<16xi32>], vector<16xf32>,
      }
      %scan3A_979 = arith.constant 8 : i32
      %dma_wait3A_980 = arith.constant 8 : i32
      %dma_wait3A_981 = arith.constant 0 : i32
      %dma_wait3A_982 = tpu.memref_slice %arg9[%dma_wait3A_980, %dma_wait3A_981] : memref<16x128xi32, #tpu.memory_space<vmem>> -> memref<1x128xi32, #tpu.memory_space<vmem>>
      %dma_wait3A_983 = tpu.memref_squeeze %dma_wait3A_982 : memref<1x128xi32, #tpu.memory_space<vmem>> -> memref<128xi32, #tpu.memory_space<vmem>>
      %dma_wait3A_984 = arith.constant 0 : i32
      %dma_wait3A_985 = arith.constant 0 : i32
      %dma_wait3A_986 = tpu.memref_slice %arg7[%dma_wait3A_984, %dma_wait3A_985] : memref<10240x128xf32, #tpu.memory_space<vmem_shared>> -> memref<10240x128xf32, #tpu.memory_space<vmem_shared>>
      tpu.wait_indirect_dma semaphore(%arg16 : memref<!tpu.dma_semaphore, #tpu.memory_space<semaphore_mem>>) src(%arg10 : memref<128x128xf32, #tpu.memory_space<vmem>>) dst(%dma_wait3A_986 : memref<10240x128xf32, #tpu.memory_space<vmem_shared>>)
      %dma_start3A_987 = arith.constant 10 : i32
      %dma_start3A_988 = arith.constant 0 : i32
      %dma_start3A_989 = arith.constant 0 : i32
      %dma_start3A_990 = tpu.memref_slice %arg10[%dma_start3A_988, %dma_start3A_989] : memref<128x128xf32, #tpu.memory_space<vmem>> -> memref<64x128xf32, #tpu.memory_space<vmem>>
      %dma_start3A_991 = arith.constant 0 : i32
      %dma_start3A_992 = tpu.memref_slice %arg8[%dma_start3A_987, %dma_start3A_991] : memref<16x128xi32, #tpu.memory_space<vmem>> -> memref<1x64xi32, #tpu.memory_space<vmem>>
      %dma_start3A_993 = tpu.memref_squeeze %dma_start3A_992 : memref<1x64xi32, #tpu.memory_space<vmem>> -> memref<64xi32, #tpu.memory_space<vmem>>
      %dma_start3A_994 = arith.constant 0 : i32
      %dma_start3A_995 = arith.constant 0 : i32
      %dma_start3A_996 = tpu.memref_slice %arg2[%dma_start3A_994, %dma_start3A_995] : memref<10016x128xf32, #tpu.memory_space<hbm>> -> memref<10016x128xf32, #tpu.memory_space<hbm>>
      tpu.enqueue_indirect_dma source(%dma_start3A_996 : memref<10016x128xf32, #tpu.memory_space<hbm>>) target(%dma_start3A_990 : memref<64x128xf32, #tpu.memory_space<vmem>>) offsets(%dma_start3A_993 : memref<64xi32, #tpu.memory_space<vmem>>) semaphore(%arg14 : memref<!tpu.dma_semaphore, #tpu.memory_space<semaphore_mem>>)
      %dma_start3A_997 = arith.constant 10 : i32
      %dma_start3A_998 = arith.constant 64 : i32
      %dma_start3A_999 = arith.constant 0 : i32
      %dma_start3A_1000 = tpu.memref_slice %arg10[%dma_start3A_998, %dma_start3A_999] : memref<128x128xf32, #tpu.memory_space<vmem>> -> memref<64x128xf32, #tpu.memory_space<vmem>>
      %dma_start3A_1001 = arith.constant 64 : i32
      %dma_start3A_1002 = tpu.memref_slice %arg8[%dma_start3A_997, %dma_start3A_1001] : memref<16x128xi32, #tpu.memory_space<vmem>> -> memref<1x64xi32, #tpu.memory_space<vmem>>
      %dma_start3A_1003 = tpu.memref_squeeze %dma_start3A_1002 : memref<1x64xi32, #tpu.memory_space<vmem>> -> memref<64xi32, #tpu.memory_space<vmem>>
      %dma_start3A_1004 = arith.constant 0 : i32
      %dma_start3A_1005 = arith.constant 0 : i32
      %dma_start3A_1006 = tpu.memref_slice %arg2[%dma_start3A_1004, %dma_start3A_1005] : memref<10016x128xf32, #tpu.memory_space<hbm>> -> memref<10016x128xf32, #tpu.memory_space<hbm>>
      tpu.enqueue_indirect_dma source(%dma_start3A_1006 : memref<10016x128xf32, #tpu.memory_space<hbm>>) target(%dma_start3A_1000 : memref<64x128xf32, #tpu.memory_space<vmem>>) offsets(%dma_start3A_1003 : memref<64xi32, #tpu.memory_space<vmem>>) semaphore(%arg14 : memref<!tpu.dma_semaphore, #tpu.memory_space<semaphore_mem>>)
      %dma_wait3A_1007 = arith.constant 9 : i32
      %dma_wait3A_1008 = arith.constant 0 : i32
      %dma_wait3A_1009 = arith.constant 0 : i32
      %dma_wait3A_1010 = tpu.memref_slice %arg11[%dma_wait3A_1008, %dma_wait3A_1009] : memref<128x128xf32, #tpu.memory_space<vmem>> -> memref<64x128xf32, #tpu.memory_space<vmem>>
      %dma_wait3A_1011 = arith.constant 0 : i32
      %dma_wait3A_1012 = tpu.memref_slice %arg8[%dma_wait3A_1007, %dma_wait3A_1011] : memref<16x128xi32, #tpu.memory_space<vmem>> -> memref<1x64xi32, #tpu.memory_space<vmem>>
      %dma_wait3A_1013 = tpu.memref_squeeze %dma_wait3A_1012 : memref<1x64xi32, #tpu.memory_space<vmem>> -> memref<64xi32, #tpu.memory_space<vmem>>
      %dma_wait3A_1014 = arith.constant 0 : i32
      %dma_wait3A_1015 = arith.constant 0 : i32
      %dma_wait3A_1016 = tpu.memref_slice %arg2[%dma_wait3A_1014, %dma_wait3A_1015] : memref<10016x128xf32, #tpu.memory_space<hbm>> -> memref<10016x128xf32, #tpu.memory_space<hbm>>
      tpu.wait_indirect_dma semaphore(%arg15 : memref<!tpu.dma_semaphore, #tpu.memory_space<semaphore_mem>>) src(%dma_wait3A_1016 : memref<10016x128xf32, #tpu.memory_space<hbm>>) dst(%dma_wait3A_1010 : memref<64x128xf32, #tpu.memory_space<vmem>>)
      %dma_wait3A_1017 = arith.constant 9 : i32
      %dma_wait3A_1018 = arith.constant 64 : i32
      %dma_wait3A_1019 = arith.constant 0 : i32
      %dma_wait3A_1020 = tpu.memref_slice %arg11[%dma_wait3A_1018, %dma_wait3A_1019] : memref<128x128xf32, #tpu.memory_space<vmem>> -> memref<64x128xf32, #tpu.memory_space<vmem>>
      %dma_wait3A_1021 = arith.constant 64 : i32
      %dma_wait3A_1022 = tpu.memref_slice %arg8[%dma_wait3A_1017, %dma_wait3A_1021] : memref<16x128xi32, #tpu.memory_space<vmem>> -> memref<1x64xi32, #tpu.memory_space<vmem>>
      %dma_wait3A_1023 = tpu.memref_squeeze %dma_wait3A_1022 : memref<1x64xi32, #tpu.memory_space<vmem>> -> memref<64xi32, #tpu.memory_space<vmem>>
      %dma_wait3A_1024 = arith.constant 0 : i32
      %dma_wait3A_1025 = arith.constant 0 : i32
      %dma_wait3A_1026 = tpu.memref_slice %arg2[%dma_wait3A_1024, %dma_wait3A_1025] : memref<10016x128xf32, #tpu.memory_space<hbm>> -> memref<10016x128xf32, #tpu.memory_space<hbm>>
      tpu.wait_indirect_dma semaphore(%arg15 : memref<!tpu.dma_semaphore, #tpu.memory_space<semaphore_mem>>) src(%dma_wait3A_1026 : memref<10016x128xf32, #tpu.memory_space<hbm>>) dst(%dma_wait3A_1020 : memref<64x128xf32, #tpu.memory_space<vmem>>)
      %dma_start3A_1027 = arith.constant 9 : i32
      %dma_start3A_1028 = arith.constant 0 : i32
      %dma_start3A_1029 = tpu.memref_slice %arg9[%dma_start3A_1027, %dma_start3A_1028] : memref<16x128xi32, #tpu.memory_space<vmem>> -> memref<1x128xi32, #tpu.memory_space<vmem>>
      %dma_start3A_1030 = tpu.memref_squeeze %dma_start3A_1029 : memref<1x128xi32, #tpu.memory_space<vmem>> -> memref<128xi32, #tpu.memory_space<vmem>>
      %dma_start3A_1031 = arith.constant 0 : i32
      %dma_start3A_1032 = arith.constant 0 : i32
      %dma_start3A_1033 = tpu.memref_slice %arg7[%dma_start3A_1031, %dma_start3A_1032] : memref<10240x128xf32, #tpu.memory_space<vmem_shared>> -> memref<10240x128xf32, #tpu.memory_space<vmem_shared>>
      tpu.enqueue_indirect_dma source(%arg11 : memref<128x128xf32, #tpu.memory_space<vmem>>) target(%dma_start3A_1033 : memref<10240x128xf32, #tpu.memory_space<vmem_shared>>) offsets(%dma_start3A_1030 : memref<128xi32, #tpu.memory_space<vmem>>) semaphore(%arg17 : memref<!tpu.dma_semaphore, #tpu.memory_space<semaphore_mem>>) {add = true}
      %scan3A_1034 = arith.constant 0 : i32
      %scan3A_1035 = arith.constant 0 : i32
      %scan3A_1036 = arith.constant 8 : i32
      %scan3A_1037 = arith.addi %scan3A_1035, %scan3A_1036 : i32
      %scan3A_1038 = arith.constant 1 : i32
      scf.for %scan3A_1387 = %scan3A_1035 to %scan3A_1037 step %scan3A_1038  : i32 {
        %mul3A_1388 = arith.constant 16 : i32
        %mul3A_1389 = arith.muli %scan3A_1387, %mul3A_1388 : i32
        %get3A = arith.constant 9 : i32
        %get3A_1390 = arith.index_cast %get3A : i32 to index
        %get3A_1391 = arith.index_cast %mul3A_1389 : i32 to index
        %get3A_1392 = tpu.vector_load %arg9[%get3A_1390, %get3A_1391] {strides = array<i32>} : memref<16x128xi32, #tpu.memory_space<vmem>>, vector<16xi32>,
        tpu.vector_store_idx %arg13[%get3A_1392], %broadcast_in_dim3A_414 {add = true} : memref<10224xf32, #tpu.memory_space<vmem>>[vector<16xi32>], vector<16xf32>,
      }
      %scan3A_1039 = arith.constant 8 : i32
      %dma_wait3A_1040 = arith.constant 9 : i32
      %dma_wait3A_1041 = arith.constant 0 : i32
      %dma_wait3A_1042 = tpu.memref_slice %arg9[%dma_wait3A_1040, %dma_wait3A_1041] : memref<16x128xi32, #tpu.memory_space<vmem>> -> memref<1x128xi32, #tpu.memory_space<vmem>>
      %dma_wait3A_1043 = tpu.memref_squeeze %dma_wait3A_1042 : memref<1x128xi32, #tpu.memory_space<vmem>> -> memref<128xi32, #tpu.memory_space<vmem>>
      %dma_wait3A_1044 = arith.constant 0 : i32
      %dma_wait3A_1045 = arith.constant 0 : i32
      %dma_wait3A_1046 = tpu.memref_slice %arg7[%dma_wait3A_1044, %dma_wait3A_1045] : memref<10240x128xf32, #tpu.memory_space<vmem_shared>> -> memref<10240x128xf32, #tpu.memory_space<vmem_shared>>
      tpu.wait_indirect_dma semaphore(%arg17 : memref<!tpu.dma_semaphore, #tpu.memory_space<semaphore_mem>>) src(%arg11 : memref<128x128xf32, #tpu.memory_space<vmem>>) dst(%dma_wait3A_1046 : memref<10240x128xf32, #tpu.memory_space<vmem_shared>>)
      %dma_start3A_1047 = arith.constant 11 : i32
      %dma_start3A_1048 = arith.constant 0 : i32
      %dma_start3A_1049 = arith.constant 0 : i32
      %dma_start3A_1050 = tpu.memref_slice %arg11[%dma_start3A_1048, %dma_start3A_1049] : memref<128x128xf32, #tpu.memory_space<vmem>> -> memref<64x128xf32, #tpu.memory_space<vmem>>
      %dma_start3A_1051 = arith.constant 0 : i32
      %dma_start3A_1052 = tpu.memref_slice %arg8[%dma_start3A_1047, %dma_start3A_1051] : memref<16x128xi32, #tpu.memory_space<vmem>> -> memref<1x64xi32, #tpu.memory_space<vmem>>
      %dma_start3A_1053 = tpu.memref_squeeze %dma_start3A_1052 : memref<1x64xi32, #tpu.memory_space<vmem>> -> memref<64xi32, #tpu.memory_space<vmem>>
      %dma_start3A_1054 = arith.constant 0 : i32
      %dma_start3A_1055 = arith.constant 0 : i32
      %dma_start3A_1056 = tpu.memref_slice %arg2[%dma_start3A_1054, %dma_start3A_1055] : memref<10016x128xf32, #tpu.memory_space<hbm>> -> memref<10016x128xf32, #tpu.memory_space<hbm>>
      tpu.enqueue_indirect_dma source(%dma_start3A_1056 : memref<10016x128xf32, #tpu.memory_space<hbm>>) target(%dma_start3A_1050 : memref<64x128xf32, #tpu.memory_space<vmem>>) offsets(%dma_start3A_1053 : memref<64xi32, #tpu.memory_space<vmem>>) semaphore(%arg15 : memref<!tpu.dma_semaphore, #tpu.memory_space<semaphore_mem>>)
      %dma_start3A_1057 = arith.constant 11 : i32
      %dma_start3A_1058 = arith.constant 64 : i32
      %dma_start3A_1059 = arith.constant 0 : i32
      %dma_start3A_1060 = tpu.memref_slice %arg11[%dma_start3A_1058, %dma_start3A_1059] : memref<128x128xf32, #tpu.memory_space<vmem>> -> memref<64x128xf32, #tpu.memory_space<vmem>>
      %dma_start3A_1061 = arith.constant 64 : i32
      %dma_start3A_1062 = tpu.memref_slice %arg8[%dma_start3A_1057, %dma_start3A_1061] : memref<16x128xi32, #tpu.memory_space<vmem>> -> memref<1x64xi32, #tpu.memory_space<vmem>>
      %dma_start3A_1063 = tpu.memref_squeeze %dma_start3A_1062 : memref<1x64xi32, #tpu.memory_space<vmem>> -> memref<64xi32, #tpu.memory_space<vmem>>
      %dma_start3A_1064 = arith.constant 0 : i32
      %dma_start3A_1065 = arith.constant 0 : i32
      %dma_start3A_1066 = tpu.memref_slice %arg2[%dma_start3A_1064, %dma_start3A_1065] : memref<10016x128xf32, #tpu.memory_space<hbm>> -> memref<10016x128xf32, #tpu.memory_space<hbm>>
      tpu.enqueue_indirect_dma source(%dma_start3A_1066 : memref<10016x128xf32, #tpu.memory_space<hbm>>) target(%dma_start3A_1060 : memref<64x128xf32, #tpu.memory_space<vmem>>) offsets(%dma_start3A_1063 : memref<64xi32, #tpu.memory_space<vmem>>) semaphore(%arg15 : memref<!tpu.dma_semaphore, #tpu.memory_space<semaphore_mem>>)
      %dma_wait3A_1067 = arith.constant 10 : i32
      %dma_wait3A_1068 = arith.constant 0 : i32
      %dma_wait3A_1069 = arith.constant 0 : i32
      %dma_wait3A_1070 = tpu.memref_slice %arg10[%dma_wait3A_1068, %dma_wait3A_1069] : memref<128x128xf32, #tpu.memory_space<vmem>> -> memref<64x128xf32, #tpu.memory_space<vmem>>
      %dma_wait3A_1071 = arith.constant 0 : i32
      %dma_wait3A_1072 = tpu.memref_slice %arg8[%dma_wait3A_1067, %dma_wait3A_1071] : memref<16x128xi32, #tpu.memory_space<vmem>> -> memref<1x64xi32, #tpu.memory_space<vmem>>
      %dma_wait3A_1073 = tpu.memref_squeeze %dma_wait3A_1072 : memref<1x64xi32, #tpu.memory_space<vmem>> -> memref<64xi32, #tpu.memory_space<vmem>>
      %dma_wait3A_1074 = arith.constant 0 : i32
      %dma_wait3A_1075 = arith.constant 0 : i32
      %dma_wait3A_1076 = tpu.memref_slice %arg2[%dma_wait3A_1074, %dma_wait3A_1075] : memref<10016x128xf32, #tpu.memory_space<hbm>> -> memref<10016x128xf32, #tpu.memory_space<hbm>>
      tpu.wait_indirect_dma semaphore(%arg14 : memref<!tpu.dma_semaphore, #tpu.memory_space<semaphore_mem>>) src(%dma_wait3A_1076 : memref<10016x128xf32, #tpu.memory_space<hbm>>) dst(%dma_wait3A_1070 : memref<64x128xf32, #tpu.memory_space<vmem>>)
      %dma_wait3A_1077 = arith.constant 10 : i32
      %dma_wait3A_1078 = arith.constant 64 : i32
      %dma_wait3A_1079 = arith.constant 0 : i32
      %dma_wait3A_1080 = tpu.memref_slice %arg10[%dma_wait3A_1078, %dma_wait3A_1079] : memref<128x128xf32, #tpu.memory_space<vmem>> -> memref<64x128xf32, #tpu.memory_space<vmem>>
      %dma_wait3A_1081 = arith.constant 64 : i32
      %dma_wait3A_1082 = tpu.memref_slice %arg8[%dma_wait3A_1077, %dma_wait3A_1081] : memref<16x128xi32, #tpu.memory_space<vmem>> -> memref<1x64xi32, #tpu.memory_space<vmem>>
      %dma_wait3A_1083 = tpu.memref_squeeze %dma_wait3A_1082 : memref<1x64xi32, #tpu.memory_space<vmem>> -> memref<64xi32, #tpu.memory_space<vmem>>
      %dma_wait3A_1084 = arith.constant 0 : i32
      %dma_wait3A_1085 = arith.constant 0 : i32
      %dma_wait3A_1086 = tpu.memref_slice %arg2[%dma_wait3A_1084, %dma_wait3A_1085] : memref<10016x128xf32, #tpu.memory_space<hbm>> -> memref<10016x128xf32, #tpu.memory_space<hbm>>
      tpu.wait_indirect_dma semaphore(%arg14 : memref<!tpu.dma_semaphore, #tpu.memory_space<semaphore_mem>>) src(%dma_wait3A_1086 : memref<10016x128xf32, #tpu.memory_space<hbm>>) dst(%dma_wait3A_1080 : memref<64x128xf32, #tpu.memory_space<vmem>>)
      %dma_start3A_1087 = arith.constant 10 : i32
      %dma_start3A_1088 = arith.constant 0 : i32
      %dma_start3A_1089 = tpu.memref_slice %arg9[%dma_start3A_1087, %dma_start3A_1088] : memref<16x128xi32, #tpu.memory_space<vmem>> -> memref<1x128xi32, #tpu.memory_space<vmem>>
      %dma_start3A_1090 = tpu.memref_squeeze %dma_start3A_1089 : memref<1x128xi32, #tpu.memory_space<vmem>> -> memref<128xi32, #tpu.memory_space<vmem>>
      %dma_start3A_1091 = arith.constant 0 : i32
      %dma_start3A_1092 = arith.constant 0 : i32
      %dma_start3A_1093 = tpu.memref_slice %arg7[%dma_start3A_1091, %dma_start3A_1092] : memref<10240x128xf32, #tpu.memory_space<vmem_shared>> -> memref<10240x128xf32, #tpu.memory_space<vmem_shared>>
      tpu.enqueue_indirect_dma source(%arg10 : memref<128x128xf32, #tpu.memory_space<vmem>>) target(%dma_start3A_1093 : memref<10240x128xf32, #tpu.memory_space<vmem_shared>>) offsets(%dma_start3A_1090 : memref<128xi32, #tpu.memory_space<vmem>>) semaphore(%arg16 : memref<!tpu.dma_semaphore, #tpu.memory_space<semaphore_mem>>) {add = true}
      %scan3A_1094 = arith.constant 0 : i32
      %scan3A_1095 = arith.constant 0 : i32
      %scan3A_1096 = arith.constant 8 : i32
      %scan3A_1097 = arith.addi %scan3A_1095, %scan3A_1096 : i32
      %scan3A_1098 = arith.constant 1 : i32
      scf.for %scan3A_1387 = %scan3A_1095 to %scan3A_1097 step %scan3A_1098  : i32 {
        %mul3A_1388 = arith.constant 16 : i32
        %mul3A_1389 = arith.muli %scan3A_1387, %mul3A_1388 : i32
        %get3A = arith.constant 10 : i32
        %get3A_1390 = arith.index_cast %get3A : i32 to index
        %get3A_1391 = arith.index_cast %mul3A_1389 : i32 to index
        %get3A_1392 = tpu.vector_load %arg9[%get3A_1390, %get3A_1391] {strides = array<i32>} : memref<16x128xi32, #tpu.memory_space<vmem>>, vector<16xi32>,
        tpu.vector_store_idx %arg13[%get3A_1392], %broadcast_in_dim3A_414 {add = true} : memref<10224xf32, #tpu.memory_space<vmem>>[vector<16xi32>], vector<16xf32>,
      }
      %scan3A_1099 = arith.constant 8 : i32
      %dma_wait3A_1100 = arith.constant 10 : i32
      %dma_wait3A_1101 = arith.constant 0 : i32
      %dma_wait3A_1102 = tpu.memref_slice %arg9[%dma_wait3A_1100, %dma_wait3A_1101] : memref<16x128xi32, #tpu.memory_space<vmem>> -> memref<1x128xi32, #tpu.memory_space<vmem>>
      %dma_wait3A_1103 = tpu.memref_squeeze %dma_wait3A_1102 : memref<1x128xi32, #tpu.memory_space<vmem>> -> memref<128xi32, #tpu.memory_space<vmem>>
      %dma_wait3A_1104 = arith.constant 0 : i32
      %dma_wait3A_1105 = arith.constant 0 : i32
      %dma_wait3A_1106 = tpu.memref_slice %arg7[%dma_wait3A_1104, %dma_wait3A_1105] : memref<10240x128xf32, #tpu.memory_space<vmem_shared>> -> memref<10240x128xf32, #tpu.memory_space<vmem_shared>>
      tpu.wait_indirect_dma semaphore(%arg16 : memref<!tpu.dma_semaphore, #tpu.memory_space<semaphore_mem>>) src(%arg10 : memref<128x128xf32, #tpu.memory_space<vmem>>) dst(%dma_wait3A_1106 : memref<10240x128xf32, #tpu.memory_space<vmem_shared>>)
      %dma_start3A_1107 = arith.constant 12 : i32
      %dma_start3A_1108 = arith.constant 0 : i32
      %dma_start3A_1109 = arith.constant 0 : i32
      %dma_start3A_1110 = tpu.memref_slice %arg10[%dma_start3A_1108, %dma_start3A_1109] : memref<128x128xf32, #tpu.memory_space<vmem>> -> memref<64x128xf32, #tpu.memory_space<vmem>>
      %dma_start3A_1111 = arith.constant 0 : i32
      %dma_start3A_1112 = tpu.memref_slice %arg8[%dma_start3A_1107, %dma_start3A_1111] : memref<16x128xi32, #tpu.memory_space<vmem>> -> memref<1x64xi32, #tpu.memory_space<vmem>>
      %dma_start3A_1113 = tpu.memref_squeeze %dma_start3A_1112 : memref<1x64xi32, #tpu.memory_space<vmem>> -> memref<64xi32, #tpu.memory_space<vmem>>
      %dma_start3A_1114 = arith.constant 0 : i32
      %dma_start3A_1115 = arith.constant 0 : i32
      %dma_start3A_1116 = tpu.memref_slice %arg2[%dma_start3A_1114, %dma_start3A_1115] : memref<10016x128xf32, #tpu.memory_space<hbm>> -> memref<10016x128xf32, #tpu.memory_space<hbm>>
      tpu.enqueue_indirect_dma source(%dma_start3A_1116 : memref<10016x128xf32, #tpu.memory_space<hbm>>) target(%dma_start3A_1110 : memref<64x128xf32, #tpu.memory_space<vmem>>) offsets(%dma_start3A_1113 : memref<64xi32, #tpu.memory_space<vmem>>) semaphore(%arg14 : memref<!tpu.dma_semaphore, #tpu.memory_space<semaphore_mem>>)
      %dma_start3A_1117 = arith.constant 12 : i32
      %dma_start3A_1118 = arith.constant 64 : i32
      %dma_start3A_1119 = arith.constant 0 : i32
      %dma_start3A_1120 = tpu.memref_slice %arg10[%dma_start3A_1118, %dma_start3A_1119] : memref<128x128xf32, #tpu.memory_space<vmem>> -> memref<64x128xf32, #tpu.memory_space<vmem>>
      %dma_start3A_1121 = arith.constant 64 : i32
      %dma_start3A_1122 = tpu.memref_slice %arg8[%dma_start3A_1117, %dma_start3A_1121] : memref<16x128xi32, #tpu.memory_space<vmem>> -> memref<1x64xi32, #tpu.memory_space<vmem>>
      %dma_start3A_1123 = tpu.memref_squeeze %dma_start3A_1122 : memref<1x64xi32, #tpu.memory_space<vmem>> -> memref<64xi32, #tpu.memory_space<vmem>>
      %dma_start3A_1124 = arith.constant 0 : i32
      %dma_start3A_1125 = arith.constant 0 : i32
      %dma_start3A_1126 = tpu.memref_slice %arg2[%dma_start3A_1124, %dma_start3A_1125] : memref<10016x128xf32, #tpu.memory_space<hbm>> -> memref<10016x128xf32, #tpu.memory_space<hbm>>
      tpu.enqueue_indirect_dma source(%dma_start3A_1126 : memref<10016x128xf32, #tpu.memory_space<hbm>>) target(%dma_start3A_1120 : memref<64x128xf32, #tpu.memory_space<vmem>>) offsets(%dma_start3A_1123 : memref<64xi32, #tpu.memory_space<vmem>>) semaphore(%arg14 : memref<!tpu.dma_semaphore, #tpu.memory_space<semaphore_mem>>)
      %dma_wait3A_1127 = arith.constant 11 : i32
      %dma_wait3A_1128 = arith.constant 0 : i32
      %dma_wait3A_1129 = arith.constant 0 : i32
      %dma_wait3A_1130 = tpu.memref_slice %arg11[%dma_wait3A_1128, %dma_wait3A_1129] : memref<128x128xf32, #tpu.memory_space<vmem>> -> memref<64x128xf32, #tpu.memory_space<vmem>>
      %dma_wait3A_1131 = arith.constant 0 : i32
      %dma_wait3A_1132 = tpu.memref_slice %arg8[%dma_wait3A_1127, %dma_wait3A_1131] : memref<16x128xi32, #tpu.memory_space<vmem>> -> memref<1x64xi32, #tpu.memory_space<vmem>>
      %dma_wait3A_1133 = tpu.memref_squeeze %dma_wait3A_1132 : memref<1x64xi32, #tpu.memory_space<vmem>> -> memref<64xi32, #tpu.memory_space<vmem>>
      %dma_wait3A_1134 = arith.constant 0 : i32
      %dma_wait3A_1135 = arith.constant 0 : i32
      %dma_wait3A_1136 = tpu.memref_slice %arg2[%dma_wait3A_1134, %dma_wait3A_1135] : memref<10016x128xf32, #tpu.memory_space<hbm>> -> memref<10016x128xf32, #tpu.memory_space<hbm>>
      tpu.wait_indirect_dma semaphore(%arg15 : memref<!tpu.dma_semaphore, #tpu.memory_space<semaphore_mem>>) src(%dma_wait3A_1136 : memref<10016x128xf32, #tpu.memory_space<hbm>>) dst(%dma_wait3A_1130 : memref<64x128xf32, #tpu.memory_space<vmem>>)
      %dma_wait3A_1137 = arith.constant 11 : i32
      %dma_wait3A_1138 = arith.constant 64 : i32
      %dma_wait3A_1139 = arith.constant 0 : i32
      %dma_wait3A_1140 = tpu.memref_slice %arg11[%dma_wait3A_1138, %dma_wait3A_1139] : memref<128x128xf32, #tpu.memory_space<vmem>> -> memref<64x128xf32, #tpu.memory_space<vmem>>
      %dma_wait3A_1141 = arith.constant 64 : i32
      %dma_wait3A_1142 = tpu.memref_slice %arg8[%dma_wait3A_1137, %dma_wait3A_1141] : memref<16x128xi32, #tpu.memory_space<vmem>> -> memref<1x64xi32, #tpu.memory_space<vmem>>
      %dma_wait3A_1143 = tpu.memref_squeeze %dma_wait3A_1142 : memref<1x64xi32, #tpu.memory_space<vmem>> -> memref<64xi32, #tpu.memory_space<vmem>>
      %dma_wait3A_1144 = arith.constant 0 : i32
      %dma_wait3A_1145 = arith.constant 0 : i32
      %dma_wait3A_1146 = tpu.memref_slice %arg2[%dma_wait3A_1144, %dma_wait3A_1145] : memref<10016x128xf32, #tpu.memory_space<hbm>> -> memref<10016x128xf32, #tpu.memory_space<hbm>>
      tpu.wait_indirect_dma semaphore(%arg15 : memref<!tpu.dma_semaphore, #tpu.memory_space<semaphore_mem>>) src(%dma_wait3A_1146 : memref<10016x128xf32, #tpu.memory_space<hbm>>) dst(%dma_wait3A_1140 : memref<64x128xf32, #tpu.memory_space<vmem>>)
      %dma_start3A_1147 = arith.constant 11 : i32
      %dma_start3A_1148 = arith.constant 0 : i32
      %dma_start3A_1149 = tpu.memref_slice %arg9[%dma_start3A_1147, %dma_start3A_1148] : memref<16x128xi32, #tpu.memory_space<vmem>> -> memref<1x128xi32, #tpu.memory_space<vmem>>
      %dma_start3A_1150 = tpu.memref_squeeze %dma_start3A_1149 : memref<1x128xi32, #tpu.memory_space<vmem>> -> memref<128xi32, #tpu.memory_space<vmem>>
      %dma_start3A_1151 = arith.constant 0 : i32
      %dma_start3A_1152 = arith.constant 0 : i32
      %dma_start3A_1153 = tpu.memref_slice %arg7[%dma_start3A_1151, %dma_start3A_1152] : memref<10240x128xf32, #tpu.memory_space<vmem_shared>> -> memref<10240x128xf32, #tpu.memory_space<vmem_shared>>
      tpu.enqueue_indirect_dma source(%arg11 : memref<128x128xf32, #tpu.memory_space<vmem>>) target(%dma_start3A_1153 : memref<10240x128xf32, #tpu.memory_space<vmem_shared>>) offsets(%dma_start3A_1150 : memref<128xi32, #tpu.memory_space<vmem>>) semaphore(%arg17 : memref<!tpu.dma_semaphore, #tpu.memory_space<semaphore_mem>>) {add = true}
      %scan3A_1154 = arith.constant 0 : i32
      %scan3A_1155 = arith.constant 0 : i32
      %scan3A_1156 = arith.constant 8 : i32
      %scan3A_1157 = arith.addi %scan3A_1155, %scan3A_1156 : i32
      %scan3A_1158 = arith.constant 1 : i32
      scf.for %scan3A_1387 = %scan3A_1155 to %scan3A_1157 step %scan3A_1158  : i32 {
        %mul3A_1388 = arith.constant 16 : i32
        %mul3A_1389 = arith.muli %scan3A_1387, %mul3A_1388 : i32
        %get3A = arith.constant 11 : i32
        %get3A_1390 = arith.index_cast %get3A : i32 to index
        %get3A_1391 = arith.index_cast %mul3A_1389 : i32 to index
        %get3A_1392 = tpu.vector_load %arg9[%get3A_1390, %get3A_1391] {strides = array<i32>} : memref<16x128xi32, #tpu.memory_space<vmem>>, vector<16xi32>,
        tpu.vector_store_idx %arg13[%get3A_1392], %broadcast_in_dim3A_414 {add = true} : memref<10224xf32, #tpu.memory_space<vmem>>[vector<16xi32>], vector<16xf32>,
      }
      %scan3A_1159 = arith.constant 8 : i32
      %dma_wait3A_1160 = arith.constant 11 : i32
      %dma_wait3A_1161 = arith.constant 0 : i32
      %dma_wait3A_1162 = tpu.memref_slice %arg9[%dma_wait3A_1160, %dma_wait3A_1161] : memref<16x128xi32, #tpu.memory_space<vmem>> -> memref<1x128xi32, #tpu.memory_space<vmem>>
      %dma_wait3A_1163 = tpu.memref_squeeze %dma_wait3A_1162 : memref<1x128xi32, #tpu.memory_space<vmem>> -> memref<128xi32, #tpu.memory_space<vmem>>
      %dma_wait3A_1164 = arith.constant 0 : i32
      %dma_wait3A_1165 = arith.constant 0 : i32
      %dma_wait3A_1166 = tpu.memref_slice %arg7[%dma_wait3A_1164, %dma_wait3A_1165] : memref<10240x128xf32, #tpu.memory_space<vmem_shared>> -> memref<10240x128xf32, #tpu.memory_space<vmem_shared>>
      tpu.wait_indirect_dma semaphore(%arg17 : memref<!tpu.dma_semaphore, #tpu.memory_space<semaphore_mem>>) src(%arg11 : memref<128x128xf32, #tpu.memory_space<vmem>>) dst(%dma_wait3A_1166 : memref<10240x128xf32, #tpu.memory_space<vmem_shared>>)
      %dma_start3A_1167 = arith.constant 13 : i32
      %dma_start3A_1168 = arith.constant 0 : i32
      %dma_start3A_1169 = arith.constant 0 : i32
      %dma_start3A_1170 = tpu.memref_slice %arg11[%dma_start3A_1168, %dma_start3A_1169] : memref<128x128xf32, #tpu.memory_space<vmem>> -> memref<64x128xf32, #tpu.memory_space<vmem>>
      %dma_start3A_1171 = arith.constant 0 : i32
      %dma_start3A_1172 = tpu.memref_slice %arg8[%dma_start3A_1167, %dma_start3A_1171] : memref<16x128xi32, #tpu.memory_space<vmem>> -> memref<1x64xi32, #tpu.memory_space<vmem>>
      %dma_start3A_1173 = tpu.memref_squeeze %dma_start3A_1172 : memref<1x64xi32, #tpu.memory_space<vmem>> -> memref<64xi32, #tpu.memory_space<vmem>>
      %dma_start3A_1174 = arith.constant 0 : i32
      %dma_start3A_1175 = arith.constant 0 : i32
      %dma_start3A_1176 = tpu.memref_slice %arg2[%dma_start3A_1174, %dma_start3A_1175] : memref<10016x128xf32, #tpu.memory_space<hbm>> -> memref<10016x128xf32, #tpu.memory_space<hbm>>
      tpu.enqueue_indirect_dma source(%dma_start3A_1176 : memref<10016x128xf32, #tpu.memory_space<hbm>>) target(%dma_start3A_1170 : memref<64x128xf32, #tpu.memory_space<vmem>>) offsets(%dma_start3A_1173 : memref<64xi32, #tpu.memory_space<vmem>>) semaphore(%arg15 : memref<!tpu.dma_semaphore, #tpu.memory_space<semaphore_mem>>)
      %dma_start3A_1177 = arith.constant 13 : i32
      %dma_start3A_1178 = arith.constant 64 : i32
      %dma_start3A_1179 = arith.constant 0 : i32
      %dma_start3A_1180 = tpu.memref_slice %arg11[%dma_start3A_1178, %dma_start3A_1179] : memref<128x128xf32, #tpu.memory_space<vmem>> -> memref<64x128xf32, #tpu.memory_space<vmem>>
      %dma_start3A_1181 = arith.constant 64 : i32
      %dma_start3A_1182 = tpu.memref_slice %arg8[%dma_start3A_1177, %dma_start3A_1181] : memref<16x128xi32, #tpu.memory_space<vmem>> -> memref<1x64xi32, #tpu.memory_space<vmem>>
      %dma_start3A_1183 = tpu.memref_squeeze %dma_start3A_1182 : memref<1x64xi32, #tpu.memory_space<vmem>> -> memref<64xi32, #tpu.memory_space<vmem>>
      %dma_start3A_1184 = arith.constant 0 : i32
      %dma_start3A_1185 = arith.constant 0 : i32
      %dma_start3A_1186 = tpu.memref_slice %arg2[%dma_start3A_1184, %dma_start3A_1185] : memref<10016x128xf32, #tpu.memory_space<hbm>> -> memref<10016x128xf32, #tpu.memory_space<hbm>>
      tpu.enqueue_indirect_dma source(%dma_start3A_1186 : memref<10016x128xf32, #tpu.memory_space<hbm>>) target(%dma_start3A_1180 : memref<64x128xf32, #tpu.memory_space<vmem>>) offsets(%dma_start3A_1183 : memref<64xi32, #tpu.memory_space<vmem>>) semaphore(%arg15 : memref<!tpu.dma_semaphore, #tpu.memory_space<semaphore_mem>>)
      %dma_wait3A_1187 = arith.constant 12 : i32
      %dma_wait3A_1188 = arith.constant 0 : i32
      %dma_wait3A_1189 = arith.constant 0 : i32
      %dma_wait3A_1190 = tpu.memref_slice %arg10[%dma_wait3A_1188, %dma_wait3A_1189] : memref<128x128xf32, #tpu.memory_space<vmem>> -> memref<64x128xf32, #tpu.memory_space<vmem>>
      %dma_wait3A_1191 = arith.constant 0 : i32
      %dma_wait3A_1192 = tpu.memref_slice %arg8[%dma_wait3A_1187, %dma_wait3A_1191] : memref<16x128xi32, #tpu.memory_space<vmem>> -> memref<1x64xi32, #tpu.memory_space<vmem>>
      %dma_wait3A_1193 = tpu.memref_squeeze %dma_wait3A_1192 : memref<1x64xi32, #tpu.memory_space<vmem>> -> memref<64xi32, #tpu.memory_space<vmem>>
      %dma_wait3A_1194 = arith.constant 0 : i32
      %dma_wait3A_1195 = arith.constant 0 : i32
      %dma_wait3A_1196 = tpu.memref_slice %arg2[%dma_wait3A_1194, %dma_wait3A_1195] : memref<10016x128xf32, #tpu.memory_space<hbm>> -> memref<10016x128xf32, #tpu.memory_space<hbm>>
      tpu.wait_indirect_dma semaphore(%arg14 : memref<!tpu.dma_semaphore, #tpu.memory_space<semaphore_mem>>) src(%dma_wait3A_1196 : memref<10016x128xf32, #tpu.memory_space<hbm>>) dst(%dma_wait3A_1190 : memref<64x128xf32, #tpu.memory_space<vmem>>)
      %dma_wait3A_1197 = arith.constant 12 : i32
      %dma_wait3A_1198 = arith.constant 64 : i32
      %dma_wait3A_1199 = arith.constant 0 : i32
      %dma_wait3A_1200 = tpu.memref_slice %arg10[%dma_wait3A_1198, %dma_wait3A_1199] : memref<128x128xf32, #tpu.memory_space<vmem>> -> memref<64x128xf32, #tpu.memory_space<vmem>>
      %dma_wait3A_1201 = arith.constant 64 : i32
      %dma_wait3A_1202 = tpu.memref_slice %arg8[%dma_wait3A_1197, %dma_wait3A_1201] : memref<16x128xi32, #tpu.memory_space<vmem>> -> memref<1x64xi32, #tpu.memory_space<vmem>>
      %dma_wait3A_1203 = tpu.memref_squeeze %dma_wait3A_1202 : memref<1x64xi32, #tpu.memory_space<vmem>> -> memref<64xi32, #tpu.memory_space<vmem>>
      %dma_wait3A_1204 = arith.constant 0 : i32
      %dma_wait3A_1205 = arith.constant 0 : i32
      %dma_wait3A_1206 = tpu.memref_slice %arg2[%dma_wait3A_1204, %dma_wait3A_1205] : memref<10016x128xf32, #tpu.memory_space<hbm>> -> memref<10016x128xf32, #tpu.memory_space<hbm>>
      tpu.wait_indirect_dma semaphore(%arg14 : memref<!tpu.dma_semaphore, #tpu.memory_space<semaphore_mem>>) src(%dma_wait3A_1206 : memref<10016x128xf32, #tpu.memory_space<hbm>>) dst(%dma_wait3A_1200 : memref<64x128xf32, #tpu.memory_space<vmem>>)
      %dma_start3A_1207 = arith.constant 12 : i32
      %dma_start3A_1208 = arith.constant 0 : i32
      %dma_start3A_1209 = tpu.memref_slice %arg9[%dma_start3A_1207, %dma_start3A_1208] : memref<16x128xi32, #tpu.memory_space<vmem>> -> memref<1x128xi32, #tpu.memory_space<vmem>>
      %dma_start3A_1210 = tpu.memref_squeeze %dma_start3A_1209 : memref<1x128xi32, #tpu.memory_space<vmem>> -> memref<128xi32, #tpu.memory_space<vmem>>
      %dma_start3A_1211 = arith.constant 0 : i32
      %dma_start3A_1212 = arith.constant 0 : i32
      %dma_start3A_1213 = tpu.memref_slice %arg7[%dma_start3A_1211, %dma_start3A_1212] : memref<10240x128xf32, #tpu.memory_space<vmem_shared>> -> memref<10240x128xf32, #tpu.memory_space<vmem_shared>>
      tpu.enqueue_indirect_dma source(%arg10 : memref<128x128xf32, #tpu.memory_space<vmem>>) target(%dma_start3A_1213 : memref<10240x128xf32, #tpu.memory_space<vmem_shared>>) offsets(%dma_start3A_1210 : memref<128xi32, #tpu.memory_space<vmem>>) semaphore(%arg16 : memref<!tpu.dma_semaphore, #tpu.memory_space<semaphore_mem>>) {add = true}
      %scan3A_1214 = arith.constant 0 : i32
      %scan3A_1215 = arith.constant 0 : i32
      %scan3A_1216 = arith.constant 8 : i32
      %scan3A_1217 = arith.addi %scan3A_1215, %scan3A_1216 : i32
      %scan3A_1218 = arith.constant 1 : i32
      scf.for %scan3A_1387 = %scan3A_1215 to %scan3A_1217 step %scan3A_1218  : i32 {
        %mul3A_1388 = arith.constant 16 : i32
        %mul3A_1389 = arith.muli %scan3A_1387, %mul3A_1388 : i32
        %get3A = arith.constant 12 : i32
        %get3A_1390 = arith.index_cast %get3A : i32 to index
        %get3A_1391 = arith.index_cast %mul3A_1389 : i32 to index
        %get3A_1392 = tpu.vector_load %arg9[%get3A_1390, %get3A_1391] {strides = array<i32>} : memref<16x128xi32, #tpu.memory_space<vmem>>, vector<16xi32>,
        tpu.vector_store_idx %arg13[%get3A_1392], %broadcast_in_dim3A_414 {add = true} : memref<10224xf32, #tpu.memory_space<vmem>>[vector<16xi32>], vector<16xf32>,
      }
      %scan3A_1219 = arith.constant 8 : i32
      %dma_wait3A_1220 = arith.constant 12 : i32
      %dma_wait3A_1221 = arith.constant 0 : i32
      %dma_wait3A_1222 = tpu.memref_slice %arg9[%dma_wait3A_1220, %dma_wait3A_1221] : memref<16x128xi32, #tpu.memory_space<vmem>> -> memref<1x128xi32, #tpu.memory_space<vmem>>
      %dma_wait3A_1223 = tpu.memref_squeeze %dma_wait3A_1222 : memref<1x128xi32, #tpu.memory_space<vmem>> -> memref<128xi32, #tpu.memory_space<vmem>>
      %dma_wait3A_1224 = arith.constant 0 : i32
      %dma_wait3A_1225 = arith.constant 0 : i32
      %dma_wait3A_1226 = tpu.memref_slice %arg7[%dma_wait3A_1224, %dma_wait3A_1225] : memref<10240x128xf32, #tpu.memory_space<vmem_shared>> -> memref<10240x128xf32, #tpu.memory_space<vmem_shared>>
      tpu.wait_indirect_dma semaphore(%arg16 : memref<!tpu.dma_semaphore, #tpu.memory_space<semaphore_mem>>) src(%arg10 : memref<128x128xf32, #tpu.memory_space<vmem>>) dst(%dma_wait3A_1226 : memref<10240x128xf32, #tpu.memory_space<vmem_shared>>)
      %dma_start3A_1227 = arith.constant 14 : i32
      %dma_start3A_1228 = arith.constant 0 : i32
      %dma_start3A_1229 = arith.constant 0 : i32
      %dma_start3A_1230 = tpu.memref_slice %arg10[%dma_start3A_1228, %dma_start3A_1229] : memref<128x128xf32, #tpu.memory_space<vmem>> -> memref<64x128xf32, #tpu.memory_space<vmem>>
      %dma_start3A_1231 = arith.constant 0 : i32
      %dma_start3A_1232 = tpu.memref_slice %arg8[%dma_start3A_1227, %dma_start3A_1231] : memref<16x128xi32, #tpu.memory_space<vmem>> -> memref<1x64xi32, #tpu.memory_space<vmem>>
      %dma_start3A_1233 = tpu.memref_squeeze %dma_start3A_1232 : memref<1x64xi32, #tpu.memory_space<vmem>> -> memref<64xi32, #tpu.memory_space<vmem>>
      %dma_start3A_1234 = arith.constant 0 : i32
      %dma_start3A_1235 = arith.constant 0 : i32
      %dma_start3A_1236 = tpu.memref_slice %arg2[%dma_start3A_1234, %dma_start3A_1235] : memref<10016x128xf32, #tpu.memory_space<hbm>> -> memref<10016x128xf32, #tpu.memory_space<hbm>>
      tpu.enqueue_indirect_dma source(%dma_start3A_1236 : memref<10016x128xf32, #tpu.memory_space<hbm>>) target(%dma_start3A_1230 : memref<64x128xf32, #tpu.memory_space<vmem>>) offsets(%dma_start3A_1233 : memref<64xi32, #tpu.memory_space<vmem>>) semaphore(%arg14 : memref<!tpu.dma_semaphore, #tpu.memory_space<semaphore_mem>>)
      %dma_start3A_1237 = arith.constant 14 : i32
      %dma_start3A_1238 = arith.constant 64 : i32
      %dma_start3A_1239 = arith.constant 0 : i32
      %dma_start3A_1240 = tpu.memref_slice %arg10[%dma_start3A_1238, %dma_start3A_1239] : memref<128x128xf32, #tpu.memory_space<vmem>> -> memref<64x128xf32, #tpu.memory_space<vmem>>
      %dma_start3A_1241 = arith.constant 64 : i32
      %dma_start3A_1242 = tpu.memref_slice %arg8[%dma_start3A_1237, %dma_start3A_1241] : memref<16x128xi32, #tpu.memory_space<vmem>> -> memref<1x64xi32, #tpu.memory_space<vmem>>
      %dma_start3A_1243 = tpu.memref_squeeze %dma_start3A_1242 : memref<1x64xi32, #tpu.memory_space<vmem>> -> memref<64xi32, #tpu.memory_space<vmem>>
      %dma_start3A_1244 = arith.constant 0 : i32
      %dma_start3A_1245 = arith.constant 0 : i32
      %dma_start3A_1246 = tpu.memref_slice %arg2[%dma_start3A_1244, %dma_start3A_1245] : memref<10016x128xf32, #tpu.memory_space<hbm>> -> memref<10016x128xf32, #tpu.memory_space<hbm>>
      tpu.enqueue_indirect_dma source(%dma_start3A_1246 : memref<10016x128xf32, #tpu.memory_space<hbm>>) target(%dma_start3A_1240 : memref<64x128xf32, #tpu.memory_space<vmem>>) offsets(%dma_start3A_1243 : memref<64xi32, #tpu.memory_space<vmem>>) semaphore(%arg14 : memref<!tpu.dma_semaphore, #tpu.memory_space<semaphore_mem>>)
      %dma_wait3A_1247 = arith.constant 13 : i32
      %dma_wait3A_1248 = arith.constant 0 : i32
      %dma_wait3A_1249 = arith.constant 0 : i32
      %dma_wait3A_1250 = tpu.memref_slice %arg11[%dma_wait3A_1248, %dma_wait3A_1249] : memref<128x128xf32, #tpu.memory_space<vmem>> -> memref<64x128xf32, #tpu.memory_space<vmem>>
      %dma_wait3A_1251 = arith.constant 0 : i32
      %dma_wait3A_1252 = tpu.memref_slice %arg8[%dma_wait3A_1247, %dma_wait3A_1251] : memref<16x128xi32, #tpu.memory_space<vmem>> -> memref<1x64xi32, #tpu.memory_space<vmem>>
      %dma_wait3A_1253 = tpu.memref_squeeze %dma_wait3A_1252 : memref<1x64xi32, #tpu.memory_space<vmem>> -> memref<64xi32, #tpu.memory_space<vmem>>
      %dma_wait3A_1254 = arith.constant 0 : i32
      %dma_wait3A_1255 = arith.constant 0 : i32
      %dma_wait3A_1256 = tpu.memref_slice %arg2[%dma_wait3A_1254, %dma_wait3A_1255] : memref<10016x128xf32, #tpu.memory_space<hbm>> -> memref<10016x128xf32, #tpu.memory_space<hbm>>
      tpu.wait_indirect_dma semaphore(%arg15 : memref<!tpu.dma_semaphore, #tpu.memory_space<semaphore_mem>>) src(%dma_wait3A_1256 : memref<10016x128xf32, #tpu.memory_space<hbm>>) dst(%dma_wait3A_1250 : memref<64x128xf32, #tpu.memory_space<vmem>>)
      %dma_wait3A_1257 = arith.constant 13 : i32
      %dma_wait3A_1258 = arith.constant 64 : i32
      %dma_wait3A_1259 = arith.constant 0 : i32
      %dma_wait3A_1260 = tpu.memref_slice %arg11[%dma_wait3A_1258, %dma_wait3A_1259] : memref<128x128xf32, #tpu.memory_space<vmem>> -> memref<64x128xf32, #tpu.memory_space<vmem>>
      %dma_wait3A_1261 = arith.constant 64 : i32
      %dma_wait3A_1262 = tpu.memref_slice %arg8[%dma_wait3A_1257, %dma_wait3A_1261] : memref<16x128xi32, #tpu.memory_space<vmem>> -> memref<1x64xi32, #tpu.memory_space<vmem>>
      %dma_wait3A_1263 = tpu.memref_squeeze %dma_wait3A_1262 : memref<1x64xi32, #tpu.memory_space<vmem>> -> memref<64xi32, #tpu.memory_space<vmem>>
      %dma_wait3A_1264 = arith.constant 0 : i32
      %dma_wait3A_1265 = arith.constant 0 : i32
      %dma_wait3A_1266 = tpu.memref_slice %arg2[%dma_wait3A_1264, %dma_wait3A_1265] : memref<10016x128xf32, #tpu.memory_space<hbm>> -> memref<10016x128xf32, #tpu.memory_space<hbm>>
      tpu.wait_indirect_dma semaphore(%arg15 : memref<!tpu.dma_semaphore, #tpu.memory_space<semaphore_mem>>) src(%dma_wait3A_1266 : memref<10016x128xf32, #tpu.memory_space<hbm>>) dst(%dma_wait3A_1260 : memref<64x128xf32, #tpu.memory_space<vmem>>)
      %dma_start3A_1267 = arith.constant 13 : i32
      %dma_start3A_1268 = arith.constant 0 : i32
      %dma_start3A_1269 = tpu.memref_slice %arg9[%dma_start3A_1267, %dma_start3A_1268] : memref<16x128xi32, #tpu.memory_space<vmem>> -> memref<1x128xi32, #tpu.memory_space<vmem>>
      %dma_start3A_1270 = tpu.memref_squeeze %dma_start3A_1269 : memref<1x128xi32, #tpu.memory_space<vmem>> -> memref<128xi32, #tpu.memory_space<vmem>>
      %dma_start3A_1271 = arith.constant 0 : i32
      %dma_start3A_1272 = arith.constant 0 : i32
      %dma_start3A_1273 = tpu.memref_slice %arg7[%dma_start3A_1271, %dma_start3A_1272] : memref<10240x128xf32, #tpu.memory_space<vmem_shared>> -> memref<10240x128xf32, #tpu.memory_space<vmem_shared>>
      tpu.enqueue_indirect_dma source(%arg11 : memref<128x128xf32, #tpu.memory_space<vmem>>) target(%dma_start3A_1273 : memref<10240x128xf32, #tpu.memory_space<vmem_shared>>) offsets(%dma_start3A_1270 : memref<128xi32, #tpu.memory_space<vmem>>) semaphore(%arg17 : memref<!tpu.dma_semaphore, #tpu.memory_space<semaphore_mem>>) {add = true}
      %scan3A_1274 = arith.constant 0 : i32
      %scan3A_1275 = arith.constant 0 : i32
      %scan3A_1276 = arith.constant 8 : i32
      %scan3A_1277 = arith.addi %scan3A_1275, %scan3A_1276 : i32
      %scan3A_1278 = arith.constant 1 : i32
      scf.for %scan3A_1387 = %scan3A_1275 to %scan3A_1277 step %scan3A_1278  : i32 {
        %mul3A_1388 = arith.constant 16 : i32
        %mul3A_1389 = arith.muli %scan3A_1387, %mul3A_1388 : i32
        %get3A = arith.constant 13 : i32
        %get3A_1390 = arith.index_cast %get3A : i32 to index
        %get3A_1391 = arith.index_cast %mul3A_1389 : i32 to index
        %get3A_1392 = tpu.vector_load %arg9[%get3A_1390, %get3A_1391] {strides = array<i32>} : memref<16x128xi32, #tpu.memory_space<vmem>>, vector<16xi32>,
        tpu.vector_store_idx %arg13[%get3A_1392], %broadcast_in_dim3A_414 {add = true} : memref<10224xf32, #tpu.memory_space<vmem>>[vector<16xi32>], vector<16xf32>,
      }
      %scan3A_1279 = arith.constant 8 : i32
      %dma_wait3A_1280 = arith.constant 13 : i32
      %dma_wait3A_1281 = arith.constant 0 : i32
      %dma_wait3A_1282 = tpu.memref_slice %arg9[%dma_wait3A_1280, %dma_wait3A_1281] : memref<16x128xi32, #tpu.memory_space<vmem>> -> memref<1x128xi32, #tpu.memory_space<vmem>>
      %dma_wait3A_1283 = tpu.memref_squeeze %dma_wait3A_1282 : memref<1x128xi32, #tpu.memory_space<vmem>> -> memref<128xi32, #tpu.memory_space<vmem>>
      %dma_wait3A_1284 = arith.constant 0 : i32
      %dma_wait3A_1285 = arith.constant 0 : i32
      %dma_wait3A_1286 = tpu.memref_slice %arg7[%dma_wait3A_1284, %dma_wait3A_1285] : memref<10240x128xf32, #tpu.memory_space<vmem_shared>> -> memref<10240x128xf32, #tpu.memory_space<vmem_shared>>
      tpu.wait_indirect_dma semaphore(%arg17 : memref<!tpu.dma_semaphore, #tpu.memory_space<semaphore_mem>>) src(%arg11 : memref<128x128xf32, #tpu.memory_space<vmem>>) dst(%dma_wait3A_1286 : memref<10240x128xf32, #tpu.memory_space<vmem_shared>>)
      %dma_start3A_1287 = arith.constant 15 : i32
      %dma_start3A_1288 = arith.constant 0 : i32
      %dma_start3A_1289 = arith.constant 0 : i32
      %dma_start3A_1290 = tpu.memref_slice %arg11[%dma_start3A_1288, %dma_start3A_1289] : memref<128x128xf32, #tpu.memory_space<vmem>> -> memref<64x128xf32, #tpu.memory_space<vmem>>
      %dma_start3A_1291 = arith.constant 0 : i32
      %dma_start3A_1292 = tpu.memref_slice %arg8[%dma_start3A_1287, %dma_start3A_1291] : memref<16x128xi32, #tpu.memory_space<vmem>> -> memref<1x64xi32, #tpu.memory_space<vmem>>
      %dma_start3A_1293 = tpu.memref_squeeze %dma_start3A_1292 : memref<1x64xi32, #tpu.memory_space<vmem>> -> memref<64xi32, #tpu.memory_space<vmem>>
      %dma_start3A_1294 = arith.constant 0 : i32
      %dma_start3A_1295 = arith.constant 0 : i32
      %dma_start3A_1296 = tpu.memref_slice %arg2[%dma_start3A_1294, %dma_start3A_1295] : memref<10016x128xf32, #tpu.memory_space<hbm>> -> memref<10016x128xf32, #tpu.memory_space<hbm>>
      tpu.enqueue_indirect_dma source(%dma_start3A_1296 : memref<10016x128xf32, #tpu.memory_space<hbm>>) target(%dma_start3A_1290 : memref<64x128xf32, #tpu.memory_space<vmem>>) offsets(%dma_start3A_1293 : memref<64xi32, #tpu.memory_space<vmem>>) semaphore(%arg15 : memref<!tpu.dma_semaphore, #tpu.memory_space<semaphore_mem>>)
      %dma_start3A_1297 = arith.constant 15 : i32
      %dma_start3A_1298 = arith.constant 64 : i32
      %dma_start3A_1299 = arith.constant 0 : i32
      %dma_start3A_1300 = tpu.memref_slice %arg11[%dma_start3A_1298, %dma_start3A_1299] : memref<128x128xf32, #tpu.memory_space<vmem>> -> memref<64x128xf32, #tpu.memory_space<vmem>>
      %dma_start3A_1301 = arith.constant 64 : i32
      %dma_start3A_1302 = tpu.memref_slice %arg8[%dma_start3A_1297, %dma_start3A_1301] : memref<16x128xi32, #tpu.memory_space<vmem>> -> memref<1x64xi32, #tpu.memory_space<vmem>>
      %dma_start3A_1303 = tpu.memref_squeeze %dma_start3A_1302 : memref<1x64xi32, #tpu.memory_space<vmem>> -> memref<64xi32, #tpu.memory_space<vmem>>
      %dma_start3A_1304 = arith.constant 0 : i32
      %dma_start3A_1305 = arith.constant 0 : i32
      %dma_start3A_1306 = tpu.memref_slice %arg2[%dma_start3A_1304, %dma_start3A_1305] : memref<10016x128xf32, #tpu.memory_space<hbm>> -> memref<10016x128xf32, #tpu.memory_space<hbm>>
      tpu.enqueue_indirect_dma source(%dma_start3A_1306 : memref<10016x128xf32, #tpu.memory_space<hbm>>) target(%dma_start3A_1300 : memref<64x128xf32, #tpu.memory_space<vmem>>) offsets(%dma_start3A_1303 : memref<64xi32, #tpu.memory_space<vmem>>) semaphore(%arg15 : memref<!tpu.dma_semaphore, #tpu.memory_space<semaphore_mem>>)
      %dma_wait3A_1307 = arith.constant 14 : i32
      %dma_wait3A_1308 = arith.constant 0 : i32
      %dma_wait3A_1309 = arith.constant 0 : i32
      %dma_wait3A_1310 = tpu.memref_slice %arg10[%dma_wait3A_1308, %dma_wait3A_1309] : memref<128x128xf32, #tpu.memory_space<vmem>> -> memref<64x128xf32, #tpu.memory_space<vmem>>
      %dma_wait3A_1311 = arith.constant 0 : i32
      %dma_wait3A_1312 = tpu.memref_slice %arg8[%dma_wait3A_1307, %dma_wait3A_1311] : memref<16x128xi32, #tpu.memory_space<vmem>> -> memref<1x64xi32, #tpu.memory_space<vmem>>
      %dma_wait3A_1313 = tpu.memref_squeeze %dma_wait3A_1312 : memref<1x64xi32, #tpu.memory_space<vmem>> -> memref<64xi32, #tpu.memory_space<vmem>>
      %dma_wait3A_1314 = arith.constant 0 : i32
      %dma_wait3A_1315 = arith.constant 0 : i32
      %dma_wait3A_1316 = tpu.memref_slice %arg2[%dma_wait3A_1314, %dma_wait3A_1315] : memref<10016x128xf32, #tpu.memory_space<hbm>> -> memref<10016x128xf32, #tpu.memory_space<hbm>>
      tpu.wait_indirect_dma semaphore(%arg14 : memref<!tpu.dma_semaphore, #tpu.memory_space<semaphore_mem>>) src(%dma_wait3A_1316 : memref<10016x128xf32, #tpu.memory_space<hbm>>) dst(%dma_wait3A_1310 : memref<64x128xf32, #tpu.memory_space<vmem>>)
      %dma_wait3A_1317 = arith.constant 14 : i32
      %dma_wait3A_1318 = arith.constant 64 : i32
      %dma_wait3A_1319 = arith.constant 0 : i32
      %dma_wait3A_1320 = tpu.memref_slice %arg10[%dma_wait3A_1318, %dma_wait3A_1319] : memref<128x128xf32, #tpu.memory_space<vmem>> -> memref<64x128xf32, #tpu.memory_space<vmem>>
      %dma_wait3A_1321 = arith.constant 64 : i32
      %dma_wait3A_1322 = tpu.memref_slice %arg8[%dma_wait3A_1317, %dma_wait3A_1321] : memref<16x128xi32, #tpu.memory_space<vmem>> -> memref<1x64xi32, #tpu.memory_space<vmem>>
      %dma_wait3A_1323 = tpu.memref_squeeze %dma_wait3A_1322 : memref<1x64xi32, #tpu.memory_space<vmem>> -> memref<64xi32, #tpu.memory_space<vmem>>
      %dma_wait3A_1324 = arith.constant 0 : i32
      %dma_wait3A_1325 = arith.constant 0 : i32
      %dma_wait3A_1326 = tpu.memref_slice %arg2[%dma_wait3A_1324, %dma_wait3A_1325] : memref<10016x128xf32, #tpu.memory_space<hbm>> -> memref<10016x128xf32, #tpu.memory_space<hbm>>
      tpu.wait_indirect_dma semaphore(%arg14 : memref<!tpu.dma_semaphore, #tpu.memory_space<semaphore_mem>>) src(%dma_wait3A_1326 : memref<10016x128xf32, #tpu.memory_space<hbm>>) dst(%dma_wait3A_1320 : memref<64x128xf32, #tpu.memory_space<vmem>>)
      %dma_start3A_1327 = arith.constant 14 : i32
      %dma_start3A_1328 = arith.constant 0 : i32
      %dma_start3A_1329 = tpu.memref_slice %arg9[%dma_start3A_1327, %dma_start3A_1328] : memref<16x128xi32, #tpu.memory_space<vmem>> -> memref<1x128xi32, #tpu.memory_space<vmem>>
      %dma_start3A_1330 = tpu.memref_squeeze %dma_start3A_1329 : memref<1x128xi32, #tpu.memory_space<vmem>> -> memref<128xi32, #tpu.memory_space<vmem>>
      %dma_start3A_1331 = arith.constant 0 : i32
      %dma_start3A_1332 = arith.constant 0 : i32
      %dma_start3A_1333 = tpu.memref_slice %arg7[%dma_start3A_1331, %dma_start3A_1332] : memref<10240x128xf32, #tpu.memory_space<vmem_shared>> -> memref<10240x128xf32, #tpu.memory_space<vmem_shared>>
      tpu.enqueue_indirect_dma source(%arg10 : memref<128x128xf32, #tpu.memory_space<vmem>>) target(%dma_start3A_1333 : memref<10240x128xf32, #tpu.memory_space<vmem_shared>>) offsets(%dma_start3A_1330 : memref<128xi32, #tpu.memory_space<vmem>>) semaphore(%arg16 : memref<!tpu.dma_semaphore, #tpu.memory_space<semaphore_mem>>) {add = true}
      %scan3A_1334 = arith.constant 0 : i32
      %scan3A_1335 = arith.constant 0 : i32
      %scan3A_1336 = arith.constant 8 : i32
      %scan3A_1337 = arith.addi %scan3A_1335, %scan3A_1336 : i32
      %scan3A_1338 = arith.constant 1 : i32
      scf.for %scan3A_1387 = %scan3A_1335 to %scan3A_1337 step %scan3A_1338  : i32 {
        %mul3A_1388 = arith.constant 16 : i32
        %mul3A_1389 = arith.muli %scan3A_1387, %mul3A_1388 : i32
        %get3A = arith.constant 14 : i32
        %get3A_1390 = arith.index_cast %get3A : i32 to index
        %get3A_1391 = arith.index_cast %mul3A_1389 : i32 to index
        %get3A_1392 = tpu.vector_load %arg9[%get3A_1390, %get3A_1391] {strides = array<i32>} : memref<16x128xi32, #tpu.memory_space<vmem>>, vector<16xi32>,
        tpu.vector_store_idx %arg13[%get3A_1392], %broadcast_in_dim3A_414 {add = true} : memref<10224xf32, #tpu.memory_space<vmem>>[vector<16xi32>], vector<16xf32>,
      }
      %scan3A_1339 = arith.constant 8 : i32
      %dma_wait3A_1340 = arith.constant 14 : i32
      %dma_wait3A_1341 = arith.constant 0 : i32
      %dma_wait3A_1342 = tpu.memref_slice %arg9[%dma_wait3A_1340, %dma_wait3A_1341] : memref<16x128xi32, #tpu.memory_space<vmem>> -> memref<1x128xi32, #tpu.memory_space<vmem>>
      %dma_wait3A_1343 = tpu.memref_squeeze %dma_wait3A_1342 : memref<1x128xi32, #tpu.memory_space<vmem>> -> memref<128xi32, #tpu.memory_space<vmem>>
      %dma_wait3A_1344 = arith.constant 0 : i32
      %dma_wait3A_1345 = arith.constant 0 : i32
      %dma_wait3A_1346 = tpu.memref_slice %arg7[%dma_wait3A_1344, %dma_wait3A_1345] : memref<10240x128xf32, #tpu.memory_space<vmem_shared>> -> memref<10240x128xf32, #tpu.memory_space<vmem_shared>>
      tpu.wait_indirect_dma semaphore(%arg16 : memref<!tpu.dma_semaphore, #tpu.memory_space<semaphore_mem>>) src(%arg10 : memref<128x128xf32, #tpu.memory_space<vmem>>) dst(%dma_wait3A_1346 : memref<10240x128xf32, #tpu.memory_space<vmem_shared>>)
      %dma_wait3A_1347 = arith.constant 15 : i32
      %dma_wait3A_1348 = arith.constant 0 : i32
      %dma_wait3A_1349 = arith.constant 0 : i32
      %dma_wait3A_1350 = tpu.memref_slice %arg11[%dma_wait3A_1348, %dma_wait3A_1349] : memref<128x128xf32, #tpu.memory_space<vmem>> -> memref<64x128xf32, #tpu.memory_space<vmem>>
      %dma_wait3A_1351 = arith.constant 0 : i32
      %dma_wait3A_1352 = tpu.memref_slice %arg8[%dma_wait3A_1347, %dma_wait3A_1351] : memref<16x128xi32, #tpu.memory_space<vmem>> -> memref<1x64xi32, #tpu.memory_space<vmem>>
      %dma_wait3A_1353 = tpu.memref_squeeze %dma_wait3A_1352 : memref<1x64xi32, #tpu.memory_space<vmem>> -> memref<64xi32, #tpu.memory_space<vmem>>
      %dma_wait3A_1354 = arith.constant 0 : i32
      %dma_wait3A_1355 = arith.constant 0 : i32
      %dma_wait3A_1356 = tpu.memref_slice %arg2[%dma_wait3A_1354, %dma_wait3A_1355] : memref<10016x128xf32, #tpu.memory_space<hbm>> -> memref<10016x128xf32, #tpu.memory_space<hbm>>
      tpu.wait_indirect_dma semaphore(%arg15 : memref<!tpu.dma_semaphore, #tpu.memory_space<semaphore_mem>>) src(%dma_wait3A_1356 : memref<10016x128xf32, #tpu.memory_space<hbm>>) dst(%dma_wait3A_1350 : memref<64x128xf32, #tpu.memory_space<vmem>>)
      %dma_wait3A_1357 = arith.constant 15 : i32
      %dma_wait3A_1358 = arith.constant 64 : i32
      %dma_wait3A_1359 = arith.constant 0 : i32
      %dma_wait3A_1360 = tpu.memref_slice %arg11[%dma_wait3A_1358, %dma_wait3A_1359] : memref<128x128xf32, #tpu.memory_space<vmem>> -> memref<64x128xf32, #tpu.memory_space<vmem>>
      %dma_wait3A_1361 = arith.constant 64 : i32
      %dma_wait3A_1362 = tpu.memref_slice %arg8[%dma_wait3A_1357, %dma_wait3A_1361] : memref<16x128xi32, #tpu.memory_space<vmem>> -> memref<1x64xi32, #tpu.memory_space<vmem>>
      %dma_wait3A_1363 = tpu.memref_squeeze %dma_wait3A_1362 : memref<1x64xi32, #tpu.memory_space<vmem>> -> memref<64xi32, #tpu.memory_space<vmem>>
      %dma_wait3A_1364 = arith.constant 0 : i32
      %dma_wait3A_1365 = arith.constant 0 : i32
      %dma_wait3A_1366 = tpu.memref_slice %arg2[%dma_wait3A_1364, %dma_wait3A_1365] : memref<10016x128xf32, #tpu.memory_space<hbm>> -> memref<10016x128xf32, #tpu.memory_space<hbm>>
      tpu.wait_indirect_dma semaphore(%arg15 : memref<!tpu.dma_semaphore, #tpu.memory_space<semaphore_mem>>) src(%dma_wait3A_1366 : memref<10016x128xf32, #tpu.memory_space<hbm>>) dst(%dma_wait3A_1360 : memref<64x128xf32, #tpu.memory_space<vmem>>)
      %dma_start3A_1367 = arith.constant 15 : i32
      %dma_start3A_1368 = arith.constant 0 : i32
      %dma_start3A_1369 = tpu.memref_slice %arg9[%dma_start3A_1367, %dma_start3A_1368] : memref<16x128xi32, #tpu.memory_space<vmem>> -> memref<1x128xi32, #tpu.memory_space<vmem>>
      %dma_start3A_1370 = tpu.memref_squeeze %dma_start3A_1369 : memref<1x128xi32, #tpu.memory_space<vmem>> -> memref<128xi32, #tpu.memory_space<vmem>>
      %dma_start3A_1371 = arith.constant 0 : i32
      %dma_start3A_1372 = arith.constant 0 : i32
      %dma_start3A_1373 = tpu.memref_slice %arg7[%dma_start3A_1371, %dma_start3A_1372] : memref<10240x128xf32, #tpu.memory_space<vmem_shared>> -> memref<10240x128xf32, #tpu.memory_space<vmem_shared>>
      tpu.enqueue_indirect_dma source(%arg11 : memref<128x128xf32, #tpu.memory_space<vmem>>) target(%dma_start3A_1373 : memref<10240x128xf32, #tpu.memory_space<vmem_shared>>) offsets(%dma_start3A_1370 : memref<128xi32, #tpu.memory_space<vmem>>) semaphore(%arg17 : memref<!tpu.dma_semaphore, #tpu.memory_space<semaphore_mem>>) {add = true}
      %scan3A_1374 = arith.constant 0 : i32
      %scan3A_1375 = arith.constant 0 : i32
      %scan3A_1376 = arith.constant 8 : i32
      %scan3A_1377 = arith.addi %scan3A_1375, %scan3A_1376 : i32
      %scan3A_1378 = arith.constant 1 : i32
      scf.for %scan3A_1387 = %scan3A_1375 to %scan3A_1377 step %scan3A_1378  : i32 {
        %mul3A_1388 = arith.constant 16 : i32
        %mul3A_1389 = arith.muli %scan3A_1387, %mul3A_1388 : i32
        %get3A = arith.constant 15 : i32
        %get3A_1390 = arith.index_cast %get3A : i32 to index
        %get3A_1391 = arith.index_cast %mul3A_1389 : i32 to index
        %get3A_1392 = tpu.vector_load %arg9[%get3A_1390, %get3A_1391] {strides = array<i32>} : memref<16x128xi32, #tpu.memory_space<vmem>>, vector<16xi32>,
        tpu.vector_store_idx %arg13[%get3A_1392], %broadcast_in_dim3A_414 {add = true} : memref<10224xf32, #tpu.memory_space<vmem>>[vector<16xi32>], vector<16xf32>,
      }
      %scan3A_1379 = arith.constant 8 : i32
      %dma_wait3A_1380 = arith.constant 15 : i32
      %dma_wait3A_1381 = arith.constant 0 : i32
      %dma_wait3A_1382 = tpu.memref_slice %arg9[%dma_wait3A_1380, %dma_wait3A_1381] : memref<16x128xi32, #tpu.memory_space<vmem>> -> memref<1x128xi32, #tpu.memory_space<vmem>>
      %dma_wait3A_1383 = tpu.memref_squeeze %dma_wait3A_1382 : memref<1x128xi32, #tpu.memory_space<vmem>> -> memref<128xi32, #tpu.memory_space<vmem>>
      %dma_wait3A_1384 = arith.constant 0 : i32
      %dma_wait3A_1385 = arith.constant 0 : i32
      %dma_wait3A_1386 = tpu.memref_slice %arg7[%dma_wait3A_1384, %dma_wait3A_1385] : memref<10240x128xf32, #tpu.memory_space<vmem_shared>> -> memref<10240x128xf32, #tpu.memory_space<vmem_shared>>
      tpu.wait_indirect_dma semaphore(%arg17 : memref<!tpu.dma_semaphore, #tpu.memory_space<semaphore_mem>>) src(%arg11 : memref<128x128xf32, #tpu.memory_space<vmem>>) dst(%dma_wait3A_1386 : memref<10240x128xf32, #tpu.memory_space<vmem_shared>>)
    }
    %scan3A_420 = arith.constant 5 : i32
    %barrier3A_421 = arith.constant 0 : index
    tpu.barrier barrier_id(%barrier3A_421)
    "tpu.region"() ({
      %run_scoped3A = tpu.sem_alloc : memref<!tpu.dma_semaphore, #tpu.memory_space<semaphore_mem>>
      %dma_start3A_422 = arith.constant 0 : i32
      %dma_start3A_423 = tpu.memref_slice %arg5[%arg0, %mul3A_14, %dma_start3A_422] : memref<2x10240x128xf32, #tpu.memory_space<hbm>> -> memref<1x640x128xf32, #tpu.memory_space<hbm>>
      %dma_start3A_424 = tpu.memref_squeeze %dma_start3A_423 : memref<1x640x128xf32, #tpu.memory_space<hbm>> -> memref<640x128xf32, #tpu.memory_space<hbm>>
      %dma_start3A_425 = arith.constant 0 : i32
      %dma_start3A_426 = tpu.memref_slice %arg7[%mul3A_14, %dma_start3A_425] : memref<10240x128xf32, #tpu.memory_space<vmem_shared>> -> memref<640x128xf32, #tpu.memory_space<vmem_shared>>
      tpu.enqueue_dma source(%dma_start3A_426 : memref<640x128xf32, #tpu.memory_space<vmem_shared>>) target(%dma_start3A_424 : memref<640x128xf32, #tpu.memory_space<hbm>>) target_semaphore(%run_scoped3A : memref<!tpu.dma_semaphore, #tpu.memory_space<semaphore_mem>>)
      %dma_wait3A_427 = arith.constant 0 : i32
      %dma_wait3A_428 = tpu.memref_slice %arg5[%arg0, %mul3A_14, %dma_wait3A_427] : memref<2x10240x128xf32, #tpu.memory_space<hbm>> -> memref<1x640x128xf32, #tpu.memory_space<hbm>>
      %dma_wait3A_429 = tpu.memref_squeeze %dma_wait3A_428 : memref<1x640x128xf32, #tpu.memory_space<hbm>> -> memref<640x128xf32, #tpu.memory_space<hbm>>
      %dma_wait3A_430 = arith.constant 0 : i32
      %dma_wait3A_431 = tpu.memref_slice %arg7[%mul3A_14, %dma_wait3A_430] : memref<10240x128xf32, #tpu.memory_space<vmem_shared>> -> memref<640x128xf32, #tpu.memory_space<vmem_shared>>
      tpu.wait_dma2 semaphore(%run_scoped3A : memref<!tpu.dma_semaphore, #tpu.memory_space<semaphore_mem>>) src(%dma_wait3A_431 : memref<640x128xf32, #tpu.memory_space<vmem_shared>>) dst(%dma_wait3A_429 : memref<640x128xf32, #tpu.memory_space<hbm>>)
      tpu.yield
    }) : () -> ()
    "tpu.region"() ({
      %run_scoped3A = tpu.sem_alloc : memref<!tpu.dma_semaphore, #tpu.memory_space<semaphore_mem>>
      %dma_start3A_422 = arith.constant 0 : i32
      %dma_start3A_423 = tpu.memref_slice %arg6[%add3A, %dma_start3A_422] : memref<32x10224xf32, #tpu.memory_space<hbm>> -> memref<1x10224xf32, #tpu.memory_space<hbm>>
      %dma_start3A_424 = tpu.memref_squeeze %dma_start3A_423 : memref<1x10224xf32, #tpu.memory_space<hbm>> -> memref<10224xf32, #tpu.memory_space<hbm>>
      %dma_start3A_425 = arith.constant 0 : i32
      %dma_start3A_426 = tpu.memref_slice %arg6[%add3A, %dma_start3A_425] : memref<32x10224xf32, #tpu.memory_space<hbm>> -> memref<1x10224xf32, #tpu.memory_space<hbm>>
      %dma_start3A_427 = tpu.memref_squeeze %dma_start3A_426 : memref<1x10224xf32, #tpu.memory_space<hbm>> -> memref<10224xf32, #tpu.memory_space<hbm>>
      tpu.enqueue_dma source(%arg13 : memref<10224xf32, #tpu.memory_space<vmem>>) target(%dma_start3A_427 : memref<10224xf32, #tpu.memory_space<hbm>>) target_semaphore(%run_scoped3A : memref<!tpu.dma_semaphore, #tpu.memory_space<semaphore_mem>>)
      %dma_wait3A_428 = arith.constant 0 : i32
      %dma_wait3A_429 = tpu.memref_slice %arg6[%add3A, %dma_wait3A_428] : memref<32x10224xf32, #tpu.memory_space<hbm>> -> memref<1x10224xf32, #tpu.memory_space<hbm>>
      %dma_wait3A_430 = tpu.memref_squeeze %dma_wait3A_429 : memref<1x10224xf32, #tpu.memory_space<hbm>> -> memref<10224xf32, #tpu.memory_space<hbm>>
      %dma_wait3A_431 = arith.constant 0 : i32
      %dma_wait3A_432 = tpu.memref_slice %arg6[%add3A, %dma_wait3A_431] : memref<32x10224xf32, #tpu.memory_space<hbm>> -> memref<1x10224xf32, #tpu.memory_space<hbm>>
      %dma_wait3A_433 = tpu.memref_squeeze %dma_wait3A_432 : memref<1x10224xf32, #tpu.memory_space<hbm>> -> memref<10224xf32, #tpu.memory_space<hbm>>
      tpu.wait_dma2 semaphore(%run_scoped3A : memref<!tpu.dma_semaphore, #tpu.memory_space<semaphore_mem>>) src(%arg13 : memref<10224xf32, #tpu.memory_space<vmem>>) dst(%dma_wait3A_433 : memref<10224xf32, #tpu.memory_space<hbm>>)
      tpu.yield
    }) : () -> ()
    return
  }
}

module attributes {stable_mosaic.version = 14 : i64} {
  func.func @body(%arg0: i32, %arg1: memref<2000x128xf32, #tpu.memory_space<vmem>>, %arg2: memref<2x2000x128xf32, #tpu.memory_space<vmem>>, %arg3: memref<2000x32xf32, #tpu.memory_space<vmem>>, %arg4: memref<128x128xf32, #tpu.memory_space<vmem>>, %arg5: memref<128x128xf32, #tpu.memory_space<vmem>>, %arg6: memref<1x128xf32, #tpu.memory_space<vmem>>, %arg7: memref<2000x128xf32, #tpu.memory_space<vmem>>) attributes {dimension_semantics = [#tpu.dimension_semantics<arbitrary>], iteration_bounds = array<i64: 5>, scalar_prefetch = 0 : i64, scratch_operands = 0 : i64, tpu.core_type = #tpu.core_type<tc>, window_params = [{transform_indices = @transform_0, window_bounds = array<i64: 2000, 128>}, {transform_indices = @transform_1, window_bounds = array<i64: 2, 2000, 128>}, {transform_indices = @transform_2, window_bounds = array<i64: 2000, 32>}, {pipeline_mode = #tpu.pipeline_mode<synchronous>, transform_indices = @transform_3, window_bounds = array<i64: 128, 128>}, {pipeline_mode = #tpu.pipeline_mode<synchronous>, transform_indices = @transform_4, window_bounds = array<i64: 128, 128>}, {pipeline_mode = #tpu.pipeline_mode<synchronous>, transform_indices = @transform_5, window_bounds = array<i64: 1, 128>}, {transform_indices = @transform_6, window_bounds = array<i64: 2000, 128>}]} {
    %get3A = arith.constant 0 : index
    %get3A_0 = arith.constant 0 : index
    %get3A_1 = vector.load %arg3[%get3A, %get3A_0] : memref<2000x32xf32, #tpu.memory_space<vmem>>, vector<2000x32xf32>
    %reduce_sum3A = arith.constant dense<0.000000e+00> : vector<2000xf32>
    %reduce_sum3A_2 = vector.multi_reduction <add>, %get3A_1, %reduce_sum3A [1] : vector<2000x32xf32> to vector<2000xf32>
    %broadcast_in_dim3A = vector.shape_cast %reduce_sum3A_2 : vector<2000xf32> to vector<2000x1xf32>
    %max3A = arith.constant 1.000000e+00 : f32
    %max3A_3 = vector.broadcast %max3A : f32 to vector<2000x1xf32>
    %max3A_4 = arith.maximumf %broadcast_in_dim3A, %max3A_3 : vector<2000x1xf32>
    %div3A = arith.constant 1.000000e+00 : f32
    %div3A_5 = vector.broadcast %div3A : f32 to vector<2000x1xf32>
    %div3A_6 = arith.divf %div3A_5, %max3A_4 : vector<2000x1xf32>
    %get3A_7 = arith.constant 0 : index
    %get3A_8 = arith.constant 0 : index
    %get3A_9 = arith.constant 0 : index
    %get3A_10 = vector.load %arg2[%get3A_7, %get3A_8, %get3A_9] : memref<2x2000x128xf32, #tpu.memory_space<vmem>>, vector<1x2000x128xf32>
    %get3A_11 = vector.shape_cast %get3A_10 : vector<1x2000x128xf32> to vector<2000x128xf32>
    %get3A_12 = arith.constant 1 : index
    %get3A_13 = arith.constant 0 : index
    %get3A_14 = arith.constant 0 : index
    %get3A_15 = vector.load %arg2[%get3A_12, %get3A_13, %get3A_14] : memref<2x2000x128xf32, #tpu.memory_space<vmem>>, vector<1x2000x128xf32>
    %get3A_16 = vector.shape_cast %get3A_15 : vector<1x2000x128xf32> to vector<2000x128xf32>
    %add3A = arith.addf %get3A_11, %get3A_16 : vector<2000x128xf32>
    %mul3A = vector.broadcast %div3A_6 : vector<2000x1xf32> to vector<2000x128xf32>
    %mul3A_17 = arith.mulf %add3A, %mul3A : vector<2000x128xf32>
    %get3A_18 = arith.constant 0 : index
    %get3A_19 = arith.constant 0 : index
    %get3A_20 = vector.load %arg1[%get3A_18, %get3A_19] : memref<2000x128xf32, #tpu.memory_space<vmem>>, vector<2000x128xf32>
    %get3A_21 = arith.constant 0 : index
    %get3A_22 = arith.constant 0 : index
    %get3A_23 = vector.load %arg4[%get3A_21, %get3A_22] : memref<128x128xf32, #tpu.memory_space<vmem>>, vector<128x128xf32>
    %dot_general3A = arith.constant dense<0.000000e+00> : vector<2000x128xf32>
    %dot_general3A_24 = tpu.matmul %get3A_20, %get3A_23, %dot_general3A {dimension_numbers = #tpu.dot_dimension_numbers<[1], [0], [0], [1], [0, 0, 1, 1], [], []>, transpose_lhs_hint = false} : vector<2000x128xf32>, vector<128x128xf32>, vector<2000x128xf32> -> vector<2000x128xf32>
    %get3A_25 = arith.constant 0 : index
    %get3A_26 = arith.constant 0 : index
    %get3A_27 = vector.load %arg5[%get3A_25, %get3A_26] : memref<128x128xf32, #tpu.memory_space<vmem>>, vector<128x128xf32>
    %dot_general3A_28 = arith.constant dense<0.000000e+00> : vector<2000x128xf32>
    %dot_general3A_29 = tpu.matmul %mul3A_17, %get3A_27, %dot_general3A_28 {dimension_numbers = #tpu.dot_dimension_numbers<[1], [0], [0], [1], [0, 0, 1, 1], [], []>, transpose_lhs_hint = false} : vector<2000x128xf32>, vector<128x128xf32>, vector<2000x128xf32> -> vector<2000x128xf32>
    %add3A_30 = arith.addf %dot_general3A_24, %dot_general3A_29 : vector<2000x128xf32>
    %get3A_31 = arith.constant 0 : index
    %get3A_32 = arith.constant 0 : index
    %get3A_33 = vector.load %arg6[%get3A_31, %get3A_32] : memref<1x128xf32, #tpu.memory_space<vmem>>, vector<1x128xf32>
    %add3A_34 = vector.broadcast %get3A_33 : vector<1x128xf32> to vector<2000x128xf32>
    %add3A_35 = arith.addf %add3A_30, %add3A_34 : vector<2000x128xf32>
    %swap3A = arith.constant 0 : index
    %swap3A_36 = arith.constant 0 : index
    %swap3A_37 = vector.load %arg7[%swap3A, %swap3A_36] : memref<2000x128xf32, #tpu.memory_space<vmem>>, vector<2000x128xf32>
    tpu.vector_store %arg7[%swap3A, %swap3A_36], %add3A_35 {strides = array<i32>} : memref<2000x128xf32, #tpu.memory_space<vmem>>, vector<2000x128xf32>,
    return
  }
  func.func @transform_0(%arg0: i32) -> (i32, i32) {
    %c0_i32 = arith.constant 0 : i32
    %c0_i32_0 = arith.constant 0 : i32
    return %arg0, %c0_i32 : i32, i32
  }
  func.func @transform_1(%arg0: i32) -> (i32, i32, i32) {
    %c0_i32 = arith.constant 0 : i32
    %c0_i32_0 = arith.constant 0 : i32
    %c0_i32_1 = arith.constant 0 : i32
    return %c0_i32, %arg0, %c0_i32_0 : i32, i32, i32
  }
  func.func @transform_2(%arg0: i32) -> (i32, i32) {
    %c0_i32 = arith.constant 0 : i32
    %c0_i32_0 = arith.constant 0 : i32
    return %arg0, %c0_i32 : i32, i32
  }
  func.func @transform_3(%arg0: i32) -> (i32, i32) {
    %c0_i32 = arith.constant 0 : i32
    %c0_i32_0 = arith.constant 0 : i32
    %c0_i32_1 = arith.constant 0 : i32
    return %c0_i32, %c0_i32_0 : i32, i32
  }
  func.func @transform_4(%arg0: i32) -> (i32, i32) {
    %c0_i32 = arith.constant 0 : i32
    %c0_i32_0 = arith.constant 0 : i32
    %c0_i32_1 = arith.constant 0 : i32
    return %c0_i32, %c0_i32_0 : i32, i32
  }
  func.func @transform_5(%arg0: i32) -> (i32, i32) {
    %c0_i32 = arith.constant 0 : i32
    %c0_i32_0 = arith.constant 0 : i32
    %c0_i32_1 = arith.constant 0 : i32
    return %c0_i32, %c0_i32_0 : i32, i32
  }
  func.func @transform_6(%arg0: i32) -> (i32, i32) {
    %c0_i32 = arith.constant 0 : i32
    %c0_i32_0 = arith.constant 0 : i32
    return %arg0, %c0_i32 : i32, i32
  }
}

</mosaic_0001>

<sc_bundles>
// kernel: kernel.4.cloned.1.call-start
scs
__scs_entry_jumppad:
0x0: {  	(pc) =	sbr.rel $0x88, $3  }
0x1: {  	(tag) =	ssettag $0x0;
	lr =	simm.s32 $0x1  }
0x2: {  	[smem:$0x3F9B] =	sst lr;
	_ =	strace $0xD0000000  }
0x3: {  	_ = 	snop  }
0x4: {  	_ = 	snop  }
0x5: {  	_ = 	snop  }
0x6: {  	_ = 	snop  }
0x7: {  	_ = 	snop  }
__scs_overlays_trampoline_lowered:
0x8: {  	[smem:$0x3FAA] =	sst s0  }
0x9: {  	[smem:$0x3FAB] =	sst s1  }
0xa: {  	[smem:$0x3FAC] =	sst s2  }
0xb: {  	[smem:$0x3FAD] =	sst s3  }
0xc: {  	[smem:$0x3FAE] =	sst s4  }
0xd: {  	[smem:$0x3FAF] =	sst s5  }
0xe: {  	[smem:$0x3FB0] =	sst s6  }
0xf: {  	[smem:$0x3FB1] =	sst s7  }
0x10: {  	[smem:$0x3FB2] =	sst s8  }
0x11: {  	[smem:$0x3FB3] =	sst s9;
	s0 =	simm.s32 @!p0 $0x0  }
0x12: {  	s1 =	sld [smem:$0x3F99];
	s0 =	simm.s32 @p0 $0x1  }
0x13: {  	[smem:$0x3FB4] =	sst s0;
	s0 =	simm.s32 @!p1 $0x0  }
0x14: {  	s2 =	sld [smem:$0x3F98];
	s0 =	simm.s32 @p1 $0x1  }
0x15: {  	[smem:$0x3FB5] =	sst s0;
	s0 =	simm.s32 @!p2 $0x0  }
0x16: {  	s3 =	sld [smem:$0x3FDB];
	s0 =	simm.s32 @p2 $0x1  }
0x17: {  	s4 =	simm.s32 $0x1BF5;
	[smem:$0x3FB7] =	sst s0  }
0x18: {  	s0 =	sld [smem:$0x3F9A];
	_ =	swait.ge [sflag:s4], $0x0  }
0x19: {  	s7 =	sld [smem:$0x3F9B]  }
0x1a: {  	s8 =	sadd.s32 $0xFFFFE003, lr  }
0x1b: {  	s9 =	sadd.s32 $0xFFFFFEF7, lr;
	s5 =	simm.s32 $0xFFFFFFFF;
	p2 =	slt.u32 s8, $0xFFFFF086  }
0x1c: {  	p1 =	slt.u32 s9, $0xF7A;
	s5 =	simm.s32 @!p2 $0x0  }
0x1d: {  	s5 =	simm.s32 @p1 $0x1;
	p0 =	seq.s32 s7, s2  }
0x1e: {  	s7 =	smul.u32 @!p0 $0xF7A, s2;
	p2 =	seq.s32 @!p0 s5, $0x0  }
0x1f: {  	s9 =	smul.u32 $0xF7A, s1;
	s8 =	simm.s32 @!p0 $0x1BF5;
	p2 =	por !p2, p0  }
0x20: {  	[sflag:s8] =	ssyncset.s32 @!p0 $0xFFFFF086;
	s6 =	sadd.s32 @!p0 s3, s7;
	s7 =	simm.s32 @!p0 $0x108  }
0x21: {  	s3 =	sadd.s32 s3, s9;
	s6 =	sadd.s32 @!p0 $0x88, s6;
	s7 =	simm.s32 @p2 $0x1082  }
0x22: {  	[simem:s7], [sflag:s8] =	dma.local @!p0 [hbm:s6], $0xF7A  }
0x23: {  	s9 =	sor.u32 $0xD0000000, s2;
	s6 =	simm.s32 $0x108;
	_ =	swait.ge @!p0 [sflag:s8], $0x0  }
0x24: {  	s3 =	sadd.s32 $0x88, s3;
	s6 =	simm.s32 @!p1 $0x1082;
	[sflag:s4] =	ssyncset.s32 $0xFFFFF086  }
0x25: {  	[simem:s6], [sflag:s4] =	dma.local [hbm:s3], $0xF7A  }
0x26: {  	[smem:$0x3F9B] =	sst s1;
	(tag) =	ssettag s2;
	_ =	strace s9  }
0x27: {  	s1 =	sld [smem:$0x3FAB]  }
0x28: {  	s2 =	sld [smem:$0x3FAC]  }
0x29: {  	s4 =	sld [smem:$0x3FAE]  }
0x2a: {  	p0 =	seq.s32 s5, $0x0;
	s5 =	sld [smem:$0x3FAF]  }
0x2b: {  	s6 =	sld [smem:$0x3FB0]  }
0x2c: {  	s7 =	sld [smem:$0x3FB1]  }
0x2d: {  	s3 =	simm.s32 $0x108;
	s8 =	sld [smem:$0x3FB2]  }
0x2e: {  	s3 =	simm.s32 @!p0 $0x1082;
	s9 =	sld [smem:$0x3FB3]  }
0x2f: {  	lr =	sadd.s32 s0, s3;
	s0 =	sld [smem:$0x3FAA]  }
0x30: {  	s3 =	sld [smem:$0x3FAD]  }
0x31: {  	[smem:$0x3FB6] =	sst s10  }
0x32: {  	s10 =	sld [smem:$0x3FB4];
	_ =	sdelay $0x3  }
0x33: {  	p0 =	seq.s32 s10, $0x1;
	s10 =	sld [smem:$0x3FB6];
	_ =	sdelay $0x3  }
0x34: {  	[smem:$0x3FB6] =	sst s10  }
0x35: {  	s10 =	sld [smem:$0x3FB5];
	_ =	sdelay $0x3  }
0x36: {  	p1 =	seq.s32 s10, $0x1;
	s10 =	sld [smem:$0x3FB6];
	_ =	sdelay $0x3  }
0x37: {  	[smem:$0x3FB6] =	sst s10  }
0x38: {  	s10 =	sld [smem:$0x3FB7]  }
0x39: {  	_ = 	snop;
	(pc) =	sbr.ind lr, $3  }
0x3a: {  	_ = 	snop  }
0x3b: {  	_ = 	snop  }
0x3c: {  	p2 =	seq.s32 s10, $0x1;
	s10 =	sld [smem:$0x3FB6]  }
0x3d: {  	_ =	shalt  }
0x3e: {  	_ =	shalt  }
0x3f: {  	_ =	shalt  }
0x40: {  	_ =	shalt  }
0x41: {  	_ =	shalt  }
0x42: {  	_ =	shalt  }
0x43: {  	_ =	shalt  }
0x44: {  	_ =	shalt  }
0x45: {  	_ =	shalt  }
0x46: {  	_ =	shalt  }
0x47: {  	_ =	shalt  }
0x48: {  	_ =	shalt  }
0x49: {  	_ =	shalt  }
0x4a: {  	_ =	shalt  }
0x4b: {  	_ =	shalt  }
0x4c: {  	_ =	shalt  }
0x4d: {  	_ =	shalt  }
0x4e: {  	_ =	shalt  }
0x4f: {  	_ =	shalt  }
0x50: {  	_ =	shalt  }
0x51: {  	_ =	shalt  }
0x52: {  	_ =	shalt  }
0x53: {  	_ =	shalt  }
0x54: {  	_ =	shalt  }
0x55: {  	_ =	shalt  }
0x56: {  	_ =	shalt  }
0x57: {  	_ =	shalt  }
0x58: {  	_ =	shalt  }
0x59: {  	_ =	shalt  }
0x5a: {  	_ =	shalt  }
0x5b: {  	_ =	shalt  }
0x5c: {  	_ =	shalt  }
0x5d: {  	_ =	shalt  }
0x5e: {  	_ =	shalt  }
0x5f: {  	_ =	shalt  }
0x60: {  	_ =	shalt  }
0x61: {  	_ =	shalt  }
0x62: {  	_ =	shalt  }
0x63: {  	_ =	shalt  }
0x64: {  	_ =	shalt  }
0x65: {  	_ =	shalt  }
0x66: {  	_ =	shalt  }
0x67: {  	_ =	shalt  }
0x68: {  	_ =	shalt  }
0x69: {  	_ =	shalt  }
0x6a: {  	_ =	shalt  }
0x6b: {  	_ =	shalt  }
0x6c: {  	_ =	shalt  }
0x6d: {  	_ =	shalt  }
0x6e: {  	_ =	shalt  }
0x6f: {  	_ =	shalt  }
0x70: {  	_ =	shalt  }
0x71: {  	_ =	shalt  }
0x72: {  	_ =	shalt  }
0x73: {  	_ =	shalt  }
0x74: {  	_ =	shalt  }
0x75: {  	_ =	shalt  }
0x76: {  	_ =	shalt  }
0x77: {  	_ =	shalt  }
0x78: {  	_ =	shalt  }
0x79: {  	_ =	shalt  }
0x7a: {  	_ =	shalt  }
0x7b: {  	_ =	shalt  }
0x7c: {  	_ =	shalt  }
0x7d: {  	_ =	shalt  }
0x7e: {  	_ =	shalt  }
0x7f: {  	_ =	shalt  }
0x80: {  	_ =	shalt  }
0x81: {  	_ =	shalt  }
0x82: {  	_ =	shalt  }
0x83: {  	_ =	shalt  }
0x84: {  	_ =	shalt  }
0x85: {  	_ =	shalt  }
0x86: {  	_ =	shalt  }
0x87: {  	_ =	shalt  }
.Lfunc_end0:
.L_simem_size_0:
called_computation_lowered:
.L_overlay_start_0:
0x88: {  	s2 =	sld [smem:$0x3FD9]  }
0x89: {  	s3 =	sld [smem:$0x3FFE];
	_ =	sdelay $0x1  }
0x8a: {  	s1 =	srdreg.scid  }
0x8b: {  	s0 =	sand.u32 $0x1, s1  }
0x8c: {  	s17 =	sshll.u32 s0, $0xA;
	s2 =	sadd.s32 s3, s2  }
0x8d: {  	s2 =	sadd.s32 s2, s17  }
0x8e: {  	[smem:$0x3FC2] =	sst s2  }
0x8f: {  	_ = 	snop  }
0x90: {  	s2 =	sld [smem:$0x3FD0];
	(tm) =	ssettm $0x1  }
0x91: {  	s18 =	sld [smem:$0x3FFB];
	_ =	sdelay $0x3  }
0x92: {  	_ =	strace s18  }
0x93: {  	s3 =	sld [smem:$0x3FFC];
	_ =	sdelay $0x3  }
0x94: {  	_ =	strace s3  }
0x95: {  	s3 =	sld [smem:$0x3FFD];
	_ =	sdelay $0x3  }
0x96: {  	_ =	strace s3  }
0x97: {  	_ =	strace $0x8FFFFFFF  }
0x98: {  	s19 =	sld [smem:$0x3FDB];
	_ =	sdelay $0x1  }
0x99: {  	s4 =	simm.s32 $_scs_section_size  }
0x9a: {  	s5 =	simm.s32 $_size__tile_overlayer_lowered;
	s6 =	simm.s32 $_tile_overlayer_lowered  }
0x9b: {  	s22 =	simm.s32 $0x1BFF;
	s21 =	sshll.u32 s6, $0x1;
	s3 =	sadd.s32 s4, s19  }
0x9c: {  	s7 =	simm.s32 $0x0;
	s20 =	sshll.u32 s5, $0x1;
	s5 =	sadd.s32 s21, s3  }
0x9d: {  	[timem:s7], [sflag:s22] =	dma.local [hbm:s5], s20  }
0x9e: {  	_ =	swait.ge [sflag:s22], s20  }
0x9f: {  	s4 =	ssub.s32 $0x0, s20;
	[sflag:s22] =	ssyncset.done $0x0  }
0xa0: {  	[sflag:s22] =	ssyncadd.s32 s4;
	_ =	sdelay $0x1  }
0xa1: {  	s23 =	simm.s32 $0x1B8B  }
0xa2: {  	_ =	swait.ge [sflag:s23], $0x1  }
0xa3: {  	[sflag:s23] =	ssyncset.done $0x0  }
0xa4: {  	s25 =	simm.s32 $0x1B8E;
	s24 =	sld [smem:$0x3FFE];
	[sflag:s23] =	ssyncadd.s32 $0xFFFFFFFF  }
0xa5: {  	s26 =	simm.s32 $execute0_lowered;
	[smem:$0x3FD2] =	sst s25  }
0xa6: {  	s5 =	sshll.u32 s26, $0x1;
	_ =	strace $0x80000046;
	[dreg:$0x1] =	wrdreg $0xFFFFFFFF  }
0xa7: {  	s28 =	simm.s32 $_size_execute0_lowered;
	s3 =	sadd.s32 s3, s5;
	[dreg:$0x0] =	wrdreg $0x0  }
0xa8: {  	s5 =	sshll.u32 s28, $0x1;
	[dreg:$0x2] =	wrdreg s3  }
0xa9: {  	[dreg:$0x3] =	wrdreg s5  }
0xaa: {  	[dreg:$0x4] =	wrdreg $0xC0  }
0xab: {  	_ =	task [dreg:s7], $0x5FFFF  }
0xac: {  	[dreg:$0x1] =	wrdreg $0xFFFFFFFF  }
0xad: {  	[dreg:$0x0] =	wrdreg $0x60  }
0xae: {  	[dreg:$0x2] =	wrdreg s24  }
0xaf: {  	[dreg:$0x3] =	wrdreg s2  }
0xb0: {  	[dreg:$0x4] =	wrdreg $0x0  }
0xb1: {  	[dreg:$0x5] =	wrdreg $0x9  }
0xb2: {  	_ =	task.clear_ibuf [dreg:s7], $0x6FFFF;
	_ =	strace $0x90000046  }
0xb3: {  	s29 =	simm.s32 $0x9;
	_ =	strace $0x80000048  }
0xb4: {  	_ =	swait.ge [sflag:s29], $0x1  }
0xb5: {  	[sflag:s29] =	ssyncadd.s32 $0xFFFFFFFF  }
0xb6: {  	_ =	strace $0x90000048  }
0xb7: {  	_ =	sfence  }
0xb8: {  	s30 =	sld [smem:$0x0];
	_ =	sdelay $0x2  }
0xb9: {  	s31 =	sshll.u32 s1, $0xD;
	s1 =	sshrl.u32 s1, $0x2  }
0xba: {  	s3 =	sand.u32 $0x4000, s31;
	s1 =	sadd.s32 s1, s30  }
0xbb: {  	s0 =	sor.u32 s3, s0;
	s1 =	sshll.u32 s1, $0x11  }
0xbc: {  	s0 =	sor.u32 s1, s0  }
0xbd: {  	s0 =	sadd.s32 $0x8F2B, s0  }
0xbe: {  	[sflag:s0] =	ssyncadd.remote.s32 $0x1  }
0xbf: {  	_ =	sfence.sel $0xFFFF  }
0xc0: {  	[dreg:$0x0] =	wrdreg $0xFFFFFFFF;
	(pc) =	sbr.abs _section_cstart, $3  }
0xc1: {  	[dreg:$0x1] =	wrdreg $0xFFFFFFFF  }
0xc2: {  	_ =	task.clear_ibuf [dreg:s7], $0x2FFFF;
	_ =	strace $0x9FFFFFFF  }
0xc3: {  	(tm) =	ssettm $0x7FFFFFFF  }
tec
execute0_lowered:
.L_overlay_start_1:
0x0: {  	(tag) =	ssettag $0x1  }
0x1: {  	s0 =	srdreg.scid;
	s9 =	stileid.u32  }
0x2: {  	s5 =	sand.u32 $0x1, s0;
	s3 =	smul.u32 $0x2800, s9  }
0x3: {  	s1 =	rddreg [dreg:$0x0];
	s0 =	smul.u32 $0x28000, s5  }
0x4: {  	s4 =	rddreg [dreg:$0x1]  }
0x5: {  	s2 =	rddreg [dreg:$0x2];
	s0 =	sadd.s32 s3, s0;
	s3 =	simm.s32 $0x0  }
0x6: {  	s23 =	simm.s32 $0x14040;
	[smem:$0x7FF] =	sst s3  }
0x7: {  	s24 =	simm.s32 $0x14080;
	_ =	strace $0x80000047;
	[dreg:$0x6] =	wrdreg s23  }
0x8: {  	s25 =	simm.s32 $0x140C0;
	[dreg:$0x7] =	wrdreg s24  }
0x9: {  	s26 =	simm.s32 $0x14100;
	[dreg:$0x8] =	wrdreg s25  }
0xa: {  	s8 =	simm.s32 $0x14140;
	[dreg:$0x9] =	wrdreg s26  }
0xb: {  	s11 =	simm.s32 $0x14880;
	[dreg:$0xa] =	wrdreg s8  }
0xc: {  	s12 =	simm.s32 $0x14180;
	[dreg:$0xb] =	wrdreg s11  }
0xd: {  	s13 =	simm.s32 $0x141C0;
	[dreg:$0xc] =	wrdreg s12  }
0xe: {  	s14 =	simm.s32 $0x14900;
	[dreg:$0xd] =	wrdreg s13  }
0xf: {  	s15 =	simm.s32 $0x14200;
	[dreg:$0xe] =	wrdreg s14  }
0x10: {  	s16 =	simm.s32 $0x14240;
	s17 =	simm.s32 $0x14980;
	[dreg:$0xf] =	wrdreg s15  }
0x11: {  	s18 =	simm.s32 $0x14280;
	s7 =	smul.u32 $0x140000, s5;
	[dreg:$0x10] =	wrdreg s16  }
0x12: {  	s10 =	sshll.u32 s5, $0x4;
	s5 =	ssub.s32 $0x2, s5;
	[dreg:$0x11] =	wrdreg s17  }
0x13: {  	s19 =	simm.s32 $0x142C0;
	s21 =	sshrl.u32 s5, $0x1;
	[dreg:$0x12] =	wrdreg s18  }
0x14: {  	s20 =	simm.s32 $0x14A00;
	s5 =	ssub.s32 s5, s21;
	[dreg:$0x13] =	wrdreg s19  }
0x15: {  	s21 =	simm.s32 $0x144C0;
	s0 =	sshrl.u32 s0, $0x3;
	[dreg:$0x14] =	wrdreg s20  }
0x16: {  	s6 =	sadd.s32 s0, s1;
	s0 =	sadd.s32 s0, s4;
	[dreg:$0x1f] =	wrdreg s21  }
0x17: {  	s24 =	simm.s32 $0x14340;
	[dreg:$0x5] =	wrdreg s0  }
0x18: {  	s25 =	simm.s32 $0x14A80;
	[dreg:$0x16] =	wrdreg s24  }
0x19: {  	s11 =	simm.s32 $0x14B00;
	[dreg:$0x17] =	wrdreg s25  }
0x1a: {  	s13 =	simm.s32 $0x14400;
	[dreg:$0x1a] =	wrdreg s11  }
0x1b: {  	s15 =	simm.s32 $0x14440;
	[dreg:$0x1b] =	wrdreg s13  }
0x1c: {  	s17 =	simm.s32 $0x14B80;
	[dreg:$0x1c] =	wrdreg s15  }
0x1d: {  	s19 =	simm.s32 $0x14480;
	[dreg:$0x1d] =	wrdreg s17  }
0x1e: {  	s21 =	simm.s32 $0x14640;
	[dreg:$0x1e] =	wrdreg s19  }
0x1f: {  	s22 =	smul.u32 $0x14000, s9;
	s6 =	sadd.s32 $0xC00, s6;
	[smem:$0x7E1] =	sst s21  }
0x20: {  	s4 =	sadd.s32 $0xAC00, s1;
	s25 =	simm.s32 $0x14500;
	[dreg:$0x4] =	wrdreg s6  }
0x21: {  	s8 =	sshll.u32 s9, $0x7;
	s11 =	simm.s32 $0x14C80;
	[smem:$0x7D3] =	sst s25  }
0x22: {  	s23 =	smul.u32 $0x50000, s9;
	s13 =	simm.s32 $0x14580;
	[smem:$0x7D7] =	sst s11  }
0x23: {  	s8 =	sand.u32 $0x380, s8;
	s15 =	simm.s32 $0x145C0;
	[smem:$0x7D9] =	sst s13  }
0x24: {  	s17 =	simm.s32 $0x14D00;
	s19 =	simm.s32 $0x14600;
	[smem:$0x7DB] =	sst s15  }
0x25: {  	s6 =	sadd.s32 s22, s7;
	s7 =	sor.u32 s9, s10;
	[smem:$0x7DD] =	sst s17  }
0x26: {  	s22 =	simm.s32 $0x14300;
	s26 =	sshrl.u32 s23, $0x2;
	[smem:$0x7DF] =	sst s19  }
0x27: {  	s9 =	simm.s32 $0x143C0;
	s23 =	simm.s32 $0x14C00;
	[dreg:$0x15] =	wrdreg s22  }
0x28: {  	s6 =	sshrl.u32 s6, $0x3;
	s7 =	sshrl.u32 s7, $0x3;
	[dreg:$0x19] =	wrdreg s9  }
0x29: {  	[smem:$0x7D1] =	sst s23;
	s9 =	simm.s32 $0x14540;
	s7 =	smul.u32 $0x14000, s7  }
0x2a: {  	s23 =	simm.s32 $0x14D80;
	s0 =	sadd.s32 s6, s1;
	[smem:$0x7D5] =	sst s9  }
0x2b: {  	[smem:$0x7E2] =	sst s23;
	s0 =	sadd.s32 $0x3BE00, s0;
	s7 =	sor.u32 s8, s7  }
0x2c: {  	s8 =	simm.s32 $0x14380;
	[smem:$0x7E4] =	sst s0;
	s7 =	sshrl.u32 s7, $0x3  }
0x2d: {  	[dreg:$0x18] =	wrdreg s8;
	s1 =	sadd.s32 s7, s1;
	s7 =	sadd.s32 s26, s2  }
0x2e: {  	s10 =	sadd.s32 $0x800, s7;
	[smem:$0x7FC] =	sst s7  }
0x2f: {  	s12 =	sadd.s32 $0x1000, s7;
	[smem:$0x7C9] =	sst s10  }
0x30: {  	s14 =	sadd.s32 $0x1800, s7;
	[smem:$0x7CA] =	sst s12  }
0x31: {  	s16 =	sadd.s32 $0x2000, s7;
	[smem:$0x7CB] =	sst s14  }
0x32: {  	s18 =	sadd.s32 $0x2800, s7;
	[smem:$0x7CC] =	sst s16  }
0x33: {  	s20 =	sadd.s32 $0x3000, s7;
	[smem:$0x7CD] =	sst s18  }
0x34: {  	s22 =	sadd.s32 $0x3800, s7;
	[smem:$0x7CE] =	sst s20  }
0x35: {  	s24 =	sadd.s32 $0x4000, s7;
	[smem:$0x7CF] =	sst s22  }
0x36: {  	s26 =	sadd.s32 $0x4800, s7;
	[smem:$0x7D0] =	sst s24  }
0x37: {  	s25 =	sadd.s32 $0x31E00, s1;
	[smem:$0x7D2] =	sst s26  }
0x38: {  	s1 =	sadd.s32 $0x9000, s7;
	[smem:$0x7E5] =	sst s25  }
0x39: {  	s6 =	sadd.s32 $0xA000, s7;
	[smem:$0x7E7] =	sst s1  }
0x3a: {  	s8 =	sadd.s32 $0xA800, s7;
	[smem:$0x7E9] =	sst s6  }
0x3b: {  	s9 =	sadd.s32 $0xB000, s7;
	[smem:$0x7EA] =	sst s8  }
0x3c: {  	s11 =	sadd.s32 $0xC000, s7;
	[smem:$0x7EB] =	sst s9  }
0x3d: {  	s13 =	sadd.s32 $0xD000, s7;
	[smem:$0x7ED] =	sst s11  }
0x3e: {  	s15 =	sadd.s32 $0xE000, s7;
	[smem:$0x7EF] =	sst s13  }
0x3f: {  	s17 =	sadd.s32 $0xF000, s7;
	[smem:$0x7F1] =	sst s15  }
0x40: {  	s19 =	sadd.s32 $0x10000, s7;
	[smem:$0x7F3] =	sst s17  }
0x41: {  	s21 =	sadd.s32 $0x11000, s7;
	[smem:$0x7F5] =	sst s19  }
0x42: {  	s23 =	sadd.s32 $0x12000, s7;
	[smem:$0x7F7] =	sst s21  }
0x43: {  	s10 =	sadd.s32 $0x5000, s7;
	[smem:$0x7F9] =	sst s23  }
0x44: {  	s12 =	sadd.s32 $0x5800, s7;
	[smem:$0x7D4] =	sst s10  }
0x45: {  	s28 =	simm.s32 $0x5;
	s14 =	sadd.s32 $0x6000, s7;
	[smem:$0x7D6] =	sst s12  }
0x46: {  	s29 =	simm.s32 $0x14800;
	s16 =	sadd.s32 $0x6800, s7;
	[smem:$0x7D8] =	sst s14  }
0x47: {  	s30 =	simm.s32 $0x40;
	s18 =	sadd.s32 $0x7000, s7;
	[smem:$0x7DA] =	sst s16  }
0x48: {  	s31 =	simm.s32 $0x15000;
	s20 =	sadd.s32 $0x7800, s7;
	[smem:$0x7DC] =	sst s18  }
0x49: {  	s0 =	simm.s32 $0x19000;
	s22 =	sadd.s32 $0x8000, s7;
	[smem:$0x7DE] =	sst s20  }
0x4a: {  	s24 =	sadd.s32 $0x8800, s7;
	s26 =	smax.u32 s5, $0x1;
	[smem:$0x7E0] =	sst s22  }
0x4b: {  	s5 =	sadd.s32 $0x9800, s7;
	s25 =	sadd.s32 $0x13000, s7;
	[smem:$0x7E3] =	sst s24  }
0x4c: {  	s21 =	simm.s32 $0x1D000;
	s23 =	simm.s32 $0x2;
	[smem:$0x7E6] =	sst s26  }
0x4d: {  	s1 =	simm.s32 $0x17000;
	s6 =	simm.s32 $0x1B000;
	[smem:$0x7E8] =	sst s5  }
0x4e: {  	s8 =	simm.s32 $0x1D800;
	s10 =	sadd.s32 $0xB800, s7;
	[smem:$0x7FB] =	sst s25  }
0x4f: {  	s9 =	simm.s32 $0x14680;
	s12 =	sadd.s32 $0xC800, s7;
	[smem:$0x7EC] =	sst s10  }
0x50: {  	s11 =	simm.s32 $0x14E00;
	s14 =	sadd.s32 $0xD800, s7;
	[smem:$0x7EE] =	sst s12  }
0x51: {  	s13 =	simm.s32 $0x14740;
	s16 =	sadd.s32 $0xE800, s7;
	[smem:$0x7F0] =	sst s14  }
0x52: {  	s15 =	simm.s32 $0x14780;
	s18 =	sadd.s32 $0xF800, s7;
	[smem:$0x7F2] =	sst s16  }
0x53: {  	s17 =	simm.s32 $0x14F00;
	s20 =	sadd.s32 $0x10800, s7;
	[smem:$0x7F4] =	sst s18  }
0x54: {  	s19 =	simm.s32 $0x0;
	s22 =	sadd.s32 $0x11800, s7;
	[smem:$0x7F6] =	sst s20  }
0x55: {  	s24 =	sadd.s32 $0x12800, s7;
	s26 =	sadd.s32 $0x13800, s7;
	[smem:$0x7F8] =	sst s22  }
0x56: {  	s25 =	simm.s32 $0x4;
	s7 =	simm.s32 $0x80;
	[smem:$0x7FA] =	sst s24  }
0x57: {  	[smem:$0x7FD] =	sst s26;
	s22 =	simm.s32 $0x1;
	s24 =	simm.s32 $0x3  }
0x58: {  	s26 =	simm.s32 $0x14000;
	s10 =	simm.s32 $0x146C0;
	s12 =	simm.s32 $0x14700  }
0x59: {  	v0 =	vimm.f32 $0.0e+00;
	v1 =	vimm.f32 $1.000000000e+00;
	s14 =	simm.s32 $0x14E80;
	s16 =	simm.s32 $0x147C0;
	s18 =	simm.s32 $0x14F80  }
.LBB2_1:
0x5a: {  	s20 =	simm.s32 $0x0;
	s5 =	simm.s32 $0x200  }
.LBB2_2:
0x5b: {  	p0 =	sne.s32 s5, $0x1E00;
	[tilespmem:s20+$0x1D070] =	vst v0  }
0x5c: {  	[tilespmem:s20+$0x1D000] =	vst v0  }
0x5d: {  	[tilespmem:s20+$0x1D010] =	vst v0  }
.Ltmp0:
0x5e: {  	[tilespmem:s20+$0x1D020] =	vst v0;
	(pc) =	sbr.rel @p0 .LBB2_2-.Ltmp0, $4  }
0x5f: {  	[tilespmem:s20+$0x1D030] =	vst v0  }
0x60: {  	[tilespmem:s20+$0x1D040] =	vst v0  }
0x61: {  	[tilespmem:s20+$0x1D050] =	vst v0  }
0x62: {  	[tilespmem:s20+$0x1D060] =	vst v0;
	s20 =	sshra.s32 s5, $0x2;
	s5 =	sadd.s32 $0x200, s5  }
0x63: {  	[tilespmem:s20+$0x1D070] =	vst v0  }
0x64: {  	[tilespmem:s20+$0x1D000] =	vst v0  }
0x65: {  	[tilespmem:s20+$0x1D010] =	vst v0  }
0x66: {  	[tilespmem:s20+$0x1D020] =	vst v0  }
0x67: {  	[tilespmem:s20+$0x1D030] =	vst v0  }
0x68: {  	[tilespmem:s20+$0x1D040] =	vst v0  }
0x69: {  	[tilespmem:s20+$0x1D050] =	vst v0  }
0x6a: {  	[tilespmem:s20+$0x1D060] =	vst v0;
	s5 =	simm.s32 $0x40;
	s20 =	simm.s32 $0x0  }
.LBB2_4:
0x6b: {  	p0 =	sne.s32 s5, $0x9F80;
	[tilespmem:s20+$0x1D800] =	vst v0;
	s20 =	smov.u32 s5;
	s5 =	sadd.s32 $0x40, s5  }
.Ltmp1:
0x6c: {  	(pc) =	sbr.rel @p0 .LBB2_4-.Ltmp1, $2  }
0x6d: {  	_ =	sdelay $0x2  }
0x6e: {  	s20 =	sshra.s32 s20, $0x2  }
0x6f: {  	s5 =	sld [smem:$0x7FC]  }
0x70: {  	[smem:$0x7C8] =	sst s19  }
0x71: {  	[tilespmem:s20+$0x1D800] =	vst v0;
	s20 =	sld [smem:$0x7C9]  }
0x72: {  	[spmem:s5] =	stream.linear.scatter [tilespmem:s21], [sflag:$0x1], $0x800, $0x38;
	v63 =	vld [tilespmem:$0x0]  }
0x73: {  	s19 =	sld [smem:$0x7CA]  }
0x74: {  	[spmem:s20] =	stream.linear.scatter [tilespmem:s21], [sflag:$0x2], $0x800, $0x38;
	v63 =	vld [tilespmem:$0x0]  }
0x75: {  	s20 =	sld [smem:$0x7CB]  }
0x76: {  	[spmem:s19] =	stream.linear.scatter [tilespmem:s21], [sflag:$0x3], $0x800, $0x38;
	v63 =	vld [tilespmem:$0x0]  }
0x77: {  	_ = 	snop  }
0x78: {  	[spmem:s20] =	stream.linear.scatter [tilespmem:s21], [sflag:$0x4], $0x800, $0x38;
	v63 =	vld [tilespmem:$0x0]  }
0x79: {  	_ =	swait.ge [sflag:s22], $0x800  }
0x7a: {  	s19 =	sld [smem:$0x7CC]  }
0x7b: {  	[sflag:s22] =	ssyncset.done $0x0  }
0x7c: {  	[sflag:s22] =	ssyncadd.s32 $0xFFFFF800  }
0x7d: {  	[spmem:s19] =	stream.linear.scatter [tilespmem:s21], [sflag:$0x1], $0x800, $0x38;
	v63 =	vld [tilespmem:$0x0]  }
0x7e: {  	_ =	swait.ge [sflag:s23], $0x800  }
0x7f: {  	s20 =	sld [smem:$0x7CD]  }
0x80: {  	[sflag:s23] =	ssyncset.done $0x0  }
0x81: {  	[sflag:s23] =	ssyncadd.s32 $0xFFFFF800  }
0x82: {  	[spmem:s20] =	stream.linear.scatter [tilespmem:s21], [sflag:$0x2], $0x800, $0x38;
	v63 =	vld [tilespmem:$0x0]  }
0x83: {  	_ =	swait.ge [sflag:s24], $0x800  }
0x84: {  	s19 =	sld [smem:$0x7CE]  }
0x85: {  	[sflag:s24] =	ssyncset.done $0x0  }
0x86: {  	[sflag:s24] =	ssyncadd.s32 $0xFFFFF800  }
0x87: {  	[spmem:s19] =	stream.linear.scatter [tilespmem:s21], [sflag:$0x3], $0x800, $0x38;
	v63 =	vld [tilespmem:$0x0]  }
0x88: {  	_ =	swait.ge [sflag:s25], $0x800  }
0x89: {  	s20 =	sld [smem:$0x7CF]  }
0x8a: {  	[sflag:s25] =	ssyncset.done $0x0  }
0x8b: {  	[sflag:s25] =	ssyncadd.s32 $0xFFFFF800  }
0x8c: {  	[spmem:s20] =	stream.linear.scatter [tilespmem:s21], [sflag:$0x4], $0x800, $0x38;
	v63 =	vld [tilespmem:$0x0]  }
0x8d: {  	_ =	swait.ge [sflag:s22], $0x800  }
0x8e: {  	s19 =	sld [smem:$0x7D0]  }
0x8f: {  	[sflag:s22] =	ssyncset.done $0x0  }
0x90: {  	[sflag:s22] =	ssyncadd.s32 $0xFFFFF800  }
0x91: {  	[spmem:s19] =	stream.linear.scatter [tilespmem:s21], [sflag:$0x1], $0x800, $0x38;
	v63 =	vld [tilespmem:$0x0]  }
0x92: {  	_ =	swait.ge [sflag:s23], $0x800  }
0x93: {  	s20 =	sld [smem:$0x7D2]  }
0x94: {  	[sflag:s23] =	ssyncset.done $0x0  }
0x95: {  	[sflag:s23] =	ssyncadd.s32 $0xFFFFF800  }
0x96: {  	[spmem:s20] =	stream.linear.scatter [tilespmem:s21], [sflag:$0x2], $0x800, $0x38;
	v63 =	vld [tilespmem:$0x0]  }
0x97: {  	_ =	swait.ge [sflag:s24], $0x800  }
0x98: {  	s19 =	sld [smem:$0x7D4]  }
0x99: {  	[sflag:s24] =	ssyncset.done $0x0  }
0x9a: {  	[sflag:s24] =	ssyncadd.s32 $0xFFFFF800  }
0x9b: {  	[spmem:s19] =	stream.linear.scatter [tilespmem:s21], [sflag:$0x3], $0x800, $0x38;
	v63 =	vld [tilespmem:$0x0]  }
0x9c: {  	_ =	swait.ge [sflag:s25], $0x800  }
0x9d: {  	s20 =	sld [smem:$0x7D6]  }
0x9e: {  	[sflag:s25] =	ssyncset.done $0x0  }
0x9f: {  	[sflag:s25] =	ssyncadd.s32 $0xFFFFF800  }
0xa0: {  	[spmem:s20] =	stream.linear.scatter [tilespmem:s21], [sflag:$0x4], $0x800, $0x38;
	v63 =	vld [tilespmem:$0x0]  }
0xa1: {  	_ =	swait.ge [sflag:s22], $0x800  }
0xa2: {  	s19 =	sld [smem:$0x7D8]  }
0xa3: {  	[sflag:s22] =	ssyncset.done $0x0  }
0xa4: {  	[sflag:s22] =	ssyncadd.s32 $0xFFFFF800  }
0xa5: {  	[spmem:s19] =	stream.linear.scatter [tilespmem:s21], [sflag:$0x1], $0x800, $0x38;
	v63 =	vld [tilespmem:$0x0]  }
0xa6: {  	_ =	swait.ge [sflag:s23], $0x800  }
0xa7: {  	s20 =	sld [smem:$0x7DA]  }
0xa8: {  	[sflag:s23] =	ssyncset.done $0x0  }
0xa9: {  	[sflag:s23] =	ssyncadd.s32 $0xFFFFF800  }
0xaa: {  	[spmem:s20] =	stream.linear.scatter [tilespmem:s21], [sflag:$0x2], $0x800, $0x38;
	v63 =	vld [tilespmem:$0x0]  }
0xab: {  	_ =	swait.ge [sflag:s24], $0x800  }
0xac: {  	s19 =	sld [smem:$0x7DC]  }
0xad: {  	[sflag:s24] =	ssyncset.done $0x0  }
0xae: {  	[sflag:s24] =	ssyncadd.s32 $0xFFFFF800  }
0xaf: {  	[spmem:s19] =	stream.linear.scatter [tilespmem:s21], [sflag:$0x3], $0x800, $0x38;
	v63 =	vld [tilespmem:$0x0]  }
0xb0: {  	_ =	swait.ge [sflag:s25], $0x800  }
0xb1: {  	s20 =	sld [smem:$0x7DE]  }
0xb2: {  	[sflag:s25] =	ssyncset.done $0x0  }
0xb3: {  	[sflag:s25] =	ssyncadd.s32 $0xFFFFF800  }
0xb4: {  	[spmem:s20] =	stream.linear.scatter [tilespmem:s21], [sflag:$0x4], $0x800, $0x38;
	v63 =	vld [tilespmem:$0x0]  }
0xb5: {  	_ =	swait.ge [sflag:s22], $0x800  }
0xb6: {  	s19 =	sld [smem:$0x7E0]  }
0xb7: {  	[sflag:s22] =	ssyncset.done $0x0  }
0xb8: {  	[sflag:s22] =	ssyncadd.s32 $0xFFFFF800  }
0xb9: {  	[spmem:s19] =	stream.linear.scatter [tilespmem:s21], [sflag:$0x1], $0x800, $0x38;
	v63 =	vld [tilespmem:$0x0]  }
0xba: {  	_ =	swait.ge [sflag:s23], $0x800  }
0xbb: {  	s20 =	sld [smem:$0x7E3]  }
0xbc: {  	[sflag:s23] =	ssyncset.done $0x0  }
0xbd: {  	[sflag:s23] =	ssyncadd.s32 $0xFFFFF800  }
0xbe: {  	[spmem:s20] =	stream.linear.scatter [tilespmem:s21], [sflag:$0x2], $0x800, $0x38;
	v63 =	vld [tilespmem:$0x0]  }
0xbf: {  	_ =	swait.ge [sflag:s24], $0x800  }
0xc0: {  	s19 =	sld [smem:$0x7E7]  }
0xc1: {  	[sflag:s24] =	ssyncset.done $0x0  }
0xc2: {  	[sflag:s24] =	ssyncadd.s32 $0xFFFFF800  }
0xc3: {  	[spmem:s19] =	stream.linear.scatter [tilespmem:s21], [sflag:$0x3], $0x800, $0x38;
	v63 =	vld [tilespmem:$0x0]  }
0xc4: {  	_ =	swait.ge [sflag:s25], $0x800  }
0xc5: {  	s20 =	sld [smem:$0x7E8]  }
0xc6: {  	[sflag:s25] =	ssyncset.done $0x0  }
0xc7: {  	[sflag:s25] =	ssyncadd.s32 $0xFFFFF800  }
0xc8: {  	[spmem:s20] =	stream.linear.scatter [tilespmem:s21], [sflag:$0x4], $0x800, $0x38;
	v63 =	vld [tilespmem:$0x0]  }
0xc9: {  	_ =	swait.ge [sflag:s22], $0x800  }
0xca: {  	s19 =	sld [smem:$0x7E9]  }
0xcb: {  	[sflag:s22] =	ssyncset.done $0x0  }
0xcc: {  	[sflag:s22] =	ssyncadd.s32 $0xFFFFF800  }
0xcd: {  	[spmem:s19] =	stream.linear.scatter [tilespmem:s21], [sflag:$0x1], $0x800, $0x38;
	v63 =	vld [tilespmem:$0x0]  }
0xce: {  	_ =	swait.ge [sflag:s23], $0x800  }
0xcf: {  	s20 =	sld [smem:$0x7EA]  }
0xd0: {  	[sflag:s23] =	ssyncset.done $0x0  }
0xd1: {  	[sflag:s23] =	ssyncadd.s32 $0xFFFFF800  }
0xd2: {  	[spmem:s20] =	stream.linear.scatter [tilespmem:s21], [sflag:$0x2], $0x800, $0x38;
	v63 =	vld [tilespmem:$0x0]  }
0xd3: {  	_ =	swait.ge [sflag:s24], $0x800  }
0xd4: {  	s19 =	sld [smem:$0x7EB]  }
0xd5: {  	[sflag:s24] =	ssyncset.done $0x0  }
0xd6: {  	[sflag:s24] =	ssyncadd.s32 $0xFFFFF800  }
0xd7: {  	[spmem:s19] =	stream.linear.scatter [tilespmem:s21], [sflag:$0x3], $0x800, $0x38;
	v63 =	vld [tilespmem:$0x0]  }
0xd8: {  	_ =	swait.ge [sflag:s25], $0x800  }
0xd9: {  	s20 =	sld [smem:$0x7EC]  }
0xda: {  	[sflag:s25] =	ssyncset.done $0x0  }
0xdb: {  	[sflag:s25] =	ssyncadd.s32 $0xFFFFF800  }
0xdc: {  	[spmem:s20] =	stream.linear.scatter [tilespmem:s21], [sflag:$0x4], $0x800, $0x38;
	v63 =	vld [tilespmem:$0x0]  }
0xdd: {  	_ =	swait.ge [sflag:s22], $0x800  }
0xde: {  	s19 =	sld [smem:$0x7ED]  }
0xdf: {  	[sflag:s22] =	ssyncset.done $0x0  }
0xe0: {  	[sflag:s22] =	ssyncadd.s32 $0xFFFFF800  }
0xe1: {  	[spmem:s19] =	stream.linear.scatter [tilespmem:s21], [sflag:$0x1], $0x800, $0x38;
	v63 =	vld [tilespmem:$0x0]  }
0xe2: {  	_ =	swait.ge [sflag:s23], $0x800  }
0xe3: {  	s20 =	sld [smem:$0x7EE]  }
0xe4: {  	[sflag:s23] =	ssyncset.done $0x0  }
0xe5: {  	[sflag:s23] =	ssyncadd.s32 $0xFFFFF800  }
0xe6: {  	[spmem:s20] =	stream.linear.scatter [tilespmem:s21], [sflag:$0x2], $0x800, $0x38;
	v63 =	vld [tilespmem:$0x0]  }
0xe7: {  	_ =	swait.ge [sflag:s24], $0x800  }
0xe8: {  	s19 =	sld [smem:$0x7EF]  }
0xe9: {  	[sflag:s24] =	ssyncset.done $0x0  }
0xea: {  	[sflag:s24] =	ssyncadd.s32 $0xFFFFF800  }
0xeb: {  	[spmem:s19] =	stream.linear.scatter [tilespmem:s21], [sflag:$0x3], $0x800, $0x38;
	v63 =	vld [tilespmem:$0x0]  }
0xec: {  	_ =	swait.ge [sflag:s25], $0x800  }
0xed: {  	s20 =	sld [smem:$0x7F0]  }
0xee: {  	[sflag:s25] =	ssyncset.done $0x0  }
0xef: {  	[sflag:s25] =	ssyncadd.s32 $0xFFFFF800  }
0xf0: {  	[spmem:s20] =	stream.linear.scatter [tilespmem:s21], [sflag:$0x4], $0x800, $0x38;
	v63 =	vld [tilespmem:$0x0]  }
0xf1: {  	_ =	swait.ge [sflag:s22], $0x800  }
0xf2: {  	s19 =	sld [smem:$0x7F1]  }
0xf3: {  	[sflag:s22] =	ssyncset.done $0x0  }
0xf4: {  	[sflag:s22] =	ssyncadd.s32 $0xFFFFF800  }
0xf5: {  	[spmem:s19] =	stream.linear.scatter [tilespmem:s21], [sflag:$0x1], $0x800, $0x38;
	v63 =	vld [tilespmem:$0x0]  }
0xf6: {  	_ =	swait.ge [sflag:s23], $0x800  }
0xf7: {  	s20 =	sld [smem:$0x7F2]  }
0xf8: {  	[sflag:s23] =	ssyncset.done $0x0  }
0xf9: {  	[sflag:s23] =	ssyncadd.s32 $0xFFFFF800  }
0xfa: {  	[spmem:s20] =	stream.linear.scatter [tilespmem:s21], [sflag:$0x2], $0x800, $0x38;
	v63 =	vld [tilespmem:$0x0]  }
0xfb: {  	_ =	swait.ge [sflag:s24], $0x800  }
0xfc: {  	s19 =	sld [smem:$0x7F3]  }
0xfd: {  	[sflag:s24] =	ssyncset.done $0x0  }
0xfe: {  	[sflag:s24] =	ssyncadd.s32 $0xFFFFF800  }
0xff: {  	[spmem:s19] =	stream.linear.scatter [tilespmem:s21], [sflag:$0x3], $0x800, $0x38;
	v63 =	vld [tilespmem:$0x0]  }
0x100: {  	_ =	swait.ge [sflag:s25], $0x800  }
0x101: {  	s20 =	sld [smem:$0x7F4]  }
0x102: {  	[sflag:s25] =	ssyncset.done $0x0  }
0x103: {  	[sflag:s25] =	ssyncadd.s32 $0xFFFFF800  }
0x104: {  	[spmem:s20] =	stream.linear.scatter [tilespmem:s21], [sflag:$0x4], $0x800, $0x38;
	v63 =	vld [tilespmem:$0x0]  }
0x105: {  	_ =	swait.ge [sflag:s22], $0x800  }
0x106: {  	s19 =	sld [smem:$0x7F5]  }
0x107: {  	[sflag:s22] =	ssyncset.done $0x0  }
0x108: {  	[sflag:s22] =	ssyncadd.s32 $0xFFFFF800  }
0x109: {  	[spmem:s19] =	stream.linear.scatter [tilespmem:s21], [sflag:$0x1], $0x800, $0x38;
	v63 =	vld [tilespmem:$0x0]  }
0x10a: {  	_ =	swait.ge [sflag:s23], $0x800  }
0x10b: {  	s20 =	sld [smem:$0x7F6]  }
0x10c: {  	[sflag:s23] =	ssyncset.done $0x0  }
0x10d: {  	[sflag:s23] =	ssyncadd.s32 $0xFFFFF800  }
0x10e: {  	[spmem:s20] =	stream.linear.scatter [tilespmem:s21], [sflag:$0x2], $0x800, $0x38;
	v63 =	vld [tilespmem:$0x0]  }
0x10f: {  	_ =	swait.ge [sflag:s24], $0x800  }
0x110: {  	s19 =	sld [smem:$0x7F7]  }
0x111: {  	[sflag:s24] =	ssyncset.done $0x0  }
0x112: {  	[sflag:s24] =	ssyncadd.s32 $0xFFFFF800  }
0x113: {  	[spmem:s19] =	stream.linear.scatter [tilespmem:s21], [sflag:$0x3], $0x800, $0x38;
	v63 =	vld [tilespmem:$0x0]  }
0x114: {  	_ =	swait.ge [sflag:s25], $0x800  }
0x115: {  	s20 =	sld [smem:$0x7F8]  }
0x116: {  	[sflag:s25] =	ssyncset.done $0x0  }
0x117: {  	[sflag:s25] =	ssyncadd.s32 $0xFFFFF800  }
0x118: {  	[spmem:s20] =	stream.linear.scatter [tilespmem:s21], [sflag:$0x4], $0x800, $0x38;
	v63 =	vld [tilespmem:$0x0]  }
0x119: {  	_ =	swait.ge [sflag:s22], $0x800  }
0x11a: {  	s19 =	sld [smem:$0x7F9]  }
0x11b: {  	[sflag:s22] =	ssyncset.done $0x0  }
0x11c: {  	[sflag:s22] =	ssyncadd.s32 $0xFFFFF800  }
0x11d: {  	[spmem:s19] =	stream.linear.scatter [tilespmem:s21], [sflag:$0x1], $0x800, $0x38;
	v63 =	vld [tilespmem:$0x0]  }
0x11e: {  	_ =	swait.ge [sflag:s23], $0x800  }
0x11f: {  	s20 =	sld [smem:$0x7FA]  }
0x120: {  	[sflag:s23] =	ssyncset.done $0x0  }
0x121: {  	[sflag:s23] =	ssyncadd.s32 $0xFFFFF800  }
0x122: {  	[spmem:s20] =	stream.linear.scatter [tilespmem:s21], [sflag:$0x2], $0x800, $0x38;
	v63 =	vld [tilespmem:$0x0]  }
0x123: {  	_ =	swait.ge [sflag:s24], $0x800  }
0x124: {  	s19 =	sld [smem:$0x7FB]  }
0x125: {  	[sflag:s24] =	ssyncset.done $0x0  }
0x126: {  	[sflag:s24] =	ssyncadd.s32 $0xFFFFF800  }
0x127: {  	[spmem:s19] =	stream.linear.scatter [tilespmem:s21], [sflag:$0x3], $0x800, $0x38;
	v63 =	vld [tilespmem:$0x0]  }
0x128: {  	_ =	swait.ge [sflag:s25], $0x800  }
0x129: {  	s20 =	sld [smem:$0x7FD]  }
0x12a: {  	[sflag:s25] =	ssyncset.done $0x0  }
0x12b: {  	[sflag:s25] =	ssyncadd.s32 $0xFFFFF800  }
0x12c: {  	[spmem:s20] =	stream.linear.scatter [tilespmem:s21], [sflag:$0x4], $0x800, $0x38;
	v63 =	vld [tilespmem:$0x0]  }
0x12d: {  	_ =	swait.ge [sflag:s22], $0x800  }
0x12e: {  	[sflag:s22] =	ssyncset.done $0x0  }
0x12f: {  	[sflag:s22] =	ssyncadd.s32 $0xFFFFF800  }
0x130: {  	_ =	swait.ge [sflag:s23], $0x800  }
0x131: {  	[sflag:s23] =	ssyncset.done $0x0  }
0x132: {  	[sflag:s23] =	ssyncadd.s32 $0xFFFFF800  }
0x133: {  	_ =	swait.ge [sflag:s24], $0x800  }
0x134: {  	[sflag:s24] =	ssyncset.done $0x0  }
0x135: {  	[sflag:s24] =	ssyncadd.s32 $0xFFFFF800  }
0x136: {  	_ =	swait.ge [sflag:s25], $0x800  }
0x137: {  	[sflag:s25] =	ssyncset.done $0x0  }
0x138: {  	[sflag:s25] =	ssyncadd.s32 $0xFFFFF800  }
0x139: {  	s20 =	simm.s32 $0x0;
	[bflag:$0x0] =	sbarrier.arrive $0xFFFF  }
.LBB2_6:
0x13a: {  	s5 =	rddreg [dreg:$0x5]  }
0x13b: {  	s5 =	sadd.s32 s20, s5  }
0x13c: {  	[tilespmem:s26], [sflag:$0x5] =	stream.linear.gather [hbm4b:s5+s3], $0x800, $0x38;
	v63 =	vld [tilespmem:$0x0]  }
0x13d: {  	_ =	swait.ge [sflag:s28], $0x800  }
0x13e: {  	s19 =	rddreg [dreg:$0x4];
	[sflag:s28] =	ssyncset.done $0x0  }
0x13f: {  	[sflag:s28] =	ssyncadd.s32 $0xFFFFF800;
	s5 =	sadd.s32 s20, s19  }
0x140: {  	[tilespmem:s29], [sflag:$0x5] =	stream.linear.gather [hbm4b:s5+s3], $0x800, $0x38;
	v63 =	vld [tilespmem:$0x0]  }
0x141: {  	_ =	swait.ge [sflag:s28], $0x800  }
0x142: {  	[sflag:s28] =	ssyncset.done $0x0  }
0x143: {  	[sflag:s28] =	ssyncadd.s32 $0xFFFFF800  }
0x144: {  	[tilespmem:s31], [sflag:$0x1] =	stream.indirect.gather [hbm4b:s4+s30], $0x80, s26, s30, $0xb8;
	v63 =	vld [tilespmem:$0x0]  }
0x145: {  	s5 =	rddreg [dreg:$0x6]  }
0x146: {  	[tilespmem:s1], [sflag:$0x1] =	stream.indirect.gather [hbm4b:s4+s30], $0x80, s5, s30, $0xb8;
	v63 =	vld [tilespmem:$0x0]  }
0x147: {  	s19 =	rddreg [dreg:$0x7]  }
0x148: {  	[tilespmem:s0], [sflag:$0x2] =	stream.indirect.gather [hbm4b:s4+s30], $0x80, s19, s30, $0xb8;
	v63 =	vld [tilespmem:$0x0]  }
0x149: {  	s5 =	rddreg [dreg:$0x8]  }
0x14a: {  	[tilespmem:s6], [sflag:$0x2] =	stream.indirect.gather [hbm4b:s4+s30], $0x80, s5, s30, $0xb8;
	v63 =	vld [tilespmem:$0x0]  }
0x14b: {  	_ =	swait.ge [sflag:s22], $0x2000  }
0x14c: {  	[sflag:s22] =	ssyncset.done $0x0  }
0x14d: {  	[sflag:s22] =	ssyncadd.s32 $0xFFFFE000  }
0x14e: {  	_ =	swait.ge [sflag:s22], $0x2000  }
0x14f: {  	[sflag:s22] =	ssyncset.done $0x0  }
0x150: {  	[sflag:s22] =	ssyncadd.s32 $0xFFFFE000  }
0x151: {  	[spmem:s2] =	stream.indirect.scatter.add.f32 [tilespmem:s31], [sflag:$0x3], $0x80, s29, s7, $0xb8;
	v63 =	vld [tilespmem:$0x0]  }
0x152: {  	v2 =	vld [tilespmem:$0x14800];
	_ =	sdelay $0x7  }
0x153: {  	[tilespmem:v2+s8+$0x0] =	vst.idx.add.f32.msk $0xffff, v1  }
0x154: {  	v2 =	vld [tilespmem:$0x14810];
	_ =	sdelay $0x7  }
0x155: {  	[tilespmem:v2+s8+$0x0] =	vst.idx.add.f32.msk $0xffff, v1  }
0x156: {  	v2 =	vld [tilespmem:$0x14820];
	_ =	sdelay $0x7  }
0x157: {  	[tilespmem:v2+s8+$0x0] =	vst.idx.add.f32.msk $0xffff, v1  }
0x158: {  	v2 =	vld [tilespmem:$0x14830];
	_ =	sdelay $0x7  }
0x159: {  	[tilespmem:v2+s8+$0x0] =	vst.idx.add.f32.msk $0xffff, v1  }
0x15a: {  	v2 =	vld [tilespmem:$0x14840];
	_ =	sdelay $0x7  }
0x15b: {  	[tilespmem:v2+s8+$0x0] =	vst.idx.add.f32.msk $0xffff, v1  }
0x15c: {  	v2 =	vld [tilespmem:$0x14850];
	_ =	sdelay $0x7  }
0x15d: {  	[tilespmem:v2+s8+$0x0] =	vst.idx.add.f32.msk $0xffff, v1  }
0x15e: {  	v2 =	vld [tilespmem:$0x14860];
	_ =	sdelay $0x7  }
0x15f: {  	[tilespmem:v2+s8+$0x0] =	vst.idx.add.f32.msk $0xffff, v1  }
0x160: {  	v2 =	vld [tilespmem:$0x14870];
	_ =	sdelay $0x7  }
0x161: {  	[tilespmem:v2+s8+$0x0] =	vst.idx.add.f32.msk $0xffff, v1  }
0x162: {  	_ =	swait.ge [sflag:s24], $0x4000  }
0x163: {  	[sflag:s24] =	ssyncset.done $0x0  }
0x164: {  	s5 =	rddreg [dreg:$0x9];
	[sflag:s24] =	ssyncadd.s32 $0xFFFFC000  }
0x165: {  	[tilespmem:s31], [sflag:$0x1] =	stream.indirect.gather [hbm4b:s4+s30], $0x80, s5, s30, $0xb8;
	v63 =	vld [tilespmem:$0x0]  }
0x166: {  	s19 =	rddreg [dreg:$0xa]  }
0x167: {  	[tilespmem:s1], [sflag:$0x1] =	stream.indirect.gather [hbm4b:s4+s30], $0x80, s19, s30, $0xb8;
	v63 =	vld [tilespmem:$0x0]  }
0x168: {  	_ =	swait.ge [sflag:s23], $0x2000  }
0x169: {  	[sflag:s23] =	ssyncset.done $0x0  }
0x16a: {  	[sflag:s23] =	ssyncadd.s32 $0xFFFFE000  }
0x16b: {  	_ =	swait.ge [sflag:s23], $0x2000  }
0x16c: {  	[sflag:s23] =	ssyncset.done $0x0  }
0x16d: {  	s19 =	rddreg [dreg:$0xb];
	[sflag:s23] =	ssyncadd.s32 $0xFFFFE000  }
0x16e: {  	[spmem:s2] =	stream.indirect.scatter.add.f32 [tilespmem:s0], [sflag:$0x4], $0x80, s19, s7, $0xb8;
	v63 =	vld [tilespmem:$0x0]  }
0x16f: {  	v2 =	vld [tilespmem:$0x14880];
	_ =	sdelay $0x7  }
0x170: {  	[tilespmem:v2+s8+$0x0] =	vst.idx.add.f32.msk $0xffff, v1  }
0x171: {  	v2 =	vld [tilespmem:$0x14890];
	_ =	sdelay $0x7  }
0x172: {  	[tilespmem:v2+s8+$0x0] =	vst.idx.add.f32.msk $0xffff, v1  }
0x173: {  	v2 =	vld [tilespmem:$0x148A0];
	_ =	sdelay $0x7  }
0x174: {  	[tilespmem:v2+s8+$0x0] =	vst.idx.add.f32.msk $0xffff, v1  }
0x175: {  	v2 =	vld [tilespmem:$0x148B0];
	_ =	sdelay $0x7  }
0x176: {  	[tilespmem:v2+s8+$0x0] =	vst.idx.add.f32.msk $0xffff, v1  }
0x177: {  	v2 =	vld [tilespmem:$0x148C0];
	_ =	sdelay $0x7  }
0x178: {  	[tilespmem:v2+s8+$0x0] =	vst.idx.add.f32.msk $0xffff, v1  }
0x179: {  	v2 =	vld [tilespmem:$0x148D0];
	_ =	sdelay $0x7  }
0x17a: {  	[tilespmem:v2+s8+$0x0] =	vst.idx.add.f32.msk $0xffff, v1  }
0x17b: {  	v2 =	vld [tilespmem:$0x148E0];
	_ =	sdelay $0x7  }
0x17c: {  	[tilespmem:v2+s8+$0x0] =	vst.idx.add.f32.msk $0xffff, v1  }
0x17d: {  	v2 =	vld [tilespmem:$0x148F0];
	_ =	sdelay $0x7  }
0x17e: {  	[tilespmem:v2+s8+$0x0] =	vst.idx.add.f32.msk $0xffff, v1  }
0x17f: {  	_ =	swait.ge [sflag:s25], $0x4000  }
0x180: {  	[sflag:s25] =	ssyncset.done $0x0  }
0x181: {  	s5 =	rddreg [dreg:$0xc];
	[sflag:s25] =	ssyncadd.s32 $0xFFFFC000  }
0x182: {  	[tilespmem:s0], [sflag:$0x2] =	stream.indirect.gather [hbm4b:s4+s30], $0x80, s5, s30, $0xb8;
	v63 =	vld [tilespmem:$0x0]  }
0x183: {  	s19 =	rddreg [dreg:$0xd]  }
0x184: {  	[tilespmem:s6], [sflag:$0x2] =	stream.indirect.gather [hbm4b:s4+s30], $0x80, s19, s30, $0xb8;
	v63 =	vld [tilespmem:$0x0]  }
0x185: {  	_ =	swait.ge [sflag:s22], $0x2000  }
0x186: {  	[sflag:s22] =	ssyncset.done $0x0  }
0x187: {  	[sflag:s22] =	ssyncadd.s32 $0xFFFFE000  }
0x188: {  	_ =	swait.ge [sflag:s22], $0x2000  }
0x189: {  	[sflag:s22] =	ssyncset.done $0x0  }
0x18a: {  	s19 =	rddreg [dreg:$0xe];
	[sflag:s22] =	ssyncadd.s32 $0xFFFFE000  }
0x18b: {  	[spmem:s2] =	stream.indirect.scatter.add.f32 [tilespmem:s31], [sflag:$0x3], $0x80, s19, s7, $0xb8;
	v63 =	vld [tilespmem:$0x0]  }
0x18c: {  	v2 =	vld [tilespmem:$0x14900];
	_ =	sdelay $0x7  }
0x18d: {  	[tilespmem:v2+s8+$0x0] =	vst.idx.add.f32.msk $0xffff, v1  }
0x18e: {  	v2 =	vld [tilespmem:$0x14910];
	_ =	sdelay $0x7  }
0x18f: {  	[tilespmem:v2+s8+$0x0] =	vst.idx.add.f32.msk $0xffff, v1  }
0x190: {  	v2 =	vld [tilespmem:$0x14920];
	_ =	sdelay $0x7  }
0x191: {  	[tilespmem:v2+s8+$0x0] =	vst.idx.add.f32.msk $0xffff, v1  }
0x192: {  	v2 =	vld [tilespmem:$0x14930];
	_ =	sdelay $0x7  }
0x193: {  	[tilespmem:v2+s8+$0x0] =	vst.idx.add.f32.msk $0xffff, v1  }
0x194: {  	v2 =	vld [tilespmem:$0x14940];
	_ =	sdelay $0x7  }
0x195: {  	[tilespmem:v2+s8+$0x0] =	vst.idx.add.f32.msk $0xffff, v1  }
0x196: {  	v2 =	vld [tilespmem:$0x14950];
	_ =	sdelay $0x7  }
0x197: {  	[tilespmem:v2+s8+$0x0] =	vst.idx.add.f32.msk $0xffff, v1  }
0x198: {  	v2 =	vld [tilespmem:$0x14960];
	_ =	sdelay $0x7  }
0x199: {  	[tilespmem:v2+s8+$0x0] =	vst.idx.add.f32.msk $0xffff, v1  }
0x19a: {  	v2 =	vld [tilespmem:$0x14970];
	_ =	sdelay $0x7  }
0x19b: {  	[tilespmem:v2+s8+$0x0] =	vst.idx.add.f32.msk $0xffff, v1  }
0x19c: {  	_ =	swait.ge [sflag:s24], $0x4000  }
0x19d: {  	[sflag:s24] =	ssyncset.done $0x0  }
0x19e: {  	s5 =	rddreg [dreg:$0xf];
	[sflag:s24] =	ssyncadd.s32 $0xFFFFC000  }
0x19f: {  	[tilespmem:s31], [sflag:$0x1] =	stream.indirect.gather [hbm4b:s4+s30], $0x80, s5, s30, $0xb8;
	v63 =	vld [tilespmem:$0x0]  }
0x1a0: {  	s19 =	rddreg [dreg:$0x10]  }
0x1a1: {  	[tilespmem:s1], [sflag:$0x1] =	stream.indirect.gather [hbm4b:s4+s30], $0x80, s19, s30, $0xb8;
	v63 =	vld [tilespmem:$0x0]  }
0x1a2: {  	_ =	swait.ge [sflag:s23], $0x2000  }
0x1a3: {  	[sflag:s23] =	ssyncset.done $0x0  }
0x1a4: {  	[sflag:s23] =	ssyncadd.s32 $0xFFFFE000  }
0x1a5: {  	_ =	swait.ge [sflag:s23], $0x2000  }
0x1a6: {  	[sflag:s23] =	ssyncset.done $0x0  }
0x1a7: {  	s19 =	rddreg [dreg:$0x11];
	[sflag:s23] =	ssyncadd.s32 $0xFFFFE000  }
0x1a8: {  	[spmem:s2] =	stream.indirect.scatter.add.f32 [tilespmem:s0], [sflag:$0x4], $0x80, s19, s7, $0xb8;
	v63 =	vld [tilespmem:$0x0]  }
0x1a9: {  	v2 =	vld [tilespmem:$0x14980];
	_ =	sdelay $0x7  }
0x1aa: {  	[tilespmem:v2+s8+$0x0] =	vst.idx.add.f32.msk $0xffff, v1  }
0x1ab: {  	v2 =	vld [tilespmem:$0x14990];
	_ =	sdelay $0x7  }
0x1ac: {  	[tilespmem:v2+s8+$0x0] =	vst.idx.add.f32.msk $0xffff, v1  }
0x1ad: {  	v2 =	vld [tilespmem:$0x149A0];
	_ =	sdelay $0x7  }
0x1ae: {  	[tilespmem:v2+s8+$0x0] =	vst.idx.add.f32.msk $0xffff, v1  }
0x1af: {  	v2 =	vld [tilespmem:$0x149B0];
	_ =	sdelay $0x7  }
0x1b0: {  	[tilespmem:v2+s8+$0x0] =	vst.idx.add.f32.msk $0xffff, v1  }
0x1b1: {  	v2 =	vld [tilespmem:$0x149C0];
	_ =	sdelay $0x7  }
0x1b2: {  	[tilespmem:v2+s8+$0x0] =	vst.idx.add.f32.msk $0xffff, v1  }
0x1b3: {  	v2 =	vld [tilespmem:$0x149D0];
	_ =	sdelay $0x7  }
0x1b4: {  	[tilespmem:v2+s8+$0x0] =	vst.idx.add.f32.msk $0xffff, v1  }
0x1b5: {  	v2 =	vld [tilespmem:$0x149E0];
	_ =	sdelay $0x7  }
0x1b6: {  	[tilespmem:v2+s8+$0x0] =	vst.idx.add.f32.msk $0xffff, v1  }
0x1b7: {  	v2 =	vld [tilespmem:$0x149F0];
	_ =	sdelay $0x7  }
0x1b8: {  	[tilespmem:v2+s8+$0x0] =	vst.idx.add.f32.msk $0xffff, v1  }
0x1b9: {  	_ =	swait.ge [sflag:s25], $0x4000  }
0x1ba: {  	[sflag:s25] =	ssyncset.done $0x0  }
0x1bb: {  	s5 =	rddreg [dreg:$0x12];
	[sflag:s25] =	ssyncadd.s32 $0xFFFFC000  }
0x1bc: {  	[tilespmem:s0], [sflag:$0x2] =	stream.indirect.gather [hbm4b:s4+s30], $0x80, s5, s30, $0xb8;
	v63 =	vld [tilespmem:$0x0]  }
0x1bd: {  	s19 =	rddreg [dreg:$0x13]  }
0x1be: {  	[tilespmem:s6], [sflag:$0x2] =	stream.indirect.gather [hbm4b:s4+s30], $0x80, s19, s30, $0xb8;
	v63 =	vld [tilespmem:$0x0]  }
0x1bf: {  	_ =	swait.ge [sflag:s22], $0x2000  }
0x1c0: {  	[sflag:s22] =	ssyncset.done $0x0  }
0x1c1: {  	[sflag:s22] =	ssyncadd.s32 $0xFFFFE000  }
0x1c2: {  	_ =	swait.ge [sflag:s22], $0x2000  }
0x1c3: {  	[sflag:s22] =	ssyncset.done $0x0  }
0x1c4: {  	s19 =	rddreg [dreg:$0x14];
	[sflag:s22] =	ssyncadd.s32 $0xFFFFE000  }
0x1c5: {  	[spmem:s2] =	stream.indirect.scatter.add.f32 [tilespmem:s31], [sflag:$0x3], $0x80, s19, s7, $0xb8;
	v63 =	vld [tilespmem:$0x0]  }
0x1c6: {  	v2 =	vld [tilespmem:$0x14A00];
	_ =	sdelay $0x7  }
0x1c7: {  	[tilespmem:v2+s8+$0x0] =	vst.idx.add.f32.msk $0xffff, v1  }
0x1c8: {  	v2 =	vld [tilespmem:$0x14A10];
	_ =	sdelay $0x7  }
0x1c9: {  	[tilespmem:v2+s8+$0x0] =	vst.idx.add.f32.msk $0xffff, v1  }
0x1ca: {  	v2 =	vld [tilespmem:$0x14A20];
	_ =	sdelay $0x7  }
0x1cb: {  	[tilespmem:v2+s8+$0x0] =	vst.idx.add.f32.msk $0xffff, v1  }
0x1cc: {  	v2 =	vld [tilespmem:$0x14A30];
	_ =	sdelay $0x7  }
0x1cd: {  	[tilespmem:v2+s8+$0x0] =	vst.idx.add.f32.msk $0xffff, v1  }
0x1ce: {  	v2 =	vld [tilespmem:$0x14A40];
	_ =	sdelay $0x7  }
0x1cf: {  	[tilespmem:v2+s8+$0x0] =	vst.idx.add.f32.msk $0xffff, v1  }
0x1d0: {  	v2 =	vld [tilespmem:$0x14A50];
	_ =	sdelay $0x7  }
0x1d1: {  	[tilespmem:v2+s8+$0x0] =	vst.idx.add.f32.msk $0xffff, v1  }
0x1d2: {  	v2 =	vld [tilespmem:$0x14A60];
	_ =	sdelay $0x7  }
0x1d3: {  	[tilespmem:v2+s8+$0x0] =	vst.idx.add.f32.msk $0xffff, v1  }
0x1d4: {  	v2 =	vld [tilespmem:$0x14A70];
	_ =	sdelay $0x7  }
0x1d5: {  	[tilespmem:v2+s8+$0x0] =	vst.idx.add.f32.msk $0xffff, v1  }
0x1d6: {  	_ =	swait.ge [sflag:s24], $0x4000  }
0x1d7: {  	[sflag:s24] =	ssyncset.done $0x0  }
0x1d8: {  	s5 =	rddreg [dreg:$0x15];
	[sflag:s24] =	ssyncadd.s32 $0xFFFFC000  }
0x1d9: {  	[tilespmem:s31], [sflag:$0x1] =	stream.indirect.gather [hbm4b:s4+s30], $0x80, s5, s30, $0xb8;
	v63 =	vld [tilespmem:$0x0]  }
0x1da: {  	s19 =	rddreg [dreg:$0x16]  }
0x1db: {  	[tilespmem:s1], [sflag:$0x1] =	stream.indirect.gather [hbm4b:s4+s30], $0x80, s19, s30, $0xb8;
	v63 =	vld [tilespmem:$0x0]  }
0x1dc: {  	_ =	swait.ge [sflag:s23], $0x2000  }
0x1dd: {  	[sflag:s23] =	ssyncset.done $0x0  }
0x1de: {  	[sflag:s23] =	ssyncadd.s32 $0xFFFFE000  }
0x1df: {  	_ =	swait.ge [sflag:s23], $0x2000  }
0x1e0: {  	[sflag:s23] =	ssyncset.done $0x0  }
0x1e1: {  	s19 =	rddreg [dreg:$0x17];
	[sflag:s23] =	ssyncadd.s32 $0xFFFFE000  }
0x1e2: {  	[spmem:s2] =	stream.indirect.scatter.add.f32 [tilespmem:s0], [sflag:$0x4], $0x80, s19, s7, $0xb8;
	v63 =	vld [tilespmem:$0x0]  }
0x1e3: {  	v2 =	vld [tilespmem:$0x14A80];
	_ =	sdelay $0x7  }
0x1e4: {  	[tilespmem:v2+s8+$0x0] =	vst.idx.add.f32.msk $0xffff, v1  }
0x1e5: {  	v2 =	vld [tilespmem:$0x14A90];
	_ =	sdelay $0x7  }
0x1e6: {  	[tilespmem:v2+s8+$0x0] =	vst.idx.add.f32.msk $0xffff, v1  }
0x1e7: {  	v2 =	vld [tilespmem:$0x14AA0];
	_ =	sdelay $0x7  }
0x1e8: {  	[tilespmem:v2+s8+$0x0] =	vst.idx.add.f32.msk $0xffff, v1  }
0x1e9: {  	v2 =	vld [tilespmem:$0x14AB0];
	_ =	sdelay $0x7  }
0x1ea: {  	[tilespmem:v2+s8+$0x0] =	vst.idx.add.f32.msk $0xffff, v1  }
0x1eb: {  	v2 =	vld [tilespmem:$0x14AC0];
	_ =	sdelay $0x7  }
0x1ec: {  	[tilespmem:v2+s8+$0x0] =	vst.idx.add.f32.msk $0xffff, v1  }
0x1ed: {  	v2 =	vld [tilespmem:$0x14AD0];
	_ =	sdelay $0x7  }
0x1ee: {  	[tilespmem:v2+s8+$0x0] =	vst.idx.add.f32.msk $0xffff, v1  }
0x1ef: {  	v2 =	vld [tilespmem:$0x14AE0];
	_ =	sdelay $0x7  }
0x1f0: {  	[tilespmem:v2+s8+$0x0] =	vst.idx.add.f32.msk $0xffff, v1  }
0x1f1: {  	v2 =	vld [tilespmem:$0x14AF0];
	_ =	sdelay $0x7  }
0x1f2: {  	[tilespmem:v2+s8+$0x0] =	vst.idx.add.f32.msk $0xffff, v1  }
0x1f3: {  	_ =	swait.ge [sflag:s25], $0x4000  }
0x1f4: {  	[sflag:s25] =	ssyncset.done $0x0  }
0x1f5: {  	s5 =	rddreg [dreg:$0x18];
	[sflag:s25] =	ssyncadd.s32 $0xFFFFC000  }
0x1f6: {  	[tilespmem:s0], [sflag:$0x2] =	stream.indirect.gather [hbm4b:s4+s30], $0x80, s5, s30, $0xb8;
	v63 =	vld [tilespmem:$0x0]  }
0x1f7: {  	s19 =	rddreg [dreg:$0x19]  }
0x1f8: {  	[tilespmem:s6], [sflag:$0x2] =	stream.indirect.gather [hbm4b:s4+s30], $0x80, s19, s30, $0xb8;
	v63 =	vld [tilespmem:$0x0]  }
0x1f9: {  	_ =	swait.ge [sflag:s22], $0x2000  }
0x1fa: {  	[sflag:s22] =	ssyncset.done $0x0  }
0x1fb: {  	[sflag:s22] =	ssyncadd.s32 $0xFFFFE000  }
0x1fc: {  	_ =	swait.ge [sflag:s22], $0x2000  }
0x1fd: {  	[sflag:s22] =	ssyncset.done $0x0  }
0x1fe: {  	s19 =	rddreg [dreg:$0x1a];
	[sflag:s22] =	ssyncadd.s32 $0xFFFFE000  }
0x1ff: {  	[spmem:s2] =	stream.indirect.scatter.add.f32 [tilespmem:s31], [sflag:$0x3], $0x80, s19, s7, $0xb8;
	v63 =	vld [tilespmem:$0x0]  }
0x200: {  	v2 =	vld [tilespmem:$0x14B00];
	_ =	sdelay $0x7  }
0x201: {  	[tilespmem:v2+s8+$0x0] =	vst.idx.add.f32.msk $0xffff, v1  }
0x202: {  	v2 =	vld [tilespmem:$0x14B10];
	_ =	sdelay $0x7  }
0x203: {  	[tilespmem:v2+s8+$0x0] =	vst.idx.add.f32.msk $0xffff, v1  }
0x204: {  	v2 =	vld [tilespmem:$0x14B20];
	_ =	sdelay $0x7  }
0x205: {  	[tilespmem:v2+s8+$0x0] =	vst.idx.add.f32.msk $0xffff, v1  }
0x206: {  	v2 =	vld [tilespmem:$0x14B30];
	_ =	sdelay $0x7  }
0x207: {  	[tilespmem:v2+s8+$0x0] =	vst.idx.add.f32.msk $0xffff, v1  }
0x208: {  	v2 =	vld [tilespmem:$0x14B40];
	_ =	sdelay $0x7  }
0x209: {  	[tilespmem:v2+s8+$0x0] =	vst.idx.add.f32.msk $0xffff, v1  }
0x20a: {  	v2 =	vld [tilespmem:$0x14B50];
	_ =	sdelay $0x7  }
0x20b: {  	[tilespmem:v2+s8+$0x0] =	vst.idx.add.f32.msk $0xffff, v1  }
0x20c: {  	v2 =	vld [tilespmem:$0x14B60];
	_ =	sdelay $0x7  }
0x20d: {  	[tilespmem:v2+s8+$0x0] =	vst.idx.add.f32.msk $0xffff, v1  }
0x20e: {  	v2 =	vld [tilespmem:$0x14B70];
	_ =	sdelay $0x7  }
0x20f: {  	[tilespmem:v2+s8+$0x0] =	vst.idx.add.f32.msk $0xffff, v1  }
0x210: {  	_ =	swait.ge [sflag:s24], $0x4000  }
0x211: {  	[sflag:s24] =	ssyncset.done $0x0  }
0x212: {  	s5 =	rddreg [dreg:$0x1b];
	[sflag:s24] =	ssyncadd.s32 $0xFFFFC000  }
0x213: {  	[tilespmem:s31], [sflag:$0x1] =	stream.indirect.gather [hbm4b:s4+s30], $0x80, s5, s30, $0xb8;
	v63 =	vld [tilespmem:$0x0]  }
0x214: {  	s19 =	rddreg [dreg:$0x1c]  }
0x215: {  	[tilespmem:s1], [sflag:$0x1] =	stream.indirect.gather [hbm4b:s4+s30], $0x80, s19, s30, $0xb8;
	v63 =	vld [tilespmem:$0x0]  }
0x216: {  	_ =	swait.ge [sflag:s23], $0x2000  }
0x217: {  	[sflag:s23] =	ssyncset.done $0x0  }
0x218: {  	[sflag:s23] =	ssyncadd.s32 $0xFFFFE000  }
0x219: {  	_ =	swait.ge [sflag:s23], $0x2000  }
0x21a: {  	[sflag:s23] =	ssyncset.done $0x0  }
0x21b: {  	s19 =	rddreg [dreg:$0x1d];
	[sflag:s23] =	ssyncadd.s32 $0xFFFFE000  }
0x21c: {  	[spmem:s2] =	stream.indirect.scatter.add.f32 [tilespmem:s0], [sflag:$0x4], $0x80, s19, s7, $0xb8;
	v63 =	vld [tilespmem:$0x0]  }
0x21d: {  	v2 =	vld [tilespmem:$0x14B80];
	_ =	sdelay $0x7  }
0x21e: {  	[tilespmem:v2+s8+$0x0] =	vst.idx.add.f32.msk $0xffff, v1  }
0x21f: {  	v2 =	vld [tilespmem:$0x14B90];
	_ =	sdelay $0x7  }
0x220: {  	[tilespmem:v2+s8+$0x0] =	vst.idx.add.f32.msk $0xffff, v1  }
0x221: {  	v2 =	vld [tilespmem:$0x14BA0];
	_ =	sdelay $0x7  }
0x222: {  	[tilespmem:v2+s8+$0x0] =	vst.idx.add.f32.msk $0xffff, v1  }
0x223: {  	v2 =	vld [tilespmem:$0x14BB0];
	_ =	sdelay $0x7  }
0x224: {  	[tilespmem:v2+s8+$0x0] =	vst.idx.add.f32.msk $0xffff, v1  }
0x225: {  	v2 =	vld [tilespmem:$0x14BC0];
	_ =	sdelay $0x7  }
0x226: {  	[tilespmem:v2+s8+$0x0] =	vst.idx.add.f32.msk $0xffff, v1  }
0x227: {  	v2 =	vld [tilespmem:$0x14BD0];
	_ =	sdelay $0x7  }
0x228: {  	[tilespmem:v2+s8+$0x0] =	vst.idx.add.f32.msk $0xffff, v1  }
0x229: {  	v2 =	vld [tilespmem:$0x14BE0];
	_ =	sdelay $0x7  }
0x22a: {  	[tilespmem:v2+s8+$0x0] =	vst.idx.add.f32.msk $0xffff, v1  }
0x22b: {  	v2 =	vld [tilespmem:$0x14BF0];
	_ =	sdelay $0x7  }
0x22c: {  	[tilespmem:v2+s8+$0x0] =	vst.idx.add.f32.msk $0xffff, v1  }
0x22d: {  	_ =	swait.ge [sflag:s25], $0x4000  }
0x22e: {  	[sflag:s25] =	ssyncset.done $0x0  }
0x22f: {  	s5 =	rddreg [dreg:$0x1e];
	[sflag:s25] =	ssyncadd.s32 $0xFFFFC000  }
0x230: {  	[tilespmem:s0], [sflag:$0x2] =	stream.indirect.gather [hbm4b:s4+s30], $0x80, s5, s30, $0xb8;
	v63 =	vld [tilespmem:$0x0]  }
0x231: {  	s19 =	rddreg [dreg:$0x1f]  }
0x232: {  	[tilespmem:s6], [sflag:$0x2] =	stream.indirect.gather [hbm4b:s4+s30], $0x80, s19, s30, $0xb8;
	v63 =	vld [tilespmem:$0x0]  }
0x233: {  	_ =	swait.ge [sflag:s22], $0x2000  }
0x234: {  	[sflag:s22] =	ssyncset.done $0x0  }
0x235: {  	[sflag:s22] =	ssyncadd.s32 $0xFFFFE000  }
0x236: {  	_ =	swait.ge [sflag:s22], $0x2000  }
0x237: {  	s19 =	sld [smem:$0x7D1]  }
0x238: {  	[sflag:s22] =	ssyncset.done $0x0  }
0x239: {  	[sflag:s22] =	ssyncadd.s32 $0xFFFFE000  }
0x23a: {  	[spmem:s2] =	stream.indirect.scatter.add.f32 [tilespmem:s31], [sflag:$0x3], $0x80, s19, s7, $0xb8;
	v63 =	vld [tilespmem:$0x0]  }
0x23b: {  	v2 =	vld [tilespmem:$0x14C00];
	_ =	sdelay $0x7  }
0x23c: {  	[tilespmem:v2+s8+$0x0] =	vst.idx.add.f32.msk $0xffff, v1  }
0x23d: {  	v2 =	vld [tilespmem:$0x14C10];
	_ =	sdelay $0x7  }
0x23e: {  	[tilespmem:v2+s8+$0x0] =	vst.idx.add.f32.msk $0xffff, v1  }
0x23f: {  	v2 =	vld [tilespmem:$0x14C20];
	_ =	sdelay $0x7  }
0x240: {  	[tilespmem:v2+s8+$0x0] =	vst.idx.add.f32.msk $0xffff, v1  }
0x241: {  	v2 =	vld [tilespmem:$0x14C30];
	_ =	sdelay $0x7  }
0x242: {  	[tilespmem:v2+s8+$0x0] =	vst.idx.add.f32.msk $0xffff, v1  }
0x243: {  	v2 =	vld [tilespmem:$0x14C40];
	_ =	sdelay $0x7  }
0x244: {  	[tilespmem:v2+s8+$0x0] =	vst.idx.add.f32.msk $0xffff, v1  }
0x245: {  	v2 =	vld [tilespmem:$0x14C50];
	_ =	sdelay $0x7  }
0x246: {  	[tilespmem:v2+s8+$0x0] =	vst.idx.add.f32.msk $0xffff, v1  }
0x247: {  	v2 =	vld [tilespmem:$0x14C60];
	_ =	sdelay $0x7  }
0x248: {  	[tilespmem:v2+s8+$0x0] =	vst.idx.add.f32.msk $0xffff, v1  }
0x249: {  	v2 =	vld [tilespmem:$0x14C70];
	_ =	sdelay $0x7  }
0x24a: {  	[tilespmem:v2+s8+$0x0] =	vst.idx.add.f32.msk $0xffff, v1  }
0x24b: {  	_ =	swait.ge [sflag:s24], $0x4000  }
0x24c: {  	s5 =	sld [smem:$0x7D3]  }
0x24d: {  	[sflag:s24] =	ssyncset.done $0x0  }
0x24e: {  	s19 =	sld [smem:$0x7D5];
	[sflag:s24] =	ssyncadd.s32 $0xFFFFC000  }
0x24f: {  	[tilespmem:s31], [sflag:$0x1] =	stream.indirect.gather [hbm4b:s4+s30], $0x80, s5, s30, $0xb8;
	v63 =	vld [tilespmem:$0x0]  }
0x250: {  	_ = 	snop  }
0x251: {  	[tilespmem:s1], [sflag:$0x1] =	stream.indirect.gather [hbm4b:s4+s30], $0x80, s19, s30, $0xb8;
	v63 =	vld [tilespmem:$0x0]  }
0x252: {  	_ =	swait.ge [sflag:s23], $0x2000  }
0x253: {  	[sflag:s23] =	ssyncset.done $0x0  }
0x254: {  	[sflag:s23] =	ssyncadd.s32 $0xFFFFE000  }
0x255: {  	_ =	swait.ge [sflag:s23], $0x2000  }
0x256: {  	s19 =	sld [smem:$0x7D7]  }
0x257: {  	[sflag:s23] =	ssyncset.done $0x0  }
0x258: {  	[sflag:s23] =	ssyncadd.s32 $0xFFFFE000  }
0x259: {  	[spmem:s2] =	stream.indirect.scatter.add.f32 [tilespmem:s0], [sflag:$0x4], $0x80, s19, s7, $0xb8;
	v63 =	vld [tilespmem:$0x0]  }
0x25a: {  	v2 =	vld [tilespmem:$0x14C80];
	_ =	sdelay $0x7  }
0x25b: {  	[tilespmem:v2+s8+$0x0] =	vst.idx.add.f32.msk $0xffff, v1  }
0x25c: {  	v2 =	vld [tilespmem:$0x14C90];
	_ =	sdelay $0x7  }
0x25d: {  	[tilespmem:v2+s8+$0x0] =	vst.idx.add.f32.msk $0xffff, v1  }
0x25e: {  	v2 =	vld [tilespmem:$0x14CA0];
	_ =	sdelay $0x7  }
0x25f: {  	[tilespmem:v2+s8+$0x0] =	vst.idx.add.f32.msk $0xffff, v1  }
0x260: {  	v2 =	vld [tilespmem:$0x14CB0];
	_ =	sdelay $0x7  }
0x261: {  	[tilespmem:v2+s8+$0x0] =	vst.idx.add.f32.msk $0xffff, v1  }
0x262: {  	v2 =	vld [tilespmem:$0x14CC0];
	_ =	sdelay $0x7  }
0x263: {  	[tilespmem:v2+s8+$0x0] =	vst.idx.add.f32.msk $0xffff, v1  }
0x264: {  	v2 =	vld [tilespmem:$0x14CD0];
	_ =	sdelay $0x7  }
0x265: {  	[tilespmem:v2+s8+$0x0] =	vst.idx.add.f32.msk $0xffff, v1  }
0x266: {  	v2 =	vld [tilespmem:$0x14CE0];
	_ =	sdelay $0x7  }
0x267: {  	[tilespmem:v2+s8+$0x0] =	vst.idx.add.f32.msk $0xffff, v1  }
0x268: {  	v2 =	vld [tilespmem:$0x14CF0];
	_ =	sdelay $0x7  }
0x269: {  	[tilespmem:v2+s8+$0x0] =	vst.idx.add.f32.msk $0xffff, v1  }
0x26a: {  	_ =	swait.ge [sflag:s25], $0x4000  }
0x26b: {  	s5 =	sld [smem:$0x7D9]  }
0x26c: {  	[sflag:s25] =	ssyncset.done $0x0  }
0x26d: {  	s19 =	sld [smem:$0x7DB];
	[sflag:s25] =	ssyncadd.s32 $0xFFFFC000  }
0x26e: {  	[tilespmem:s0], [sflag:$0x2] =	stream.indirect.gather [hbm4b:s4+s30], $0x80, s5, s30, $0xb8;
	v63 =	vld [tilespmem:$0x0]  }
0x26f: {  	_ = 	snop  }
0x270: {  	[tilespmem:s6], [sflag:$0x2] =	stream.indirect.gather [hbm4b:s4+s30], $0x80, s19, s30, $0xb8;
	v63 =	vld [tilespmem:$0x0]  }
0x271: {  	_ =	swait.ge [sflag:s22], $0x2000  }
0x272: {  	[sflag:s22] =	ssyncset.done $0x0  }
0x273: {  	[sflag:s22] =	ssyncadd.s32 $0xFFFFE000  }
0x274: {  	_ =	swait.ge [sflag:s22], $0x2000  }
0x275: {  	s19 =	sld [smem:$0x7DD]  }
0x276: {  	[sflag:s22] =	ssyncset.done $0x0  }
0x277: {  	[sflag:s22] =	ssyncadd.s32 $0xFFFFE000  }
0x278: {  	[spmem:s2] =	stream.indirect.scatter.add.f32 [tilespmem:s31], [sflag:$0x3], $0x80, s19, s7, $0xb8;
	v63 =	vld [tilespmem:$0x0]  }
0x279: {  	v2 =	vld [tilespmem:$0x14D00];
	_ =	sdelay $0x7  }
0x27a: {  	[tilespmem:v2+s8+$0x0] =	vst.idx.add.f32.msk $0xffff, v1  }
0x27b: {  	v2 =	vld [tilespmem:$0x14D10];
	_ =	sdelay $0x7  }
0x27c: {  	[tilespmem:v2+s8+$0x0] =	vst.idx.add.f32.msk $0xffff, v1  }
0x27d: {  	v2 =	vld [tilespmem:$0x14D20];
	_ =	sdelay $0x7  }
0x27e: {  	[tilespmem:v2+s8+$0x0] =	vst.idx.add.f32.msk $0xffff, v1  }
0x27f: {  	v2 =	vld [tilespmem:$0x14D30];
	_ =	sdelay $0x7  }
0x280: {  	[tilespmem:v2+s8+$0x0] =	vst.idx.add.f32.msk $0xffff, v1  }
0x281: {  	v2 =	vld [tilespmem:$0x14D40];
	_ =	sdelay $0x7  }
0x282: {  	[tilespmem:v2+s8+$0x0] =	vst.idx.add.f32.msk $0xffff, v1  }
0x283: {  	v2 =	vld [tilespmem:$0x14D50];
	_ =	sdelay $0x7  }
0x284: {  	[tilespmem:v2+s8+$0x0] =	vst.idx.add.f32.msk $0xffff, v1  }
0x285: {  	v2 =	vld [tilespmem:$0x14D60];
	_ =	sdelay $0x7  }
0x286: {  	[tilespmem:v2+s8+$0x0] =	vst.idx.add.f32.msk $0xffff, v1  }
0x287: {  	v2 =	vld [tilespmem:$0x14D70];
	_ =	sdelay $0x7  }
0x288: {  	[tilespmem:v2+s8+$0x0] =	vst.idx.add.f32.msk $0xffff, v1  }
0x289: {  	_ =	swait.ge [sflag:s24], $0x4000  }
0x28a: {  	s5 =	sld [smem:$0x7DF]  }
0x28b: {  	[sflag:s24] =	ssyncset.done $0x0  }
0x28c: {  	s19 =	sld [smem:$0x7E1];
	[sflag:s24] =	ssyncadd.s32 $0xFFFFC000  }
0x28d: {  	[tilespmem:s31], [sflag:$0x1] =	stream.indirect.gather [hbm4b:s4+s30], $0x80, s5, s30, $0xb8;
	v63 =	vld [tilespmem:$0x0]  }
0x28e: {  	_ = 	snop  }
0x28f: {  	[tilespmem:s1], [sflag:$0x1] =	stream.indirect.gather [hbm4b:s4+s30], $0x80, s19, s30, $0xb8;
	v63 =	vld [tilespmem:$0x0]  }
0x290: {  	_ =	swait.ge [sflag:s23], $0x2000  }
0x291: {  	[sflag:s23] =	ssyncset.done $0x0  }
0x292: {  	[sflag:s23] =	ssyncadd.s32 $0xFFFFE000  }
0x293: {  	_ =	swait.ge [sflag:s23], $0x2000  }
0x294: {  	s19 =	sld [smem:$0x7E2]  }
0x295: {  	[sflag:s23] =	ssyncset.done $0x0  }
0x296: {  	[sflag:s23] =	ssyncadd.s32 $0xFFFFE000  }
0x297: {  	[spmem:s2] =	stream.indirect.scatter.add.f32 [tilespmem:s0], [sflag:$0x4], $0x80, s19, s7, $0xb8;
	v63 =	vld [tilespmem:$0x0]  }
0x298: {  	v2 =	vld [tilespmem:$0x14D80];
	_ =	sdelay $0x7  }
0x299: {  	[tilespmem:v2+s8+$0x0] =	vst.idx.add.f32.msk $0xffff, v1  }
0x29a: {  	v2 =	vld [tilespmem:$0x14D90];
	_ =	sdelay $0x7  }
0x29b: {  	[tilespmem:v2+s8+$0x0] =	vst.idx.add.f32.msk $0xffff, v1  }
0x29c: {  	v2 =	vld [tilespmem:$0x14DA0];
	_ =	sdelay $0x7  }
0x29d: {  	[tilespmem:v2+s8+$0x0] =	vst.idx.add.f32.msk $0xffff, v1  }
0x29e: {  	v2 =	vld [tilespmem:$0x14DB0];
	_ =	sdelay $0x7  }
0x29f: {  	[tilespmem:v2+s8+$0x0] =	vst.idx.add.f32.msk $0xffff, v1  }
0x2a0: {  	v2 =	vld [tilespmem:$0x14DC0];
	_ =	sdelay $0x7  }
0x2a1: {  	[tilespmem:v2+s8+$0x0] =	vst.idx.add.f32.msk $0xffff, v1  }
0x2a2: {  	v2 =	vld [tilespmem:$0x14DD0];
	_ =	sdelay $0x7  }
0x2a3: {  	[tilespmem:v2+s8+$0x0] =	vst.idx.add.f32.msk $0xffff, v1  }
0x2a4: {  	v2 =	vld [tilespmem:$0x14DE0];
	_ =	sdelay $0x7  }
0x2a5: {  	[tilespmem:v2+s8+$0x0] =	vst.idx.add.f32.msk $0xffff, v1  }
0x2a6: {  	v2 =	vld [tilespmem:$0x14DF0];
	_ =	sdelay $0x7  }
0x2a7: {  	[tilespmem:v2+s8+$0x0] =	vst.idx.add.f32.msk $0xffff, v1  }
0x2a8: {  	_ =	swait.ge [sflag:s25], $0x4000  }
0x2a9: {  	[sflag:s25] =	ssyncset.done $0x0  }
0x2aa: {  	[sflag:s25] =	ssyncadd.s32 $0xFFFFC000  }
0x2ab: {  	[tilespmem:s0], [sflag:$0x2] =	stream.indirect.gather [hbm4b:s4+s30], $0x80, s9, s30, $0xb8;
	v63 =	vld [tilespmem:$0x0]  }
0x2ac: {  	_ = 	snop  }
0x2ad: {  	[tilespmem:s6], [sflag:$0x2] =	stream.indirect.gather [hbm4b:s4+s30], $0x80, s10, s30, $0xb8;
	v63 =	vld [tilespmem:$0x0]  }
0x2ae: {  	_ =	swait.ge [sflag:s22], $0x2000  }
0x2af: {  	[sflag:s22] =	ssyncset.done $0x0  }
0x2b0: {  	[sflag:s22] =	ssyncadd.s32 $0xFFFFE000  }
0x2b1: {  	_ =	swait.ge [sflag:s22], $0x2000  }
0x2b2: {  	[sflag:s22] =	ssyncset.done $0x0  }
0x2b3: {  	[sflag:s22] =	ssyncadd.s32 $0xFFFFE000  }
0x2b4: {  	[spmem:s2] =	stream.indirect.scatter.add.f32 [tilespmem:s31], [sflag:$0x3], $0x80, s11, s7, $0xb8;
	v63 =	vld [tilespmem:$0x0]  }
0x2b5: {  	v2 =	vld [tilespmem:$0x14E00];
	_ =	sdelay $0x7  }
0x2b6: {  	[tilespmem:v2+s8+$0x0] =	vst.idx.add.f32.msk $0xffff, v1  }
0x2b7: {  	v2 =	vld [tilespmem:$0x14E10];
	_ =	sdelay $0x7  }
0x2b8: {  	[tilespmem:v2+s8+$0x0] =	vst.idx.add.f32.msk $0xffff, v1  }
0x2b9: {  	v2 =	vld [tilespmem:$0x14E20];
	_ =	sdelay $0x7  }
0x2ba: {  	[tilespmem:v2+s8+$0x0] =	vst.idx.add.f32.msk $0xffff, v1  }
0x2bb: {  	v2 =	vld [tilespmem:$0x14E30];
	_ =	sdelay $0x7  }
0x2bc: {  	[tilespmem:v2+s8+$0x0] =	vst.idx.add.f32.msk $0xffff, v1  }
0x2bd: {  	v2 =	vld [tilespmem:$0x14E40];
	_ =	sdelay $0x7  }
0x2be: {  	[tilespmem:v2+s8+$0x0] =	vst.idx.add.f32.msk $0xffff, v1  }
0x2bf: {  	v2 =	vld [tilespmem:$0x14E50];
	_ =	sdelay $0x7  }
0x2c0: {  	[tilespmem:v2+s8+$0x0] =	vst.idx.add.f32.msk $0xffff, v1  }
0x2c1: {  	v2 =	vld [tilespmem:$0x14E60];
	_ =	sdelay $0x7  }
0x2c2: {  	[tilespmem:v2+s8+$0x0] =	vst.idx.add.f32.msk $0xffff, v1  }
0x2c3: {  	v2 =	vld [tilespmem:$0x14E70];
	_ =	sdelay $0x7  }
0x2c4: {  	[tilespmem:v2+s8+$0x0] =	vst.idx.add.f32.msk $0xffff, v1  }
0x2c5: {  	_ =	swait.ge [sflag:s24], $0x4000  }
0x2c6: {  	[sflag:s24] =	ssyncset.done $0x0  }
0x2c7: {  	[sflag:s24] =	ssyncadd.s32 $0xFFFFC000  }
0x2c8: {  	[tilespmem:s31], [sflag:$0x1] =	stream.indirect.gather [hbm4b:s4+s30], $0x80, s12, s30, $0xb8;
	v63 =	vld [tilespmem:$0x0]  }
0x2c9: {  	_ = 	snop  }
0x2ca: {  	[tilespmem:s1], [sflag:$0x1] =	stream.indirect.gather [hbm4b:s4+s30], $0x80, s13, s30, $0xb8;
	v63 =	vld [tilespmem:$0x0]  }
0x2cb: {  	_ =	swait.ge [sflag:s23], $0x2000  }
0x2cc: {  	[sflag:s23] =	ssyncset.done $0x0  }
0x2cd: {  	[sflag:s23] =	ssyncadd.s32 $0xFFFFE000  }
0x2ce: {  	_ =	swait.ge [sflag:s23], $0x2000  }
0x2cf: {  	[sflag:s23] =	ssyncset.done $0x0  }
0x2d0: {  	[sflag:s23] =	ssyncadd.s32 $0xFFFFE000  }
0x2d1: {  	[spmem:s2] =	stream.indirect.scatter.add.f32 [tilespmem:s0], [sflag:$0x4], $0x80, s14, s7, $0xb8;
	v63 =	vld [tilespmem:$0x0]  }
0x2d2: {  	v2 =	vld [tilespmem:$0x14E80];
	_ =	sdelay $0x7  }
0x2d3: {  	[tilespmem:v2+s8+$0x0] =	vst.idx.add.f32.msk $0xffff, v1  }
0x2d4: {  	v2 =	vld [tilespmem:$0x14E90];
	_ =	sdelay $0x7  }
0x2d5: {  	[tilespmem:v2+s8+$0x0] =	vst.idx.add.f32.msk $0xffff, v1  }
0x2d6: {  	v2 =	vld [tilespmem:$0x14EA0];
	_ =	sdelay $0x7  }
0x2d7: {  	[tilespmem:v2+s8+$0x0] =	vst.idx.add.f32.msk $0xffff, v1  }
0x2d8: {  	v2 =	vld [tilespmem:$0x14EB0];
	_ =	sdelay $0x7  }
0x2d9: {  	[tilespmem:v2+s8+$0x0] =	vst.idx.add.f32.msk $0xffff, v1  }
0x2da: {  	v2 =	vld [tilespmem:$0x14EC0];
	_ =	sdelay $0x7  }
0x2db: {  	[tilespmem:v2+s8+$0x0] =	vst.idx.add.f32.msk $0xffff, v1  }
0x2dc: {  	v2 =	vld [tilespmem:$0x14ED0];
	_ =	sdelay $0x7  }
0x2dd: {  	[tilespmem:v2+s8+$0x0] =	vst.idx.add.f32.msk $0xffff, v1  }
0x2de: {  	v2 =	vld [tilespmem:$0x14EE0];
	_ =	sdelay $0x7  }
0x2df: {  	[tilespmem:v2+s8+$0x0] =	vst.idx.add.f32.msk $0xffff, v1  }
0x2e0: {  	v2 =	vld [tilespmem:$0x14EF0];
	_ =	sdelay $0x7  }
0x2e1: {  	[tilespmem:v2+s8+$0x0] =	vst.idx.add.f32.msk $0xffff, v1  }
0x2e2: {  	_ =	swait.ge [sflag:s25], $0x4000  }
0x2e3: {  	[sflag:s25] =	ssyncset.done $0x0  }
0x2e4: {  	[sflag:s25] =	ssyncadd.s32 $0xFFFFC000  }
0x2e5: {  	[tilespmem:s0], [sflag:$0x2] =	stream.indirect.gather [hbm4b:s4+s30], $0x80, s15, s30, $0xb8;
	v63 =	vld [tilespmem:$0x0]  }
0x2e6: {  	_ = 	snop  }
0x2e7: {  	[tilespmem:s6], [sflag:$0x2] =	stream.indirect.gather [hbm4b:s4+s30], $0x80, s16, s30, $0xb8;
	v63 =	vld [tilespmem:$0x0]  }
0x2e8: {  	_ =	swait.ge [sflag:s22], $0x2000  }
0x2e9: {  	[sflag:s22] =	ssyncset.done $0x0  }
0x2ea: {  	[sflag:s22] =	ssyncadd.s32 $0xFFFFE000  }
0x2eb: {  	_ =	swait.ge [sflag:s22], $0x2000  }
0x2ec: {  	[sflag:s22] =	ssyncset.done $0x0  }
0x2ed: {  	[sflag:s22] =	ssyncadd.s32 $0xFFFFE000  }
0x2ee: {  	[spmem:s2] =	stream.indirect.scatter.add.f32 [tilespmem:s31], [sflag:$0x3], $0x80, s17, s7, $0xb8;
	v63 =	vld [tilespmem:$0x0]  }
0x2ef: {  	v2 =	vld [tilespmem:$0x14F00];
	_ =	sdelay $0x7  }
0x2f0: {  	[tilespmem:v2+s8+$0x0] =	vst.idx.add.f32.msk $0xffff, v1  }
0x2f1: {  	v2 =	vld [tilespmem:$0x14F10];
	_ =	sdelay $0x7  }
0x2f2: {  	[tilespmem:v2+s8+$0x0] =	vst.idx.add.f32.msk $0xffff, v1  }
0x2f3: {  	v2 =	vld [tilespmem:$0x14F20];
	_ =	sdelay $0x7  }
0x2f4: {  	[tilespmem:v2+s8+$0x0] =	vst.idx.add.f32.msk $0xffff, v1  }
0x2f5: {  	v2 =	vld [tilespmem:$0x14F30];
	_ =	sdelay $0x7  }
0x2f6: {  	[tilespmem:v2+s8+$0x0] =	vst.idx.add.f32.msk $0xffff, v1  }
0x2f7: {  	v2 =	vld [tilespmem:$0x14F40];
	_ =	sdelay $0x7  }
0x2f8: {  	[tilespmem:v2+s8+$0x0] =	vst.idx.add.f32.msk $0xffff, v1  }
0x2f9: {  	v2 =	vld [tilespmem:$0x14F50];
	_ =	sdelay $0x7  }
0x2fa: {  	[tilespmem:v2+s8+$0x0] =	vst.idx.add.f32.msk $0xffff, v1  }
0x2fb: {  	v2 =	vld [tilespmem:$0x14F60];
	_ =	sdelay $0x7  }
0x2fc: {  	[tilespmem:v2+s8+$0x0] =	vst.idx.add.f32.msk $0xffff, v1  }
0x2fd: {  	v2 =	vld [tilespmem:$0x14F70];
	_ =	sdelay $0x7  }
0x2fe: {  	[tilespmem:v2+s8+$0x0] =	vst.idx.add.f32.msk $0xffff, v1  }
0x2ff: {  	_ =	swait.ge [sflag:s24], $0x4000  }
0x300: {  	[sflag:s24] =	ssyncset.done $0x0  }
0x301: {  	[sflag:s24] =	ssyncadd.s32 $0xFFFFC000  }
0x302: {  	_ =	swait.ge [sflag:s23], $0x2000  }
0x303: {  	[sflag:s23] =	ssyncset.done $0x0  }
0x304: {  	[sflag:s23] =	ssyncadd.s32 $0xFFFFE000  }
0x305: {  	_ =	swait.ge [sflag:s23], $0x2000  }
0x306: {  	[sflag:s23] =	ssyncset.done $0x0  }
0x307: {  	[sflag:s23] =	ssyncadd.s32 $0xFFFFE000  }
0x308: {  	[spmem:s2] =	stream.indirect.scatter.add.f32 [tilespmem:s0], [sflag:$0x4], $0x80, s18, s7, $0xb8;
	v63 =	vld [tilespmem:$0x0]  }
0x309: {  	v2 =	vld [tilespmem:$0x14F80];
	_ =	sdelay $0x7  }
0x30a: {  	[tilespmem:v2+s8+$0x0] =	vst.idx.add.f32.msk $0xffff, v1  }
0x30b: {  	v2 =	vld [tilespmem:$0x14F90];
	_ =	sdelay $0x7  }
0x30c: {  	[tilespmem:v2+s8+$0x0] =	vst.idx.add.f32.msk $0xffff, v1  }
0x30d: {  	v2 =	vld [tilespmem:$0x14FA0];
	_ =	sdelay $0x7  }
0x30e: {  	[tilespmem:v2+s8+$0x0] =	vst.idx.add.f32.msk $0xffff, v1  }
0x30f: {  	v2 =	vld [tilespmem:$0x14FB0];
	_ =	sdelay $0x7  }
0x310: {  	[tilespmem:v2+s8+$0x0] =	vst.idx.add.f32.msk $0xffff, v1  }
0x311: {  	v2 =	vld [tilespmem:$0x14FC0];
	_ =	sdelay $0x7  }
0x312: {  	[tilespmem:v2+s8+$0x0] =	vst.idx.add.f32.msk $0xffff, v1  }
0x313: {  	v2 =	vld [tilespmem:$0x14FD0];
	_ =	sdelay $0x7  }
0x314: {  	[tilespmem:v2+s8+$0x0] =	vst.idx.add.f32.msk $0xffff, v1  }
0x315: {  	v2 =	vld [tilespmem:$0x14FE0];
	_ =	sdelay $0x7  }
0x316: {  	[tilespmem:v2+s8+$0x0] =	vst.idx.add.f32.msk $0xffff, v1  }
0x317: {  	v2 =	vld [tilespmem:$0x14FF0];
	_ =	sdelay $0x5  }
0x318: {  	p0 =	sne.s32 s20, $0x400  }
.Ltmp2:
0x319: {  	_ = 	snop;
	(pc) =	sbr.rel @p0 .LBB2_6-.Ltmp2, $4  }
0x31a: {  	[tilespmem:v2+s8+$0x0] =	vst.idx.add.f32.msk $0xffff, v1  }
0x31b: {  	_ =	swait.ge [sflag:s25], $0x4000  }
0x31c: {  	[sflag:s25] =	ssyncset.done $0x0  }
0x31d: {  	s20 =	sadd.s32 $0x100, s20;
	[sflag:s25] =	ssyncadd.s32 $0xFFFFC000  }
0x31e: {  	[bflag:$0x0] =	sbarrier.arrive $0xFFFF  }
0x31f: {  	s19 =	sld [smem:$0x7FC]  }
0x320: {  	s5 =	stileid.u32;
	s20 =	sld [smem:$0x7E4]  }
0x321: {  	s5 =	sshll.u32 s5, $0x6  }
0x322: {  	s5 =	sor.u32 $0x1C05, s5;
	s19 =	sshrl.u32 s19, $0x3  }
0x323: {  	[hbm:s20], [sflag:s5] =	dma.local [spmem:s19], $0x2800  }
0x324: {  	_ =	swait.ge [sflag:s28], $0x2800  }
0x325: {  	s19 =	sld [smem:$0x7E5]  }
0x326: {  	[sflag:s28] =	ssyncset.done $0x0  }
0x327: {  	s20 =	simm.s32 $0x400;
	[sflag:s28] =	ssyncadd.s32 $0xFFFFD800  }
0x328: {  	[hbm4b:s19+s7] =	stream.strided.scatter [tilespmem:s8], [sflag:$0x5], $0x2800, s20, s7, $0x38;
	v63 =	vld [tilespmem:$0x0]  }
0x329: {  	_ =	swait.ge [sflag:s28], $0x2800  }
0x32a: {  	s5 =	sld [smem:$0x7C8]  }
0x32b: {  	s20 =	sld [smem:$0x7E6];
	_ =	sdelay $0x1  }
0x32c: {  	s19 =	sadd.s32 $0x1, s5  }
0x32d: {  	p0 =	sne.s32 s19, s20  }
.Ltmp3:
0x32e: {  	_ = 	snop;
	(pc) =	sbr.rel @p0 .LBB2_1-.Ltmp3, $3  }
0x32f: {  	_ =	sdelay $0x1  }
0x330: {  	[sflag:s28] =	ssyncset.done $0x0  }
0x331: {  	[sflag:s28] =	ssyncadd.s32 $0xFFFFD800  }
0x332: {  	_ =	sfence.sel $0x180000  }
0x333: {  	[bflag:$0x0] =	sbarrier.arrive $0xFFFF  }
0x334: {  	_ =	strace $0x90000047  }
0x335: {  	s0 =	stileid.u32;
	[bflag:$0x2] =	sbarrier.arrive $0xFFFF  }
0x336: {  	p0 =	sne.s32 s0, $0x0;
	s0 =	rddreg [dreg:$0x3]  }
0x337: {  	s0 =	sadd.s32 @!p0 $0x100000, s0  }
0x338: {  	[sflag:s0] =	ssyncadd.tile.s32 @!p0 $0x1;
	_ =	shalt  }
.Lfunc_end2:
_tile_overlayer_lowered:
.L_overlay_start_2:
0x339: {  	(tag) =	ssettag $0x2  }
0x33a: {  	s0 =	rddreg [dreg:$0x0];
	s2 =	stileid.u32  }
0x33b: {  	s1 =	rddreg [dreg:$0x1];
	p0 =	sne.s32 s2, $0x0  }
0x33c: {  	s3 =	rddreg [dreg:$0x2];
	[bflag:$0x3] =	sbarrier.arrive $0xFFFF;
	s2 =	simm.s32 @!p0 $0x1C05  }
0x33d: {  	[timem:s3], [sflag:s2] =	dma.local @!p0 [hbm:s0], s1  }
0x33e: {  	s0 =	simm.s32 @!p0 $0x5  }
0x33f: {  	_ =	swait.ge @!p0 [sflag:s0], s1  }
0x340: {  	s1 =	ssub.s32 @!p0 $0x0, s1;
	[sflag:s0] =	ssyncset.done @!p0 $0x0  }
0x341: {  	[sflag:s0] =	ssyncadd.s32 @!p0 s1  }
0x342: {  	[bflag:$0x3] =	sbarrier.arrive $0xFFFF  }
0x343: {  	_ =	shalt  }

</sc_bundles>
